<compile_context>
chip_gen: v7x
topology: tpu7x:2x2x1
jax: 0.10.2.dev20260603
libtpu: 0.0.44.dev20260713+nightly
codegen_flags: <defaults>
</compile_context>

<pallas_src>
import functools

import jax
import jax.numpy as jnp
from jax import lax
from jax.experimental import pallas as pl
from jax.experimental.pallas import tpu as pltpu
from jax.experimental.pallas import tpu_sc as plsc

D_MODEL = 1024
VOCAB = 8192
LANES = 16
NC = 2
NS = 16
NW = NC * NS
CHUNK = 8
NG = 4
NX = 8
SLICES = D_MODEL // LANES


def _sc_body(rows, x_hbm, pos_hbm, emb_hbm, out_hbm, *refs):
  idx_v = refs[0]
  embs = refs[1:1 + NG]
  xs = refs[1 + NG:1 + NG + NX]
  sems_g = refs[1 + NG + NX:1 + 2 * NG + NX]
  sems_x = refs[1 + 2 * NG + NX:1 + 2 * NG + 2 * NX]
  sems_o = refs[1 + 2 * NG + 2 * NX:1 + 2 * NG + 3 * NX]

  per_w = rows // NW
  nch = per_w // CHUNK
  wid = lax.axis_index("s") * NC + lax.axis_index("c")
  base_w = wid * per_w

  pltpu.sync_copy(pos_hbm.at[pl.ds(base_w, per_w)], idx_v)
  for j in range(per_w // LANES):
    sl = pl.ds(j * LANES, LANES)
    idx_v[sl] = jnp.clip(idx_v[sl], 0, VOCAB - 1)

  def fetch_g(ci, b):
    pltpu.async_copy(emb_hbm.at[idx_v.at[pl.ds(ci * CHUNK, CHUNK)]],
                     embs[b], sems_g[b])

  def fetch_x(ci, bx):
    pltpu.async_copy(x_hbm.at[pl.ds(base_w + ci * CHUNK, CHUNK)],
                     xs[bx], sems_x[bx])

  for b in range(NG):
    fetch_g(b, b)
    fetch_x(b, b)

  @pl.loop(0, nch // NX)
  def pipeline(k):
    for u in range(NX):
      b = u % NG
      ci = k * NX + u
      pltpu.make_async_copy(emb_hbm.at[idx_v.at[pl.ds(0, CHUNK)]],
                            embs[b], sems_g[b]).wait()
      pltpu.make_async_copy(x_hbm.at[pl.ds(0, CHUNK)], xs[u],
                            sems_x[u]).wait()

      @pl.loop(0, CHUNK)
      def row_step(r):
        @pl.loop(0, SLICES, unroll=8)
        def lane_step(l):
          sl = pl.ds(l * LANES, LANES)
          plsc.addupdate(xs[u].at[r, sl], embs[b][r, sl])

      @pl.when(ci + NG < nch)
      def _prefetch_g():
        fetch_g(ci + NG, b)

      pltpu.async_copy(xs[u], out_hbm.at[pl.ds(base_w + ci * CHUNK, CHUNK)],
                       sems_o[u])

      un = (u + NG) % NX

      @pl.when(ci + NG < nch)
      def _prefetch_x():
        if u < NG:
          @pl.when(k > 0)
          def _wait_prev():
            pltpu.make_async_copy(xs[un], out_hbm.at[pl.ds(0, CHUNK)],
                                  sems_o[un]).wait()
        else:
          pltpu.make_async_copy(xs[un], out_hbm.at[pl.ds(0, CHUNK)],
                                sems_o[un]).wait()
        fetch_x(ci + NG, un)

  for u in range(NX):
    pltpu.make_async_copy(xs[u], out_hbm.at[pl.ds(0, CHUNK)],
                          sems_o[u]).wait()


@jax.jit
def kernel(x, positions, embeddings):
  b, s, d = x.shape
  rows = b * s
  xf = x.reshape(rows, d)
  posf = positions.reshape(rows).astype(jnp.int32)

  call = pl.kernel(
      functools.partial(_sc_body, rows),
      out_type=jax.ShapeDtypeStruct((rows, d), jnp.float32),
      mesh=plsc.VectorSubcoreMesh(core_axis_name="c", subcore_axis_name="s"),
      scratch_types=(
          [pltpu.VMEM((rows // NW,), jnp.int32)]
          + [pltpu.VMEM((CHUNK, D_MODEL), jnp.float32) for _ in range(NG + NX)]
          + [pltpu.SemaphoreType.DMA for _ in range(NG + 2 * NX)]
      ),
  )
  out = call(xf, posf, embeddings)
  return out.reshape(b, s, d)

# --- scband reference (transcript-rebuilt; emitter-appended) ---
"""Pipeline reference for scband-learned-positional-encoding-51049981281113 (READ-ONLY COPY).

The authoritative reference and input builder live on the scoring server;
editing this copy changes nothing except your own understanding.
"""

import jax, jax.numpy as jnp
import numpy as np

D_MODEL = 1024
MAX_LENGTH = 8192
BATCH = 4
SEQ_LEN = 4096

def setup_inputs(seed: int = 0) -> dict:
    key = jax.random.key(seed)
    k1, k2, k3 = jax.random.split(key, 3)
    x = jax.random.normal(k1, (BATCH, SEQ_LEN, D_MODEL), dtype=jnp.float32)
    positions = jax.random.randint(k2, (BATCH, SEQ_LEN), 0, MAX_LENGTH, dtype=jnp.int64 if jax.config.jax_enable_x64 else jnp.int32)
    # nn.Embedding default init: N(0, 1)
    embeddings = jax.random.normal(k3, (MAX_LENGTH, D_MODEL), dtype=jnp.float32)
    return {"x": x, "positions": positions, "embeddings": embeddings}

def reference(x, positions, embeddings):
    # clamp positions to valid range
    pos = jnp.clip(positions, 0, MAX_LENGTH - 1)
    # embedding lookup (gather)
    pos_emb = jnp.take(embeddings, pos, axis=0)  # (B, S, D)
    out = x + pos_emb
    # dropout is identity in eval mode
    return out

if __name__ == "__main__":
    import jax
    _d = setup_inputs()
    print(jax.jit(kernel)(*tuple(_d.values())))

</pallas_src>

<mosaic_0001>
#map = affine_map<(d0, d1) -> (0, 0)>
#map1 = affine_map<(d0, d1) -> (0)>
module attributes {stable_mosaic.version = 14 : i64} {
  func.func @_sc_body(%arg0: i32, %arg1: i32, %arg2: memref<16384x1024xf32, #tpu.memory_space<hbm>>, %arg3: memref<16384xi32, #tpu.memory_space<hbm>>, %arg4: memref<8192x1024xf32, #tpu.memory_space<hbm>>, %arg5: memref<16384x1024xf32, #tpu.memory_space<hbm>>, %arg6: memref<512xi32, #tpu.memory_space<vmem>>, %arg7: memref<8x1024xf32, #tpu.memory_space<vmem>>, %arg8: memref<8x1024xf32, #tpu.memory_space<vmem>>, %arg9: memref<8x1024xf32, #tpu.memory_space<vmem>>, %arg10: memref<8x1024xf32, #tpu.memory_space<vmem>>, %arg11: memref<8x1024xf32, #tpu.memory_space<vmem>>, %arg12: memref<8x1024xf32, #tpu.memory_space<vmem>>, %arg13: memref<8x1024xf32, #tpu.memory_space<vmem>>, %arg14: memref<8x1024xf32, #tpu.memory_space<vmem>>, %arg15: memref<8x1024xf32, #tpu.memory_space<vmem>>, %arg16: memref<8x1024xf32, #tpu.memory_space<vmem>>, %arg17: memref<8x1024xf32, #tpu.memory_space<vmem>>, %arg18: memref<8x1024xf32, #tpu.memory_space<vmem>>, %arg19: memref<!tpu.dma_semaphore, #tpu.memory_space<semaphore_mem>>, %arg20: memref<!tpu.dma_semaphore, #tpu.memory_space<semaphore_mem>>, %arg21: memref<!tpu.dma_semaphore, #tpu.memory_space<semaphore_mem>>, %arg22: memref<!tpu.dma_semaphore, #tpu.memory_space<semaphore_mem>>, %arg23: memref<!tpu.dma_semaphore, #tpu.memory_space<semaphore_mem>>, %arg24: memref<!tpu.dma_semaphore, #tpu.memory_space<semaphore_mem>>, %arg25: memref<!tpu.dma_semaphore, #tpu.memory_space<semaphore_mem>>, %arg26: memref<!tpu.dma_semaphore, #tpu.memory_space<semaphore_mem>>, %arg27: memref<!tpu.dma_semaphore, #tpu.memory_space<semaphore_mem>>, %arg28: memref<!tpu.dma_semaphore, #tpu.memory_space<semaphore_mem>>, %arg29: memref<!tpu.dma_semaphore, #tpu.memory_space<semaphore_mem>>, %arg30: memref<!tpu.dma_semaphore, #tpu.memory_space<semaphore_mem>>, %arg31: memref<!tpu.dma_semaphore, #tpu.memory_space<semaphore_mem>>, %arg32: memref<!tpu.dma_semaphore, #tpu.memory_space<semaphore_mem>>, %arg33: memref<!tpu.dma_semaphore, #tpu.memory_space<semaphore_mem>>, %arg34: memref<!tpu.dma_semaphore, #tpu.memory_space<semaphore_mem>>, %arg35: memref<!tpu.dma_semaphore, #tpu.memory_space<semaphore_mem>>, %arg36: memref<!tpu.dma_semaphore, #tpu.memory_space<semaphore_mem>>, %arg37: memref<!tpu.dma_semaphore, #tpu.memory_space<semaphore_mem>>, %arg38: memref<!tpu.dma_semaphore, #tpu.memory_space<semaphore_mem>>) attributes {dimension_semantics = [#tpu.dimension_semantics<core_parallel>, #tpu.dimension_semantics<subcore_parallel>], iteration_bounds = array<i64: 2, 16>, scalar_prefetch = 0 : i64, scratch_operands = 33 : i64, tpu.core_type = #tpu.core_type<sc_vector_subcore>, window_params = [{transform_indices = #map}, {transform_indices = #map1}, {transform_indices = #map}, {transform_indices = #map}]} {
    %mul3A = arith.constant 2 : i32
    %mul3A_0 = arith.muli %arg1, %mul3A : i32
    %add3A = arith.addi %mul3A_0, %arg0 : i32
    %mul3A_1 = arith.constant 512 : i32
    %mul3A_2 = arith.muli %add3A, %mul3A_1 : i32
    "tpu.region"() ({
      %run_scoped3A = tpu.sem_alloc : memref<!tpu.dma_semaphore, #tpu.memory_space<semaphore_mem>>
      %dma_start3A_508 = tpu.memref_slice %arg3[%mul3A_2] : memref<16384xi32, #tpu.memory_space<hbm>> -> memref<512xi32, #tpu.memory_space<hbm>>
      %dma_start3A_509 = tpu.memref_slice %arg3[%mul3A_2] : memref<16384xi32, #tpu.memory_space<hbm>> -> memref<512xi32, #tpu.memory_space<hbm>>
      tpu.enqueue_dma source(%dma_start3A_509 : memref<512xi32, #tpu.memory_space<hbm>>) target(%arg6 : memref<512xi32, #tpu.memory_space<vmem>>) target_semaphore(%run_scoped3A : memref<!tpu.dma_semaphore, #tpu.memory_space<semaphore_mem>>)
      %dma_wait3A_510 = tpu.memref_slice %arg3[%mul3A_2] : memref<16384xi32, #tpu.memory_space<hbm>> -> memref<512xi32, #tpu.memory_space<hbm>>
      %dma_wait3A_511 = tpu.memref_slice %arg3[%mul3A_2] : memref<16384xi32, #tpu.memory_space<hbm>> -> memref<512xi32, #tpu.memory_space<hbm>>
      tpu.wait_dma2 semaphore(%run_scoped3A : memref<!tpu.dma_semaphore, #tpu.memory_space<semaphore_mem>>) src(%dma_wait3A_511 : memref<512xi32, #tpu.memory_space<hbm>>) dst(%arg6 : memref<512xi32, #tpu.memory_space<vmem>>)
      tpu.yield
    }) : () -> ()
    %get3A = arith.constant 0 : index
    %get3A_3 = tpu.vector_load %arg6[%get3A] {strides = array<i32>} : memref<512xi32, #tpu.memory_space<vmem>>, vector<16xi32>,
    %get3A_4 = vector.shape_cast %get3A_3 : vector<16xi32> to vector<16xi32>
    %jit3A = arith.constant 0 : i32
    %jit3A_5 = arith.constant 8191 : i32
    %max3A = vector.broadcast %jit3A : i32 to vector<16xi32>
    %max3A_6 = arith.maxsi %max3A, %get3A_4 : vector<16xi32>
    %min3A = vector.broadcast %jit3A_5 : i32 to vector<16xi32>
    %min3A_7 = arith.minsi %min3A, %max3A_6 : vector<16xi32>
    %swap3A = arith.constant 0 : index
    %swap3A_8 = tpu.vector_load %arg6[%swap3A] {strides = array<i32>} : memref<512xi32, #tpu.memory_space<vmem>>, vector<16xi32>,
    %swap3A_9 = vector.shape_cast %swap3A_8 : vector<16xi32> to vector<16xi32>
    %swap3A_10 = vector.shape_cast %min3A_7 : vector<16xi32> to vector<16xi32>
    tpu.vector_store %arg6[%swap3A], %swap3A_10 {strides = array<i32>} : memref<512xi32, #tpu.memory_space<vmem>>, vector<16xi32>,
    %get3A_11 = arith.constant 16 : index
    %get3A_12 = tpu.vector_load %arg6[%get3A_11] {strides = array<i32>} : memref<512xi32, #tpu.memory_space<vmem>>, vector<16xi32>,
    %get3A_13 = vector.shape_cast %get3A_12 : vector<16xi32> to vector<16xi32>
    %jit3A_14 = arith.constant 0 : i32
    %jit3A_15 = arith.constant 8191 : i32
    %max3A_16 = vector.broadcast %jit3A_14 : i32 to vector<16xi32>
    %max3A_17 = arith.maxsi %max3A_16, %get3A_13 : vector<16xi32>
    %min3A_18 = vector.broadcast %jit3A_15 : i32 to vector<16xi32>
    %min3A_19 = arith.minsi %min3A_18, %max3A_17 : vector<16xi32>
    %swap3A_20 = arith.constant 16 : index
    %swap3A_21 = tpu.vector_load %arg6[%swap3A_20] {strides = array<i32>} : memref<512xi32, #tpu.memory_space<vmem>>, vector<16xi32>,
    %swap3A_22 = vector.shape_cast %swap3A_21 : vector<16xi32> to vector<16xi32>
    %swap3A_23 = vector.shape_cast %min3A_19 : vector<16xi32> to vector<16xi32>
    tpu.vector_store %arg6[%swap3A_20], %swap3A_23 {strides = array<i32>} : memref<512xi32, #tpu.memory_space<vmem>>, vector<16xi32>,
    %get3A_24 = arith.constant 32 : index
    %get3A_25 = tpu.vector_load %arg6[%get3A_24] {strides = array<i32>} : memref<512xi32, #tpu.memory_space<vmem>>, vector<16xi32>,
    %get3A_26 = vector.shape_cast %get3A_25 : vector<16xi32> to vector<16xi32>
    %jit3A_27 = arith.constant 0 : i32
    %jit3A_28 = arith.constant 8191 : i32
    %max3A_29 = vector.broadcast %jit3A_27 : i32 to vector<16xi32>
    %max3A_30 = arith.maxsi %max3A_29, %get3A_26 : vector<16xi32>
    %min3A_31 = vector.broadcast %jit3A_28 : i32 to vector<16xi32>
    %min3A_32 = arith.minsi %min3A_31, %max3A_30 : vector<16xi32>
    %swap3A_33 = arith.constant 32 : index
    %swap3A_34 = tpu.vector_load %arg6[%swap3A_33] {strides = array<i32>} : memref<512xi32, #tpu.memory_space<vmem>>, vector<16xi32>,
    %swap3A_35 = vector.shape_cast %swap3A_34 : vector<16xi32> to vector<16xi32>
    %swap3A_36 = vector.shape_cast %min3A_32 : vector<16xi32> to vector<16xi32>
    tpu.vector_store %arg6[%swap3A_33], %swap3A_36 {strides = array<i32>} : memref<512xi32, #tpu.memory_space<vmem>>, vector<16xi32>,
    %get3A_37 = arith.constant 48 : index
    %get3A_38 = tpu.vector_load %arg6[%get3A_37] {strides = array<i32>} : memref<512xi32, #tpu.memory_space<vmem>>, vector<16xi32>,
    %get3A_39 = vector.shape_cast %get3A_38 : vector<16xi32> to vector<16xi32>
    %jit3A_40 = arith.constant 0 : i32
    %jit3A_41 = arith.constant 8191 : i32
    %max3A_42 = vector.broadcast %jit3A_40 : i32 to vector<16xi32>
    %max3A_43 = arith.maxsi %max3A_42, %get3A_39 : vector<16xi32>
    %min3A_44 = vector.broadcast %jit3A_41 : i32 to vector<16xi32>
    %min3A_45 = arith.minsi %min3A_44, %max3A_43 : vector<16xi32>
    %swap3A_46 = arith.constant 48 : index
    %swap3A_47 = tpu.vector_load %arg6[%swap3A_46] {strides = array<i32>} : memref<512xi32, #tpu.memory_space<vmem>>, vector<16xi32>,
    %swap3A_48 = vector.shape_cast %swap3A_47 : vector<16xi32> to vector<16xi32>
    %swap3A_49 = vector.shape_cast %min3A_45 : vector<16xi32> to vector<16xi32>
    tpu.vector_store %arg6[%swap3A_46], %swap3A_49 {strides = array<i32>} : memref<512xi32, #tpu.memory_space<vmem>>, vector<16xi32>,
    %get3A_50 = arith.constant 64 : index
    %get3A_51 = tpu.vector_load %arg6[%get3A_50] {strides = array<i32>} : memref<512xi32, #tpu.memory_space<vmem>>, vector<16xi32>,
    %get3A_52 = vector.shape_cast %get3A_51 : vector<16xi32> to vector<16xi32>
    %jit3A_53 = arith.constant 0 : i32
    %jit3A_54 = arith.constant 8191 : i32
    %max3A_55 = vector.broadcast %jit3A_53 : i32 to vector<16xi32>
    %max3A_56 = arith.maxsi %max3A_55, %get3A_52 : vector<16xi32>
    %min3A_57 = vector.broadcast %jit3A_54 : i32 to vector<16xi32>
    %min3A_58 = arith.minsi %min3A_57, %max3A_56 : vector<16xi32>
    %swap3A_59 = arith.constant 64 : index
    %swap3A_60 = tpu.vector_load %arg6[%swap3A_59] {strides = array<i32>} : memref<512xi32, #tpu.memory_space<vmem>>, vector<16xi32>,
    %swap3A_61 = vector.shape_cast %swap3A_60 : vector<16xi32> to vector<16xi32>
    %swap3A_62 = vector.shape_cast %min3A_58 : vector<16xi32> to vector<16xi32>
    tpu.vector_store %arg6[%swap3A_59], %swap3A_62 {strides = array<i32>} : memref<512xi32, #tpu.memory_space<vmem>>, vector<16xi32>,
    %get3A_63 = arith.constant 80 : index
    %get3A_64 = tpu.vector_load %arg6[%get3A_63] {strides = array<i32>} : memref<512xi32, #tpu.memory_space<vmem>>, vector<16xi32>,
    %get3A_65 = vector.shape_cast %get3A_64 : vector<16xi32> to vector<16xi32>
    %jit3A_66 = arith.constant 0 : i32
    %jit3A_67 = arith.constant 8191 : i32
    %max3A_68 = vector.broadcast %jit3A_66 : i32 to vector<16xi32>
    %max3A_69 = arith.maxsi %max3A_68, %get3A_65 : vector<16xi32>
    %min3A_70 = vector.broadcast %jit3A_67 : i32 to vector<16xi32>
    %min3A_71 = arith.minsi %min3A_70, %max3A_69 : vector<16xi32>
    %swap3A_72 = arith.constant 80 : index
    %swap3A_73 = tpu.vector_load %arg6[%swap3A_72] {strides = array<i32>} : memref<512xi32, #tpu.memory_space<vmem>>, vector<16xi32>,
    %swap3A_74 = vector.shape_cast %swap3A_73 : vector<16xi32> to vector<16xi32>
    %swap3A_75 = vector.shape_cast %min3A_71 : vector<16xi32> to vector<16xi32>
    tpu.vector_store %arg6[%swap3A_72], %swap3A_75 {strides = array<i32>} : memref<512xi32, #tpu.memory_space<vmem>>, vector<16xi32>,
    %get3A_76 = arith.constant 96 : index
    %get3A_77 = tpu.vector_load %arg6[%get3A_76] {strides = array<i32>} : memref<512xi32, #tpu.memory_space<vmem>>, vector<16xi32>,
    %get3A_78 = vector.shape_cast %get3A_77 : vector<16xi32> to vector<16xi32>
    %jit3A_79 = arith.constant 0 : i32
    %jit3A_80 = arith.constant 8191 : i32
    %max3A_81 = vector.broadcast %jit3A_79 : i32 to vector<16xi32>
    %max3A_82 = arith.maxsi %max3A_81, %get3A_78 : vector<16xi32>
    %min3A_83 = vector.broadcast %jit3A_80 : i32 to vector<16xi32>
    %min3A_84 = arith.minsi %min3A_83, %max3A_82 : vector<16xi32>
    %swap3A_85 = arith.constant 96 : index
    %swap3A_86 = tpu.vector_load %arg6[%swap3A_85] {strides = array<i32>} : memref<512xi32, #tpu.memory_space<vmem>>, vector<16xi32>,
    %swap3A_87 = vector.shape_cast %swap3A_86 : vector<16xi32> to vector<16xi32>
    %swap3A_88 = vector.shape_cast %min3A_84 : vector<16xi32> to vector<16xi32>
    tpu.vector_store %arg6[%swap3A_85], %swap3A_88 {strides = array<i32>} : memref<512xi32, #tpu.memory_space<vmem>>, vector<16xi32>,
    %get3A_89 = arith.constant 112 : index
    %get3A_90 = tpu.vector_load %arg6[%get3A_89] {strides = array<i32>} : memref<512xi32, #tpu.memory_space<vmem>>, vector<16xi32>,
    %get3A_91 = vector.shape_cast %get3A_90 : vector<16xi32> to vector<16xi32>
    %jit3A_92 = arith.constant 0 : i32
    %jit3A_93 = arith.constant 8191 : i32
    %max3A_94 = vector.broadcast %jit3A_92 : i32 to vector<16xi32>
    %max3A_95 = arith.maxsi %max3A_94, %get3A_91 : vector<16xi32>
    %min3A_96 = vector.broadcast %jit3A_93 : i32 to vector<16xi32>
    %min3A_97 = arith.minsi %min3A_96, %max3A_95 : vector<16xi32>
    %swap3A_98 = arith.constant 112 : index
    %swap3A_99 = tpu.vector_load %arg6[%swap3A_98] {strides = array<i32>} : memref<512xi32, #tpu.memory_space<vmem>>, vector<16xi32>,
    %swap3A_100 = vector.shape_cast %swap3A_99 : vector<16xi32> to vector<16xi32>
    %swap3A_101 = vector.shape_cast %min3A_97 : vector<16xi32> to vector<16xi32>
    tpu.vector_store %arg6[%swap3A_98], %swap3A_101 {strides = array<i32>} : memref<512xi32, #tpu.memory_space<vmem>>, vector<16xi32>,
    %get3A_102 = arith.constant 128 : index
    %get3A_103 = tpu.vector_load %arg6[%get3A_102] {strides = array<i32>} : memref<512xi32, #tpu.memory_space<vmem>>, vector<16xi32>,
    %get3A_104 = vector.shape_cast %get3A_103 : vector<16xi32> to vector<16xi32>
    %jit3A_105 = arith.constant 0 : i32
    %jit3A_106 = arith.constant 8191 : i32
    %max3A_107 = vector.broadcast %jit3A_105 : i32 to vector<16xi32>
    %max3A_108 = arith.maxsi %max3A_107, %get3A_104 : vector<16xi32>
    %min3A_109 = vector.broadcast %jit3A_106 : i32 to vector<16xi32>
    %min3A_110 = arith.minsi %min3A_109, %max3A_108 : vector<16xi32>
    %swap3A_111 = arith.constant 128 : index
    %swap3A_112 = tpu.vector_load %arg6[%swap3A_111] {strides = array<i32>} : memref<512xi32, #tpu.memory_space<vmem>>, vector<16xi32>,
    %swap3A_113 = vector.shape_cast %swap3A_112 : vector<16xi32> to vector<16xi32>
    %swap3A_114 = vector.shape_cast %min3A_110 : vector<16xi32> to vector<16xi32>
    tpu.vector_store %arg6[%swap3A_111], %swap3A_114 {strides = array<i32>} : memref<512xi32, #tpu.memory_space<vmem>>, vector<16xi32>,
    %get3A_115 = arith.constant 144 : index
    %get3A_116 = tpu.vector_load %arg6[%get3A_115] {strides = array<i32>} : memref<512xi32, #tpu.memory_space<vmem>>, vector<16xi32>,
    %get3A_117 = vector.shape_cast %get3A_116 : vector<16xi32> to vector<16xi32>
    %jit3A_118 = arith.constant 0 : i32
    %jit3A_119 = arith.constant 8191 : i32
    %max3A_120 = vector.broadcast %jit3A_118 : i32 to vector<16xi32>
    %max3A_121 = arith.maxsi %max3A_120, %get3A_117 : vector<16xi32>
    %min3A_122 = vector.broadcast %jit3A_119 : i32 to vector<16xi32>
    %min3A_123 = arith.minsi %min3A_122, %max3A_121 : vector<16xi32>
    %swap3A_124 = arith.constant 144 : index
    %swap3A_125 = tpu.vector_load %arg6[%swap3A_124] {strides = array<i32>} : memref<512xi32, #tpu.memory_space<vmem>>, vector<16xi32>,
    %swap3A_126 = vector.shape_cast %swap3A_125 : vector<16xi32> to vector<16xi32>
    %swap3A_127 = vector.shape_cast %min3A_123 : vector<16xi32> to vector<16xi32>
    tpu.vector_store %arg6[%swap3A_124], %swap3A_127 {strides = array<i32>} : memref<512xi32, #tpu.memory_space<vmem>>, vector<16xi32>,
    %get3A_128 = arith.constant 160 : index
    %get3A_129 = tpu.vector_load %arg6[%get3A_128] {strides = array<i32>} : memref<512xi32, #tpu.memory_space<vmem>>, vector<16xi32>,
    %get3A_130 = vector.shape_cast %get3A_129 : vector<16xi32> to vector<16xi32>
    %jit3A_131 = arith.constant 0 : i32
    %jit3A_132 = arith.constant 8191 : i32
    %max3A_133 = vector.broadcast %jit3A_131 : i32 to vector<16xi32>
    %max3A_134 = arith.maxsi %max3A_133, %get3A_130 : vector<16xi32>
    %min3A_135 = vector.broadcast %jit3A_132 : i32 to vector<16xi32>
    %min3A_136 = arith.minsi %min3A_135, %max3A_134 : vector<16xi32>
    %swap3A_137 = arith.constant 160 : index
    %swap3A_138 = tpu.vector_load %arg6[%swap3A_137] {strides = array<i32>} : memref<512xi32, #tpu.memory_space<vmem>>, vector<16xi32>,
    %swap3A_139 = vector.shape_cast %swap3A_138 : vector<16xi32> to vector<16xi32>
    %swap3A_140 = vector.shape_cast %min3A_136 : vector<16xi32> to vector<16xi32>
    tpu.vector_store %arg6[%swap3A_137], %swap3A_140 {strides = array<i32>} : memref<512xi32, #tpu.memory_space<vmem>>, vector<16xi32>,
    %get3A_141 = arith.constant 176 : index
    %get3A_142 = tpu.vector_load %arg6[%get3A_141] {strides = array<i32>} : memref<512xi32, #tpu.memory_space<vmem>>, vector<16xi32>,
    %get3A_143 = vector.shape_cast %get3A_142 : vector<16xi32> to vector<16xi32>
    %jit3A_144 = arith.constant 0 : i32
    %jit3A_145 = arith.constant 8191 : i32
    %max3A_146 = vector.broadcast %jit3A_144 : i32 to vector<16xi32>
    %max3A_147 = arith.maxsi %max3A_146, %get3A_143 : vector<16xi32>
    %min3A_148 = vector.broadcast %jit3A_145 : i32 to vector<16xi32>
    %min3A_149 = arith.minsi %min3A_148, %max3A_147 : vector<16xi32>
    %swap3A_150 = arith.constant 176 : index
    %swap3A_151 = tpu.vector_load %arg6[%swap3A_150] {strides = array<i32>} : memref<512xi32, #tpu.memory_space<vmem>>, vector<16xi32>,
    %swap3A_152 = vector.shape_cast %swap3A_151 : vector<16xi32> to vector<16xi32>
    %swap3A_153 = vector.shape_cast %min3A_149 : vector<16xi32> to vector<16xi32>
    tpu.vector_store %arg6[%swap3A_150], %swap3A_153 {strides = array<i32>} : memref<512xi32, #tpu.memory_space<vmem>>, vector<16xi32>,
    %get3A_154 = arith.constant 192 : index
    %get3A_155 = tpu.vector_load %arg6[%get3A_154] {strides = array<i32>} : memref<512xi32, #tpu.memory_space<vmem>>, vector<16xi32>,
    %get3A_156 = vector.shape_cast %get3A_155 : vector<16xi32> to vector<16xi32>
    %jit3A_157 = arith.constant 0 : i32
    %jit3A_158 = arith.constant 8191 : i32
    %max3A_159 = vector.broadcast %jit3A_157 : i32 to vector<16xi32>
    %max3A_160 = arith.maxsi %max3A_159, %get3A_156 : vector<16xi32>
    %min3A_161 = vector.broadcast %jit3A_158 : i32 to vector<16xi32>
    %min3A_162 = arith.minsi %min3A_161, %max3A_160 : vector<16xi32>
    %swap3A_163 = arith.constant 192 : index
    %swap3A_164 = tpu.vector_load %arg6[%swap3A_163] {strides = array<i32>} : memref<512xi32, #tpu.memory_space<vmem>>, vector<16xi32>,
    %swap3A_165 = vector.shape_cast %swap3A_164 : vector<16xi32> to vector<16xi32>
    %swap3A_166 = vector.shape_cast %min3A_162 : vector<16xi32> to vector<16xi32>
    tpu.vector_store %arg6[%swap3A_163], %swap3A_166 {strides = array<i32>} : memref<512xi32, #tpu.memory_space<vmem>>, vector<16xi32>,
    %get3A_167 = arith.constant 208 : index
    %get3A_168 = tpu.vector_load %arg6[%get3A_167] {strides = array<i32>} : memref<512xi32, #tpu.memory_space<vmem>>, vector<16xi32>,
    %get3A_169 = vector.shape_cast %get3A_168 : vector<16xi32> to vector<16xi32>
    %jit3A_170 = arith.constant 0 : i32
    %jit3A_171 = arith.constant 8191 : i32
    %max3A_172 = vector.broadcast %jit3A_170 : i32 to vector<16xi32>
    %max3A_173 = arith.maxsi %max3A_172, %get3A_169 : vector<16xi32>
    %min3A_174 = vector.broadcast %jit3A_171 : i32 to vector<16xi32>
    %min3A_175 = arith.minsi %min3A_174, %max3A_173 : vector<16xi32>
    %swap3A_176 = arith.constant 208 : index
    %swap3A_177 = tpu.vector_load %arg6[%swap3A_176] {strides = array<i32>} : memref<512xi32, #tpu.memory_space<vmem>>, vector<16xi32>,
    %swap3A_178 = vector.shape_cast %swap3A_177 : vector<16xi32> to vector<16xi32>
    %swap3A_179 = vector.shape_cast %min3A_175 : vector<16xi32> to vector<16xi32>
    tpu.vector_store %arg6[%swap3A_176], %swap3A_179 {strides = array<i32>} : memref<512xi32, #tpu.memory_space<vmem>>, vector<16xi32>,
    %get3A_180 = arith.constant 224 : index
    %get3A_181 = tpu.vector_load %arg6[%get3A_180] {strides = array<i32>} : memref<512xi32, #tpu.memory_space<vmem>>, vector<16xi32>,
    %get3A_182 = vector.shape_cast %get3A_181 : vector<16xi32> to vector<16xi32>
    %jit3A_183 = arith.constant 0 : i32
    %jit3A_184 = arith.constant 8191 : i32
    %max3A_185 = vector.broadcast %jit3A_183 : i32 to vector<16xi32>
    %max3A_186 = arith.maxsi %max3A_185, %get3A_182 : vector<16xi32>
    %min3A_187 = vector.broadcast %jit3A_184 : i32 to vector<16xi32>
    %min3A_188 = arith.minsi %min3A_187, %max3A_186 : vector<16xi32>
    %swap3A_189 = arith.constant 224 : index
    %swap3A_190 = tpu.vector_load %arg6[%swap3A_189] {strides = array<i32>} : memref<512xi32, #tpu.memory_space<vmem>>, vector<16xi32>,
    %swap3A_191 = vector.shape_cast %swap3A_190 : vector<16xi32> to vector<16xi32>
    %swap3A_192 = vector.shape_cast %min3A_188 : vector<16xi32> to vector<16xi32>
    tpu.vector_store %arg6[%swap3A_189], %swap3A_192 {strides = array<i32>} : memref<512xi32, #tpu.memory_space<vmem>>, vector<16xi32>,
    %get3A_193 = arith.constant 240 : index
    %get3A_194 = tpu.vector_load %arg6[%get3A_193] {strides = array<i32>} : memref<512xi32, #tpu.memory_space<vmem>>, vector<16xi32>,
    %get3A_195 = vector.shape_cast %get3A_194 : vector<16xi32> to vector<16xi32>
    %jit3A_196 = arith.constant 0 : i32
    %jit3A_197 = arith.constant 8191 : i32
    %max3A_198 = vector.broadcast %jit3A_196 : i32 to vector<16xi32>
    %max3A_199 = arith.maxsi %max3A_198, %get3A_195 : vector<16xi32>
    %min3A_200 = vector.broadcast %jit3A_197 : i32 to vector<16xi32>
    %min3A_201 = arith.minsi %min3A_200, %max3A_199 : vector<16xi32>
    %swap3A_202 = arith.constant 240 : index
    %swap3A_203 = tpu.vector_load %arg6[%swap3A_202] {strides = array<i32>} : memref<512xi32, #tpu.memory_space<vmem>>, vector<16xi32>,
    %swap3A_204 = vector.shape_cast %swap3A_203 : vector<16xi32> to vector<16xi32>
    %swap3A_205 = vector.shape_cast %min3A_201 : vector<16xi32> to vector<16xi32>
    tpu.vector_store %arg6[%swap3A_202], %swap3A_205 {strides = array<i32>} : memref<512xi32, #tpu.memory_space<vmem>>, vector<16xi32>,
    %get3A_206 = arith.constant 256 : index
    %get3A_207 = tpu.vector_load %arg6[%get3A_206] {strides = array<i32>} : memref<512xi32, #tpu.memory_space<vmem>>, vector<16xi32>,
    %get3A_208 = vector.shape_cast %get3A_207 : vector<16xi32> to vector<16xi32>
    %jit3A_209 = arith.constant 0 : i32
    %jit3A_210 = arith.constant 8191 : i32
    %max3A_211 = vector.broadcast %jit3A_209 : i32 to vector<16xi32>
    %max3A_212 = arith.maxsi %max3A_211, %get3A_208 : vector<16xi32>
    %min3A_213 = vector.broadcast %jit3A_210 : i32 to vector<16xi32>
    %min3A_214 = arith.minsi %min3A_213, %max3A_212 : vector<16xi32>
    %swap3A_215 = arith.constant 256 : index
    %swap3A_216 = tpu.vector_load %arg6[%swap3A_215] {strides = array<i32>} : memref<512xi32, #tpu.memory_space<vmem>>, vector<16xi32>,
    %swap3A_217 = vector.shape_cast %swap3A_216 : vector<16xi32> to vector<16xi32>
    %swap3A_218 = vector.shape_cast %min3A_214 : vector<16xi32> to vector<16xi32>
    tpu.vector_store %arg6[%swap3A_215], %swap3A_218 {strides = array<i32>} : memref<512xi32, #tpu.memory_space<vmem>>, vector<16xi32>,
    %get3A_219 = arith.constant 272 : index
    %get3A_220 = tpu.vector_load %arg6[%get3A_219] {strides = array<i32>} : memref<512xi32, #tpu.memory_space<vmem>>, vector<16xi32>,
    %get3A_221 = vector.shape_cast %get3A_220 : vector<16xi32> to vector<16xi32>
    %jit3A_222 = arith.constant 0 : i32
    %jit3A_223 = arith.constant 8191 : i32
    %max3A_224 = vector.broadcast %jit3A_222 : i32 to vector<16xi32>
    %max3A_225 = arith.maxsi %max3A_224, %get3A_221 : vector<16xi32>
    %min3A_226 = vector.broadcast %jit3A_223 : i32 to vector<16xi32>
    %min3A_227 = arith.minsi %min3A_226, %max3A_225 : vector<16xi32>
    %swap3A_228 = arith.constant 272 : index
    %swap3A_229 = tpu.vector_load %arg6[%swap3A_228] {strides = array<i32>} : memref<512xi32, #tpu.memory_space<vmem>>, vector<16xi32>,
    %swap3A_230 = vector.shape_cast %swap3A_229 : vector<16xi32> to vector<16xi32>
    %swap3A_231 = vector.shape_cast %min3A_227 : vector<16xi32> to vector<16xi32>
    tpu.vector_store %arg6[%swap3A_228], %swap3A_231 {strides = array<i32>} : memref<512xi32, #tpu.memory_space<vmem>>, vector<16xi32>,
    %get3A_232 = arith.constant 288 : index
    %get3A_233 = tpu.vector_load %arg6[%get3A_232] {strides = array<i32>} : memref<512xi32, #tpu.memory_space<vmem>>, vector<16xi32>,
    %get3A_234 = vector.shape_cast %get3A_233 : vector<16xi32> to vector<16xi32>
    %jit3A_235 = arith.constant 0 : i32
    %jit3A_236 = arith.constant 8191 : i32
    %max3A_237 = vector.broadcast %jit3A_235 : i32 to vector<16xi32>
    %max3A_238 = arith.maxsi %max3A_237, %get3A_234 : vector<16xi32>
    %min3A_239 = vector.broadcast %jit3A_236 : i32 to vector<16xi32>
    %min3A_240 = arith.minsi %min3A_239, %max3A_238 : vector<16xi32>
    %swap3A_241 = arith.constant 288 : index
    %swap3A_242 = tpu.vector_load %arg6[%swap3A_241] {strides = array<i32>} : memref<512xi32, #tpu.memory_space<vmem>>, vector<16xi32>,
    %swap3A_243 = vector.shape_cast %swap3A_242 : vector<16xi32> to vector<16xi32>
    %swap3A_244 = vector.shape_cast %min3A_240 : vector<16xi32> to vector<16xi32>
    tpu.vector_store %arg6[%swap3A_241], %swap3A_244 {strides = array<i32>} : memref<512xi32, #tpu.memory_space<vmem>>, vector<16xi32>,
    %get3A_245 = arith.constant 304 : index
    %get3A_246 = tpu.vector_load %arg6[%get3A_245] {strides = array<i32>} : memref<512xi32, #tpu.memory_space<vmem>>, vector<16xi32>,
    %get3A_247 = vector.shape_cast %get3A_246 : vector<16xi32> to vector<16xi32>
    %jit3A_248 = arith.constant 0 : i32
    %jit3A_249 = arith.constant 8191 : i32
    %max3A_250 = vector.broadcast %jit3A_248 : i32 to vector<16xi32>
    %max3A_251 = arith.maxsi %max3A_250, %get3A_247 : vector<16xi32>
    %min3A_252 = vector.broadcast %jit3A_249 : i32 to vector<16xi32>
    %min3A_253 = arith.minsi %min3A_252, %max3A_251 : vector<16xi32>
    %swap3A_254 = arith.constant 304 : index
    %swap3A_255 = tpu.vector_load %arg6[%swap3A_254] {strides = array<i32>} : memref<512xi32, #tpu.memory_space<vmem>>, vector<16xi32>,
    %swap3A_256 = vector.shape_cast %swap3A_255 : vector<16xi32> to vector<16xi32>
    %swap3A_257 = vector.shape_cast %min3A_253 : vector<16xi32> to vector<16xi32>
    tpu.vector_store %arg6[%swap3A_254], %swap3A_257 {strides = array<i32>} : memref<512xi32, #tpu.memory_space<vmem>>, vector<16xi32>,
    %get3A_258 = arith.constant 320 : index
    %get3A_259 = tpu.vector_load %arg6[%get3A_258] {strides = array<i32>} : memref<512xi32, #tpu.memory_space<vmem>>, vector<16xi32>,
    %get3A_260 = vector.shape_cast %get3A_259 : vector<16xi32> to vector<16xi32>
    %jit3A_261 = arith.constant 0 : i32
    %jit3A_262 = arith.constant 8191 : i32
    %max3A_263 = vector.broadcast %jit3A_261 : i32 to vector<16xi32>
    %max3A_264 = arith.maxsi %max3A_263, %get3A_260 : vector<16xi32>
    %min3A_265 = vector.broadcast %jit3A_262 : i32 to vector<16xi32>
    %min3A_266 = arith.minsi %min3A_265, %max3A_264 : vector<16xi32>
    %swap3A_267 = arith.constant 320 : index
    %swap3A_268 = tpu.vector_load %arg6[%swap3A_267] {strides = array<i32>} : memref<512xi32, #tpu.memory_space<vmem>>, vector<16xi32>,
    %swap3A_269 = vector.shape_cast %swap3A_268 : vector<16xi32> to vector<16xi32>
    %swap3A_270 = vector.shape_cast %min3A_266 : vector<16xi32> to vector<16xi32>
    tpu.vector_store %arg6[%swap3A_267], %swap3A_270 {strides = array<i32>} : memref<512xi32, #tpu.memory_space<vmem>>, vector<16xi32>,
    %get3A_271 = arith.constant 336 : index
    %get3A_272 = tpu.vector_load %arg6[%get3A_271] {strides = array<i32>} : memref<512xi32, #tpu.memory_space<vmem>>, vector<16xi32>,
    %get3A_273 = vector.shape_cast %get3A_272 : vector<16xi32> to vector<16xi32>
    %jit3A_274 = arith.constant 0 : i32
    %jit3A_275 = arith.constant 8191 : i32
    %max3A_276 = vector.broadcast %jit3A_274 : i32 to vector<16xi32>
    %max3A_277 = arith.maxsi %max3A_276, %get3A_273 : vector<16xi32>
    %min3A_278 = vector.broadcast %jit3A_275 : i32 to vector<16xi32>
    %min3A_279 = arith.minsi %min3A_278, %max3A_277 : vector<16xi32>
    %swap3A_280 = arith.constant 336 : index
    %swap3A_281 = tpu.vector_load %arg6[%swap3A_280] {strides = array<i32>} : memref<512xi32, #tpu.memory_space<vmem>>, vector<16xi32>,
    %swap3A_282 = vector.shape_cast %swap3A_281 : vector<16xi32> to vector<16xi32>
    %swap3A_283 = vector.shape_cast %min3A_279 : vector<16xi32> to vector<16xi32>
    tpu.vector_store %arg6[%swap3A_280], %swap3A_283 {strides = array<i32>} : memref<512xi32, #tpu.memory_space<vmem>>, vector<16xi32>,
    %get3A_284 = arith.constant 352 : index
    %get3A_285 = tpu.vector_load %arg6[%get3A_284] {strides = array<i32>} : memref<512xi32, #tpu.memory_space<vmem>>, vector<16xi32>,
    %get3A_286 = vector.shape_cast %get3A_285 : vector<16xi32> to vector<16xi32>
    %jit3A_287 = arith.constant 0 : i32
    %jit3A_288 = arith.constant 8191 : i32
    %max3A_289 = vector.broadcast %jit3A_287 : i32 to vector<16xi32>
    %max3A_290 = arith.maxsi %max3A_289, %get3A_286 : vector<16xi32>
    %min3A_291 = vector.broadcast %jit3A_288 : i32 to vector<16xi32>
    %min3A_292 = arith.minsi %min3A_291, %max3A_290 : vector<16xi32>
    %swap3A_293 = arith.constant 352 : index
    %swap3A_294 = tpu.vector_load %arg6[%swap3A_293] {strides = array<i32>} : memref<512xi32, #tpu.memory_space<vmem>>, vector<16xi32>,
    %swap3A_295 = vector.shape_cast %swap3A_294 : vector<16xi32> to vector<16xi32>
    %swap3A_296 = vector.shape_cast %min3A_292 : vector<16xi32> to vector<16xi32>
    tpu.vector_store %arg6[%swap3A_293], %swap3A_296 {strides = array<i32>} : memref<512xi32, #tpu.memory_space<vmem>>, vector<16xi32>,
    %get3A_297 = arith.constant 368 : index
    %get3A_298 = tpu.vector_load %arg6[%get3A_297] {strides = array<i32>} : memref<512xi32, #tpu.memory_space<vmem>>, vector<16xi32>,
    %get3A_299 = vector.shape_cast %get3A_298 : vector<16xi32> to vector<16xi32>
    %jit3A_300 = arith.constant 0 : i32
    %jit3A_301 = arith.constant 8191 : i32
    %max3A_302 = vector.broadcast %jit3A_300 : i32 to vector<16xi32>
    %max3A_303 = arith.maxsi %max3A_302, %get3A_299 : vector<16xi32>
    %min3A_304 = vector.broadcast %jit3A_301 : i32 to vector<16xi32>
    %min3A_305 = arith.minsi %min3A_304, %max3A_303 : vector<16xi32>
    %swap3A_306 = arith.constant 368 : index
    %swap3A_307 = tpu.vector_load %arg6[%swap3A_306] {strides = array<i32>} : memref<512xi32, #tpu.memory_space<vmem>>, vector<16xi32>,
    %swap3A_308 = vector.shape_cast %swap3A_307 : vector<16xi32> to vector<16xi32>
    %swap3A_309 = vector.shape_cast %min3A_305 : vector<16xi32> to vector<16xi32>
    tpu.vector_store %arg6[%swap3A_306], %swap3A_309 {strides = array<i32>} : memref<512xi32, #tpu.memory_space<vmem>>, vector<16xi32>,
    %get3A_310 = arith.constant 384 : index
    %get3A_311 = tpu.vector_load %arg6[%get3A_310] {strides = array<i32>} : memref<512xi32, #tpu.memory_space<vmem>>, vector<16xi32>,
    %get3A_312 = vector.shape_cast %get3A_311 : vector<16xi32> to vector<16xi32>
    %jit3A_313 = arith.constant 0 : i32
    %jit3A_314 = arith.constant 8191 : i32
    %max3A_315 = vector.broadcast %jit3A_313 : i32 to vector<16xi32>
    %max3A_316 = arith.maxsi %max3A_315, %get3A_312 : vector<16xi32>
    %min3A_317 = vector.broadcast %jit3A_314 : i32 to vector<16xi32>
    %min3A_318 = arith.minsi %min3A_317, %max3A_316 : vector<16xi32>
    %swap3A_319 = arith.constant 384 : index
    %swap3A_320 = tpu.vector_load %arg6[%swap3A_319] {strides = array<i32>} : memref<512xi32, #tpu.memory_space<vmem>>, vector<16xi32>,
    %swap3A_321 = vector.shape_cast %swap3A_320 : vector<16xi32> to vector<16xi32>
    %swap3A_322 = vector.shape_cast %min3A_318 : vector<16xi32> to vector<16xi32>
    tpu.vector_store %arg6[%swap3A_319], %swap3A_322 {strides = array<i32>} : memref<512xi32, #tpu.memory_space<vmem>>, vector<16xi32>,
    %get3A_323 = arith.constant 400 : index
    %get3A_324 = tpu.vector_load %arg6[%get3A_323] {strides = array<i32>} : memref<512xi32, #tpu.memory_space<vmem>>, vector<16xi32>,
    %get3A_325 = vector.shape_cast %get3A_324 : vector<16xi32> to vector<16xi32>
    %jit3A_326 = arith.constant 0 : i32
    %jit3A_327 = arith.constant 8191 : i32
    %max3A_328 = vector.broadcast %jit3A_326 : i32 to vector<16xi32>
    %max3A_329 = arith.maxsi %max3A_328, %get3A_325 : vector<16xi32>
    %min3A_330 = vector.broadcast %jit3A_327 : i32 to vector<16xi32>
    %min3A_331 = arith.minsi %min3A_330, %max3A_329 : vector<16xi32>
    %swap3A_332 = arith.constant 400 : index
    %swap3A_333 = tpu.vector_load %arg6[%swap3A_332] {strides = array<i32>} : memref<512xi32, #tpu.memory_space<vmem>>, vector<16xi32>,
    %swap3A_334 = vector.shape_cast %swap3A_333 : vector<16xi32> to vector<16xi32>
    %swap3A_335 = vector.shape_cast %min3A_331 : vector<16xi32> to vector<16xi32>
    tpu.vector_store %arg6[%swap3A_332], %swap3A_335 {strides = array<i32>} : memref<512xi32, #tpu.memory_space<vmem>>, vector<16xi32>,
    %get3A_336 = arith.constant 416 : index
    %get3A_337 = tpu.vector_load %arg6[%get3A_336] {strides = array<i32>} : memref<512xi32, #tpu.memory_space<vmem>>, vector<16xi32>,
    %get3A_338 = vector.shape_cast %get3A_337 : vector<16xi32> to vector<16xi32>
    %jit3A_339 = arith.constant 0 : i32
    %jit3A_340 = arith.constant 8191 : i32
    %max3A_341 = vector.broadcast %jit3A_339 : i32 to vector<16xi32>
    %max3A_342 = arith.maxsi %max3A_341, %get3A_338 : vector<16xi32>
    %min3A_343 = vector.broadcast %jit3A_340 : i32 to vector<16xi32>
    %min3A_344 = arith.minsi %min3A_343, %max3A_342 : vector<16xi32>
    %swap3A_345 = arith.constant 416 : index
    %swap3A_346 = tpu.vector_load %arg6[%swap3A_345] {strides = array<i32>} : memref<512xi32, #tpu.memory_space<vmem>>, vector<16xi32>,
    %swap3A_347 = vector.shape_cast %swap3A_346 : vector<16xi32> to vector<16xi32>
    %swap3A_348 = vector.shape_cast %min3A_344 : vector<16xi32> to vector<16xi32>
    tpu.vector_store %arg6[%swap3A_345], %swap3A_348 {strides = array<i32>} : memref<512xi32, #tpu.memory_space<vmem>>, vector<16xi32>,
    %get3A_349 = arith.constant 432 : index
    %get3A_350 = tpu.vector_load %arg6[%get3A_349] {strides = array<i32>} : memref<512xi32, #tpu.memory_space<vmem>>, vector<16xi32>,
    %get3A_351 = vector.shape_cast %get3A_350 : vector<16xi32> to vector<16xi32>
    %jit3A_352 = arith.constant 0 : i32
    %jit3A_353 = arith.constant 8191 : i32
    %max3A_354 = vector.broadcast %jit3A_352 : i32 to vector<16xi32>
    %max3A_355 = arith.maxsi %max3A_354, %get3A_351 : vector<16xi32>
    %min3A_356 = vector.broadcast %jit3A_353 : i32 to vector<16xi32>
    %min3A_357 = arith.minsi %min3A_356, %max3A_355 : vector<16xi32>
    %swap3A_358 = arith.constant 432 : index
    %swap3A_359 = tpu.vector_load %arg6[%swap3A_358] {strides = array<i32>} : memref<512xi32, #tpu.memory_space<vmem>>, vector<16xi32>,
    %swap3A_360 = vector.shape_cast %swap3A_359 : vector<16xi32> to vector<16xi32>
    %swap3A_361 = vector.shape_cast %min3A_357 : vector<16xi32> to vector<16xi32>
    tpu.vector_store %arg6[%swap3A_358], %swap3A_361 {strides = array<i32>} : memref<512xi32, #tpu.memory_space<vmem>>, vector<16xi32>,
    %get3A_362 = arith.constant 448 : index
    %get3A_363 = tpu.vector_load %arg6[%get3A_362] {strides = array<i32>} : memref<512xi32, #tpu.memory_space<vmem>>, vector<16xi32>,
    %get3A_364 = vector.shape_cast %get3A_363 : vector<16xi32> to vector<16xi32>
    %jit3A_365 = arith.constant 0 : i32
    %jit3A_366 = arith.constant 8191 : i32
    %max3A_367 = vector.broadcast %jit3A_365 : i32 to vector<16xi32>
    %max3A_368 = arith.maxsi %max3A_367, %get3A_364 : vector<16xi32>
    %min3A_369 = vector.broadcast %jit3A_366 : i32 to vector<16xi32>
    %min3A_370 = arith.minsi %min3A_369, %max3A_368 : vector<16xi32>
    %swap3A_371 = arith.constant 448 : index
    %swap3A_372 = tpu.vector_load %arg6[%swap3A_371] {strides = array<i32>} : memref<512xi32, #tpu.memory_space<vmem>>, vector<16xi32>,
    %swap3A_373 = vector.shape_cast %swap3A_372 : vector<16xi32> to vector<16xi32>
    %swap3A_374 = vector.shape_cast %min3A_370 : vector<16xi32> to vector<16xi32>
    tpu.vector_store %arg6[%swap3A_371], %swap3A_374 {strides = array<i32>} : memref<512xi32, #tpu.memory_space<vmem>>, vector<16xi32>,
    %get3A_375 = arith.constant 464 : index
    %get3A_376 = tpu.vector_load %arg6[%get3A_375] {strides = array<i32>} : memref<512xi32, #tpu.memory_space<vmem>>, vector<16xi32>,
    %get3A_377 = vector.shape_cast %get3A_376 : vector<16xi32> to vector<16xi32>
    %jit3A_378 = arith.constant 0 : i32
    %jit3A_379 = arith.constant 8191 : i32
    %max3A_380 = vector.broadcast %jit3A_378 : i32 to vector<16xi32>
    %max3A_381 = arith.maxsi %max3A_380, %get3A_377 : vector<16xi32>
    %min3A_382 = vector.broadcast %jit3A_379 : i32 to vector<16xi32>
    %min3A_383 = arith.minsi %min3A_382, %max3A_381 : vector<16xi32>
    %swap3A_384 = arith.constant 464 : index
    %swap3A_385 = tpu.vector_load %arg6[%swap3A_384] {strides = array<i32>} : memref<512xi32, #tpu.memory_space<vmem>>, vector<16xi32>,
    %swap3A_386 = vector.shape_cast %swap3A_385 : vector<16xi32> to vector<16xi32>
    %swap3A_387 = vector.shape_cast %min3A_383 : vector<16xi32> to vector<16xi32>
    tpu.vector_store %arg6[%swap3A_384], %swap3A_387 {strides = array<i32>} : memref<512xi32, #tpu.memory_space<vmem>>, vector<16xi32>,
    %get3A_388 = arith.constant 480 : index
    %get3A_389 = tpu.vector_load %arg6[%get3A_388] {strides = array<i32>} : memref<512xi32, #tpu.memory_space<vmem>>, vector<16xi32>,
    %get3A_390 = vector.shape_cast %get3A_389 : vector<16xi32> to vector<16xi32>
    %jit3A_391 = arith.constant 0 : i32
    %jit3A_392 = arith.constant 8191 : i32
    %max3A_393 = vector.broadcast %jit3A_391 : i32 to vector<16xi32>
    %max3A_394 = arith.maxsi %max3A_393, %get3A_390 : vector<16xi32>
    %min3A_395 = vector.broadcast %jit3A_392 : i32 to vector<16xi32>
    %min3A_396 = arith.minsi %min3A_395, %max3A_394 : vector<16xi32>
    %swap3A_397 = arith.constant 480 : index
    %swap3A_398 = tpu.vector_load %arg6[%swap3A_397] {strides = array<i32>} : memref<512xi32, #tpu.memory_space<vmem>>, vector<16xi32>,
    %swap3A_399 = vector.shape_cast %swap3A_398 : vector<16xi32> to vector<16xi32>
    %swap3A_400 = vector.shape_cast %min3A_396 : vector<16xi32> to vector<16xi32>
    tpu.vector_store %arg6[%swap3A_397], %swap3A_400 {strides = array<i32>} : memref<512xi32, #tpu.memory_space<vmem>>, vector<16xi32>,
    %get3A_401 = arith.constant 496 : index
    %get3A_402 = tpu.vector_load %arg6[%get3A_401] {strides = array<i32>} : memref<512xi32, #tpu.memory_space<vmem>>, vector<16xi32>,
    %get3A_403 = vector.shape_cast %get3A_402 : vector<16xi32> to vector<16xi32>
    %jit3A_404 = arith.constant 0 : i32
    %jit3A_405 = arith.constant 8191 : i32
    %max3A_406 = vector.broadcast %jit3A_404 : i32 to vector<16xi32>
    %max3A_407 = arith.maxsi %max3A_406, %get3A_403 : vector<16xi32>
    %min3A_408 = vector.broadcast %jit3A_405 : i32 to vector<16xi32>
    %min3A_409 = arith.minsi %min3A_408, %max3A_407 : vector<16xi32>
    %swap3A_410 = arith.constant 496 : index
    %swap3A_411 = tpu.vector_load %arg6[%swap3A_410] {strides = array<i32>} : memref<512xi32, #tpu.memory_space<vmem>>, vector<16xi32>,
    %swap3A_412 = vector.shape_cast %swap3A_411 : vector<16xi32> to vector<16xi32>
    %swap3A_413 = vector.shape_cast %min3A_409 : vector<16xi32> to vector<16xi32>
    tpu.vector_store %arg6[%swap3A_410], %swap3A_413 {strides = array<i32>} : memref<512xi32, #tpu.memory_space<vmem>>, vector<16xi32>,
    %dma_start3A = arith.constant 0 : i32
    %dma_start3A_414 = tpu.memref_slice %arg6[%dma_start3A] : memref<512xi32, #tpu.memory_space<vmem>> -> memref<8xi32, #tpu.memory_space<vmem>>
    %dma_start3A_415 = arith.constant 0 : i32
    %dma_start3A_416 = arith.constant 0 : i32
    %dma_start3A_417 = tpu.memref_slice %arg4[%dma_start3A_415, %dma_start3A_416] : memref<8192x1024xf32, #tpu.memory_space<hbm>> -> memref<8192x1024xf32, #tpu.memory_space<hbm>>
    tpu.enqueue_indirect_dma source(%dma_start3A_417 : memref<8192x1024xf32, #tpu.memory_space<hbm>>) target(%arg7 : memref<8x1024xf32, #tpu.memory_space<vmem>>) offsets(%dma_start3A_414 : memref<8xi32, #tpu.memory_space<vmem>>) semaphore(%arg19 : memref<!tpu.dma_semaphore, #tpu.memory_space<semaphore_mem>>)
    %add3A_418 = arith.constant 0 : i32
    %add3A_419 = arith.addi %mul3A_2, %add3A_418 : i32
    %dma_start3A_420 = arith.constant 0 : i32
    %dma_start3A_421 = tpu.memref_slice %arg2[%add3A_419, %dma_start3A_420] : memref<16384x1024xf32, #tpu.memory_space<hbm>> -> memref<8x1024xf32, #tpu.memory_space<hbm>>
    %dma_start3A_422 = arith.constant 0 : i32
    %dma_start3A_423 = tpu.memref_slice %arg2[%add3A_419, %dma_start3A_422] : memref<16384x1024xf32, #tpu.memory_space<hbm>> -> memref<8x1024xf32, #tpu.memory_space<hbm>>
    tpu.enqueue_dma source(%dma_start3A_423 : memref<8x1024xf32, #tpu.memory_space<hbm>>) target(%arg11 : memref<8x1024xf32, #tpu.memory_space<vmem>>) target_semaphore(%arg23 : memref<!tpu.dma_semaphore, #tpu.memory_space<semaphore_mem>>)
    %dma_start3A_424 = arith.constant 8 : i32
    %dma_start3A_425 = tpu.memref_slice %arg6[%dma_start3A_424] : memref<512xi32, #tpu.memory_space<vmem>> -> memref<8xi32, #tpu.memory_space<vmem>>
    %dma_start3A_426 = arith.constant 0 : i32
    %dma_start3A_427 = arith.constant 0 : i32
    %dma_start3A_428 = tpu.memref_slice %arg4[%dma_start3A_426, %dma_start3A_427] : memref<8192x1024xf32, #tpu.memory_space<hbm>> -> memref<8192x1024xf32, #tpu.memory_space<hbm>>
    tpu.enqueue_indirect_dma source(%dma_start3A_428 : memref<8192x1024xf32, #tpu.memory_space<hbm>>) target(%arg8 : memref<8x1024xf32, #tpu.memory_space<vmem>>) offsets(%dma_start3A_425 : memref<8xi32, #tpu.memory_space<vmem>>) semaphore(%arg20 : memref<!tpu.dma_semaphore, #tpu.memory_space<semaphore_mem>>)
    %add3A_429 = arith.constant 8 : i32
    %add3A_430 = arith.addi %mul3A_2, %add3A_429 : i32
    %dma_start3A_431 = arith.constant 0 : i32
    %dma_start3A_432 = tpu.memref_slice %arg2[%add3A_430, %dma_start3A_431] : memref<16384x1024xf32, #tpu.memory_space<hbm>> -> memref<8x1024xf32, #tpu.memory_space<hbm>>
    %dma_start3A_433 = arith.constant 0 : i32
    %dma_start3A_434 = tpu.memref_slice %arg2[%add3A_430, %dma_start3A_433] : memref<16384x1024xf32, #tpu.memory_space<hbm>> -> memref<8x1024xf32, #tpu.memory_space<hbm>>
    tpu.enqueue_dma source(%dma_start3A_434 : memref<8x1024xf32, #tpu.memory_space<hbm>>) target(%arg12 : memref<8x1024xf32, #tpu.memory_space<vmem>>) target_semaphore(%arg24 : memref<!tpu.dma_semaphore, #tpu.memory_space<semaphore_mem>>)
    %dma_start3A_435 = arith.constant 16 : i32
    %dma_start3A_436 = tpu.memref_slice %arg6[%dma_start3A_435] : memref<512xi32, #tpu.memory_space<vmem>> -> memref<8xi32, #tpu.memory_space<vmem>>
    %dma_start3A_437 = arith.constant 0 : i32
    %dma_start3A_438 = arith.constant 0 : i32
    %dma_start3A_439 = tpu.memref_slice %arg4[%dma_start3A_437, %dma_start3A_438] : memref<8192x1024xf32, #tpu.memory_space<hbm>> -> memref<8192x1024xf32, #tpu.memory_space<hbm>>
    tpu.enqueue_indirect_dma source(%dma_start3A_439 : memref<8192x1024xf32, #tpu.memory_space<hbm>>) target(%arg9 : memref<8x1024xf32, #tpu.memory_space<vmem>>) offsets(%dma_start3A_436 : memref<8xi32, #tpu.memory_space<vmem>>) semaphore(%arg21 : memref<!tpu.dma_semaphore, #tpu.memory_space<semaphore_mem>>)
    %add3A_440 = arith.constant 16 : i32
    %add3A_441 = arith.addi %mul3A_2, %add3A_440 : i32
    %dma_start3A_442 = arith.constant 0 : i32
    %dma_start3A_443 = tpu.memref_slice %arg2[%add3A_441, %dma_start3A_442] : memref<16384x1024xf32, #tpu.memory_space<hbm>> -> memref<8x1024xf32, #tpu.memory_space<hbm>>
    %dma_start3A_444 = arith.constant 0 : i32
    %dma_start3A_445 = tpu.memref_slice %arg2[%add3A_441, %dma_start3A_444] : memref<16384x1024xf32, #tpu.memory_space<hbm>> -> memref<8x1024xf32, #tpu.memory_space<hbm>>
    tpu.enqueue_dma source(%dma_start3A_445 : memref<8x1024xf32, #tpu.memory_space<hbm>>) target(%arg13 : memref<8x1024xf32, #tpu.memory_space<vmem>>) target_semaphore(%arg25 : memref<!tpu.dma_semaphore, #tpu.memory_space<semaphore_mem>>)
    %dma_start3A_446 = arith.constant 24 : i32
    %dma_start3A_447 = tpu.memref_slice %arg6[%dma_start3A_446] : memref<512xi32, #tpu.memory_space<vmem>> -> memref<8xi32, #tpu.memory_space<vmem>>
    %dma_start3A_448 = arith.constant 0 : i32
    %dma_start3A_449 = arith.constant 0 : i32
    %dma_start3A_450 = tpu.memref_slice %arg4[%dma_start3A_448, %dma_start3A_449] : memref<8192x1024xf32, #tpu.memory_space<hbm>> -> memref<8192x1024xf32, #tpu.memory_space<hbm>>
    tpu.enqueue_indirect_dma source(%dma_start3A_450 : memref<8192x1024xf32, #tpu.memory_space<hbm>>) target(%arg10 : memref<8x1024xf32, #tpu.memory_space<vmem>>) offsets(%dma_start3A_447 : memref<8xi32, #tpu.memory_space<vmem>>) semaphore(%arg22 : memref<!tpu.dma_semaphore, #tpu.memory_space<semaphore_mem>>)
    %add3A_451 = arith.constant 24 : i32
    %add3A_452 = arith.addi %mul3A_2, %add3A_451 : i32
    %dma_start3A_453 = arith.constant 0 : i32
    %dma_start3A_454 = tpu.memref_slice %arg2[%add3A_452, %dma_start3A_453] : memref<16384x1024xf32, #tpu.memory_space<hbm>> -> memref<8x1024xf32, #tpu.memory_space<hbm>>
    %dma_start3A_455 = arith.constant 0 : i32
    %dma_start3A_456 = tpu.memref_slice %arg2[%add3A_452, %dma_start3A_455] : memref<16384x1024xf32, #tpu.memory_space<hbm>> -> memref<8x1024xf32, #tpu.memory_space<hbm>>
    tpu.enqueue_dma source(%dma_start3A_456 : memref<8x1024xf32, #tpu.memory_space<hbm>>) target(%arg14 : memref<8x1024xf32, #tpu.memory_space<vmem>>) target_semaphore(%arg26 : memref<!tpu.dma_semaphore, #tpu.memory_space<semaphore_mem>>)
    %scan3A = arith.constant 0 : i32
    %scan3A_457 = arith.constant 8 : i32
    %scan3A_458 = arith.addi %scan3A, %scan3A_457 : i32
    %scan3A_459 = arith.constant 1 : i32
    scf.for %scan3A_508 = %scan3A to %scan3A_458 step %scan3A_459  : i32 {
      %mul3A_509 = arith.constant 1 : i32
      %mul3A_510 = arith.muli %scan3A_508, %mul3A_509 : i32
      %add3A_511 = arith.constant 0 : i32
      %add3A_512 = arith.addi %add3A_511, %mul3A_510 : i32
      %mul3A_513 = arith.constant 8 : i32
      %mul3A_514 = arith.muli %add3A_512, %mul3A_513 : i32
      %add3A_515 = arith.constant 0 : i32
      %add3A_516 = arith.addi %mul3A_514, %add3A_515 : i32
      %dma_wait3A_517 = arith.constant 0 : i32
      %dma_wait3A_518 = tpu.memref_slice %arg6[%dma_wait3A_517] : memref<512xi32, #tpu.memory_space<vmem>> -> memref<8xi32, #tpu.memory_space<vmem>>
      %dma_wait3A_519 = arith.constant 0 : i32
      %dma_wait3A_520 = arith.constant 0 : i32
      %dma_wait3A_521 = tpu.memref_slice %arg4[%dma_wait3A_519, %dma_wait3A_520] : memref<8192x1024xf32, #tpu.memory_space<hbm>> -> memref<8192x1024xf32, #tpu.memory_space<hbm>>
      tpu.wait_indirect_dma semaphore(%arg19 : memref<!tpu.dma_semaphore, #tpu.memory_space<semaphore_mem>>) src(%dma_wait3A_521 : memref<8192x1024xf32, #tpu.memory_space<hbm>>) dst(%arg7 : memref<8x1024xf32, #tpu.memory_space<vmem>>)
      %dma_wait3A_522 = arith.constant 0 : i32
      %dma_wait3A_523 = arith.constant 0 : i32
      %dma_wait3A_524 = tpu.memref_slice %arg2[%dma_wait3A_522, %dma_wait3A_523] : memref<16384x1024xf32, #tpu.memory_space<hbm>> -> memref<8x1024xf32, #tpu.memory_space<hbm>>
      %dma_wait3A_525 = arith.constant 0 : i32
      %dma_wait3A_526 = arith.constant 0 : i32
      %dma_wait3A_527 = tpu.memref_slice %arg2[%dma_wait3A_525, %dma_wait3A_526] : memref<16384x1024xf32, #tpu.memory_space<hbm>> -> memref<8x1024xf32, #tpu.memory_space<hbm>>
      tpu.wait_dma2 semaphore(%arg23 : memref<!tpu.dma_semaphore, #tpu.memory_space<semaphore_mem>>) src(%dma_wait3A_527 : memref<8x1024xf32, #tpu.memory_space<hbm>>) dst(%arg11 : memref<8x1024xf32, #tpu.memory_space<vmem>>)
      %scan3A_528 = arith.constant 0 : i32
      %scan3A_529 = arith.constant 8 : i32
      %scan3A_530 = arith.addi %scan3A_528, %scan3A_529 : i32
      %scan3A_531 = arith.constant 1 : i32
      scf.for %scan3A_838 = %scan3A_528 to %scan3A_530 step %scan3A_531  : i32 {
        %mul3A_839 = arith.constant 1 : i32
        %mul3A_840 = arith.muli %scan3A_838, %mul3A_839 : i32
        %add3A_841 = arith.constant 0 : i32
        %add3A_842 = arith.addi %add3A_841, %mul3A_840 : i32
        %scan3A_843 = arith.constant 0 : i32
        %scan3A_844 = arith.constant 64 : i32
        %scan3A_845 = arith.addi %scan3A_843, %scan3A_844 : i32
        %scan3A_846 = arith.constant 8 : i32
        scf.for %scan3A_848 = %scan3A_843 to %scan3A_845 step %scan3A_846  : i32 {
          %mul3A_849 = arith.constant 1 : i32
          %mul3A_850 = arith.muli %scan3A_848, %mul3A_849 : i32
          %add3A_851 = arith.constant 0 : i32
          %add3A_852 = arith.addi %add3A_851, %mul3A_850 : i32
          %mul3A_853 = arith.constant 16 : i32
          %mul3A_854 = arith.muli %add3A_852, %mul3A_853 : i32
          %get3A_855 = arith.index_cast %add3A_842 : i32 to index
          %get3A_856 = arith.index_cast %mul3A_854 : i32 to index
          %get3A_857 = tpu.vector_load %arg7[%get3A_855, %get3A_856] {strides = array<i32>} : memref<8x1024xf32, #tpu.memory_space<vmem>>, vector<1x16xf32>,
          %get3A_858 = vector.shape_cast %get3A_857 : vector<1x16xf32> to vector<16xf32>
          %swap3A_859 = arith.index_cast %add3A_842 : i32 to index
          %swap3A_860 = arith.index_cast %mul3A_854 : i32 to index
          %swap3A_861 = tpu.vector_load %arg11[%swap3A_859, %swap3A_860] {strides = array<i32>} : memref<8x1024xf32, #tpu.memory_space<vmem>>, vector<1x16xf32>,
          %swap3A_862 = vector.shape_cast %swap3A_861 : vector<1x16xf32> to vector<16xf32>
          %swap3A_863 = vector.shape_cast %get3A_858 : vector<16xf32> to vector<1x16xf32>
          tpu.vector_store %arg11[%swap3A_859, %swap3A_860], %swap3A_863 {add = true, strides = array<i32>} : memref<8x1024xf32, #tpu.memory_space<vmem>>, vector<1x16xf32>,
          %scan3A_864 = arith.constant 1 : i32
          %scan3A_865 = arith.addi %scan3A_848, %scan3A_864 : i32
          %mul3A_866 = arith.constant 1 : i32
          %mul3A_867 = arith.muli %scan3A_865, %mul3A_866 : i32
          %add3A_868 = arith.constant 0 : i32
          %add3A_869 = arith.addi %add3A_868, %mul3A_867 : i32
          %mul3A_870 = arith.constant 16 : i32
          %mul3A_871 = arith.muli %add3A_869, %mul3A_870 : i32
          %get3A_872 = arith.index_cast %add3A_842 : i32 to index
          %get3A_873 = arith.index_cast %mul3A_871 : i32 to index
          %get3A_874 = tpu.vector_load %arg7[%get3A_872, %get3A_873] {strides = array<i32>} : memref<8x1024xf32, #tpu.memory_space<vmem>>, vector<1x16xf32>,
          %get3A_875 = vector.shape_cast %get3A_874 : vector<1x16xf32> to vector<16xf32>
          %swap3A_876 = arith.index_cast %add3A_842 : i32 to index
          %swap3A_877 = arith.index_cast %mul3A_871 : i32 to index
          %swap3A_878 = tpu.vector_load %arg11[%swap3A_876, %swap3A_877] {strides = array<i32>} : memref<8x1024xf32, #tpu.memory_space<vmem>>, vector<1x16xf32>,
          %swap3A_879 = vector.shape_cast %swap3A_878 : vector<1x16xf32> to vector<16xf32>
          %swap3A_880 = vector.shape_cast %get3A_875 : vector<16xf32> to vector<1x16xf32>
          tpu.vector_store %arg11[%swap3A_876, %swap3A_877], %swap3A_880 {add = true, strides = array<i32>} : memref<8x1024xf32, #tpu.memory_space<vmem>>, vector<1x16xf32>,
          %scan3A_881 = arith.constant 2 : i32
          %scan3A_882 = arith.addi %scan3A_848, %scan3A_881 : i32
          %mul3A_883 = arith.constant 1 : i32
          %mul3A_884 = arith.muli %scan3A_882, %mul3A_883 : i32
          %add3A_885 = arith.constant 0 : i32
          %add3A_886 = arith.addi %add3A_885, %mul3A_884 : i32
          %mul3A_887 = arith.constant 16 : i32
          %mul3A_888 = arith.muli %add3A_886, %mul3A_887 : i32
          %get3A_889 = arith.index_cast %add3A_842 : i32 to index
          %get3A_890 = arith.index_cast %mul3A_888 : i32 to index
          %get3A_891 = tpu.vector_load %arg7[%get3A_889, %get3A_890] {strides = array<i32>} : memref<8x1024xf32, #tpu.memory_space<vmem>>, vector<1x16xf32>,
          %get3A_892 = vector.shape_cast %get3A_891 : vector<1x16xf32> to vector<16xf32>
          %swap3A_893 = arith.index_cast %add3A_842 : i32 to index
          %swap3A_894 = arith.index_cast %mul3A_888 : i32 to index
          %swap3A_895 = tpu.vector_load %arg11[%swap3A_893, %swap3A_894] {strides = array<i32>} : memref<8x1024xf32, #tpu.memory_space<vmem>>, vector<1x16xf32>,
          %swap3A_896 = vector.shape_cast %swap3A_895 : vector<1x16xf32> to vector<16xf32>
          %swap3A_897 = vector.shape_cast %get3A_892 : vector<16xf32> to vector<1x16xf32>
          tpu.vector_store %arg11[%swap3A_893, %swap3A_894], %swap3A_897 {add = true, strides = array<i32>} : memref<8x1024xf32, #tpu.memory_space<vmem>>, vector<1x16xf32>,
          %scan3A_898 = arith.constant 3 : i32
          %scan3A_899 = arith.addi %scan3A_848, %scan3A_898 : i32
          %mul3A_900 = arith.constant 1 : i32
          %mul3A_901 = arith.muli %scan3A_899, %mul3A_900 : i32
          %add3A_902 = arith.constant 0 : i32
          %add3A_903 = arith.addi %add3A_902, %mul3A_901 : i32
          %mul3A_904 = arith.constant 16 : i32
          %mul3A_905 = arith.muli %add3A_903, %mul3A_904 : i32
          %get3A_906 = arith.index_cast %add3A_842 : i32 to index
          %get3A_907 = arith.index_cast %mul3A_905 : i32 to index
          %get3A_908 = tpu.vector_load %arg7[%get3A_906, %get3A_907] {strides = array<i32>} : memref<8x1024xf32, #tpu.memory_space<vmem>>, vector<1x16xf32>,
          %get3A_909 = vector.shape_cast %get3A_908 : vector<1x16xf32> to vector<16xf32>
          %swap3A_910 = arith.index_cast %add3A_842 : i32 to index
          %swap3A_911 = arith.index_cast %mul3A_905 : i32 to index
          %swap3A_912 = tpu.vector_load %arg11[%swap3A_910, %swap3A_911] {strides = array<i32>} : memref<8x1024xf32, #tpu.memory_space<vmem>>, vector<1x16xf32>,
          %swap3A_913 = vector.shape_cast %swap3A_912 : vector<1x16xf32> to vector<16xf32>
          %swap3A_914 = vector.shape_cast %get3A_909 : vector<16xf32> to vector<1x16xf32>
          tpu.vector_store %arg11[%swap3A_910, %swap3A_911], %swap3A_914 {add = true, strides = array<i32>} : memref<8x1024xf32, #tpu.memory_space<vmem>>, vector<1x16xf32>,
          %scan3A_915 = arith.constant 4 : i32
          %scan3A_916 = arith.addi %scan3A_848, %scan3A_915 : i32
          %mul3A_917 = arith.constant 1 : i32
          %mul3A_918 = arith.muli %scan3A_916, %mul3A_917 : i32
          %add3A_919 = arith.constant 0 : i32
          %add3A_920 = arith.addi %add3A_919, %mul3A_918 : i32
          %mul3A_921 = arith.constant 16 : i32
          %mul3A_922 = arith.muli %add3A_920, %mul3A_921 : i32
          %get3A_923 = arith.index_cast %add3A_842 : i32 to index
          %get3A_924 = arith.index_cast %mul3A_922 : i32 to index
          %get3A_925 = tpu.vector_load %arg7[%get3A_923, %get3A_924] {strides = array<i32>} : memref<8x1024xf32, #tpu.memory_space<vmem>>, vector<1x16xf32>,
          %get3A_926 = vector.shape_cast %get3A_925 : vector<1x16xf32> to vector<16xf32>
          %swap3A_927 = arith.index_cast %add3A_842 : i32 to index
          %swap3A_928 = arith.index_cast %mul3A_922 : i32 to index
          %swap3A_929 = tpu.vector_load %arg11[%swap3A_927, %swap3A_928] {strides = array<i32>} : memref<8x1024xf32, #tpu.memory_space<vmem>>, vector<1x16xf32>,
          %swap3A_930 = vector.shape_cast %swap3A_929 : vector<1x16xf32> to vector<16xf32>
          %swap3A_931 = vector.shape_cast %get3A_926 : vector<16xf32> to vector<1x16xf32>
          tpu.vector_store %arg11[%swap3A_927, %swap3A_928], %swap3A_931 {add = true, strides = array<i32>} : memref<8x1024xf32, #tpu.memory_space<vmem>>, vector<1x16xf32>,
          %scan3A_932 = arith.constant 5 : i32
          %scan3A_933 = arith.addi %scan3A_848, %scan3A_932 : i32
          %mul3A_934 = arith.constant 1 : i32
          %mul3A_935 = arith.muli %scan3A_933, %mul3A_934 : i32
          %add3A_936 = arith.constant 0 : i32
          %add3A_937 = arith.addi %add3A_936, %mul3A_935 : i32
          %mul3A_938 = arith.constant 16 : i32
          %mul3A_939 = arith.muli %add3A_937, %mul3A_938 : i32
          %get3A_940 = arith.index_cast %add3A_842 : i32 to index
          %get3A_941 = arith.index_cast %mul3A_939 : i32 to index
          %get3A_942 = tpu.vector_load %arg7[%get3A_940, %get3A_941] {strides = array<i32>} : memref<8x1024xf32, #tpu.memory_space<vmem>>, vector<1x16xf32>,
          %get3A_943 = vector.shape_cast %get3A_942 : vector<1x16xf32> to vector<16xf32>
          %swap3A_944 = arith.index_cast %add3A_842 : i32 to index
          %swap3A_945 = arith.index_cast %mul3A_939 : i32 to index
          %swap3A_946 = tpu.vector_load %arg11[%swap3A_944, %swap3A_945] {strides = array<i32>} : memref<8x1024xf32, #tpu.memory_space<vmem>>, vector<1x16xf32>,
          %swap3A_947 = vector.shape_cast %swap3A_946 : vector<1x16xf32> to vector<16xf32>
          %swap3A_948 = vector.shape_cast %get3A_943 : vector<16xf32> to vector<1x16xf32>
          tpu.vector_store %arg11[%swap3A_944, %swap3A_945], %swap3A_948 {add = true, strides = array<i32>} : memref<8x1024xf32, #tpu.memory_space<vmem>>, vector<1x16xf32>,
          %scan3A_949 = arith.constant 6 : i32
          %scan3A_950 = arith.addi %scan3A_848, %scan3A_949 : i32
          %mul3A_951 = arith.constant 1 : i32
          %mul3A_952 = arith.muli %scan3A_950, %mul3A_951 : i32
          %add3A_953 = arith.constant 0 : i32
          %add3A_954 = arith.addi %add3A_953, %mul3A_952 : i32
          %mul3A_955 = arith.constant 16 : i32
          %mul3A_956 = arith.muli %add3A_954, %mul3A_955 : i32
          %get3A_957 = arith.index_cast %add3A_842 : i32 to index
          %get3A_958 = arith.index_cast %mul3A_956 : i32 to index
          %get3A_959 = tpu.vector_load %arg7[%get3A_957, %get3A_958] {strides = array<i32>} : memref<8x1024xf32, #tpu.memory_space<vmem>>, vector<1x16xf32>,
          %get3A_960 = vector.shape_cast %get3A_959 : vector<1x16xf32> to vector<16xf32>
          %swap3A_961 = arith.index_cast %add3A_842 : i32 to index
          %swap3A_962 = arith.index_cast %mul3A_956 : i32 to index
          %swap3A_963 = tpu.vector_load %arg11[%swap3A_961, %swap3A_962] {strides = array<i32>} : memref<8x1024xf32, #tpu.memory_space<vmem>>, vector<1x16xf32>,
          %swap3A_964 = vector.shape_cast %swap3A_963 : vector<1x16xf32> to vector<16xf32>
          %swap3A_965 = vector.shape_cast %get3A_960 : vector<16xf32> to vector<1x16xf32>
          tpu.vector_store %arg11[%swap3A_961, %swap3A_962], %swap3A_965 {add = true, strides = array<i32>} : memref<8x1024xf32, #tpu.memory_space<vmem>>, vector<1x16xf32>,
          %scan3A_966 = arith.constant 7 : i32
          %scan3A_967 = arith.addi %scan3A_848, %scan3A_966 : i32
          %mul3A_968 = arith.constant 1 : i32
          %mul3A_969 = arith.muli %scan3A_967, %mul3A_968 : i32
          %add3A_970 = arith.constant 0 : i32
          %add3A_971 = arith.addi %add3A_970, %mul3A_969 : i32
          %mul3A_972 = arith.constant 16 : i32
          %mul3A_973 = arith.muli %add3A_971, %mul3A_972 : i32
          %get3A_974 = arith.index_cast %add3A_842 : i32 to index
          %get3A_975 = arith.index_cast %mul3A_973 : i32 to index
          %get3A_976 = tpu.vector_load %arg7[%get3A_974, %get3A_975] {strides = array<i32>} : memref<8x1024xf32, #tpu.memory_space<vmem>>, vector<1x16xf32>,
          %get3A_977 = vector.shape_cast %get3A_976 : vector<1x16xf32> to vector<16xf32>
          %swap3A_978 = arith.index_cast %add3A_842 : i32 to index
          %swap3A_979 = arith.index_cast %mul3A_973 : i32 to index
          %swap3A_980 = tpu.vector_load %arg11[%swap3A_978, %swap3A_979] {strides = array<i32>} : memref<8x1024xf32, #tpu.memory_space<vmem>>, vector<1x16xf32>,
          %swap3A_981 = vector.shape_cast %swap3A_980 : vector<1x16xf32> to vector<16xf32>
          %swap3A_982 = vector.shape_cast %get3A_977 : vector<16xf32> to vector<1x16xf32>
          tpu.vector_store %arg11[%swap3A_978, %swap3A_979], %swap3A_982 {add = true, strides = array<i32>} : memref<8x1024xf32, #tpu.memory_space<vmem>>, vector<1x16xf32>,
        }
        %scan3A_847 = arith.constant 64 : i32
      }
      %scan3A_532 = arith.constant 8 : i32
      %add3A_533 = arith.constant 4 : i32
      %add3A_534 = arith.addi %add3A_516, %add3A_533 : i32
      %lt3A = arith.constant 64 : i32
      %lt3A_535 = arith.cmpi slt, %add3A_534, %lt3A : i32
      %convert_element_type3A = arith.extui %lt3A_535 : i1 to i32
      %cond3A = arith.constant 0 : i32
      %cond3A_536 = arith.cmpi ne, %convert_element_type3A, %cond3A : i32
      scf.if %cond3A_536 {
        %add3A_838 = arith.constant 4 : i32
        %add3A_839 = arith.addi %add3A_516, %add3A_838 : i32
        %mul3A_840 = arith.constant 8 : i32
        %mul3A_841 = arith.muli %add3A_839, %mul3A_840 : i32
        %dma_start3A_842 = tpu.memref_slice %arg6[%mul3A_841] : memref<512xi32, #tpu.memory_space<vmem>> -> memref<8xi32, #tpu.memory_space<vmem>>
        %dma_start3A_843 = arith.constant 0 : i32
        %dma_start3A_844 = arith.constant 0 : i32
        %dma_start3A_845 = tpu.memref_slice %arg4[%dma_start3A_843, %dma_start3A_844] : memref<8192x1024xf32, #tpu.memory_space<hbm>> -> memref<8192x1024xf32, #tpu.memory_space<hbm>>
        tpu.enqueue_indirect_dma source(%dma_start3A_845 : memref<8192x1024xf32, #tpu.memory_space<hbm>>) target(%arg7 : memref<8x1024xf32, #tpu.memory_space<vmem>>) offsets(%dma_start3A_842 : memref<8xi32, #tpu.memory_space<vmem>>) semaphore(%arg19 : memref<!tpu.dma_semaphore, #tpu.memory_space<semaphore_mem>>)
      } else {
      }
      %mul3A_537 = arith.constant 8 : i32
      %mul3A_538 = arith.muli %add3A_516, %mul3A_537 : i32
      %add3A_539 = arith.addi %mul3A_2, %mul3A_538 : i32
      %dma_start3A_540 = arith.constant 0 : i32
      %dma_start3A_541 = tpu.memref_slice %arg5[%add3A_539, %dma_start3A_540] : memref<16384x1024xf32, #tpu.memory_space<hbm>> -> memref<8x1024xf32, #tpu.memory_space<hbm>>
      %dma_start3A_542 = arith.constant 0 : i32
      %dma_start3A_543 = tpu.memref_slice %arg5[%add3A_539, %dma_start3A_542] : memref<16384x1024xf32, #tpu.memory_space<hbm>> -> memref<8x1024xf32, #tpu.memory_space<hbm>>
      tpu.enqueue_dma source(%arg11 : memref<8x1024xf32, #tpu.memory_space<vmem>>) target(%dma_start3A_543 : memref<8x1024xf32, #tpu.memory_space<hbm>>) target_semaphore(%arg31 : memref<!tpu.dma_semaphore, #tpu.memory_space<semaphore_mem>>)
      %add3A_544 = arith.constant 4 : i32
      %add3A_545 = arith.addi %add3A_516, %add3A_544 : i32
      %lt3A_546 = arith.constant 64 : i32
      %lt3A_547 = arith.cmpi slt, %add3A_545, %lt3A_546 : i32
      %convert_element_type3A_548 = arith.extui %lt3A_547 : i1 to i32
      %cond3A_549 = arith.constant 0 : i32
      %cond3A_550 = arith.cmpi ne, %convert_element_type3A_548, %cond3A_549 : i32
      scf.if %cond3A_550 {
        %gt3A = arith.constant 0 : i32
        %gt3A_838 = arith.cmpi sgt, %add3A_512, %gt3A : i32
        %convert_element_type3A_839 = arith.extui %gt3A_838 : i1 to i32
        %cond3A_840 = arith.constant 0 : i32
        %cond3A_841 = arith.cmpi ne, %convert_element_type3A_839, %cond3A_840 : i32
        scf.if %cond3A_841 {
          %dma_wait3A_851 = arith.constant 0 : i32
          %dma_wait3A_852 = arith.constant 0 : i32
          %dma_wait3A_853 = tpu.memref_slice %arg5[%dma_wait3A_851, %dma_wait3A_852] : memref<16384x1024xf32, #tpu.memory_space<hbm>> -> memref<8x1024xf32, #tpu.memory_space<hbm>>
          %dma_wait3A_854 = arith.constant 0 : i32
          %dma_wait3A_855 = arith.constant 0 : i32
          %dma_wait3A_856 = tpu.memref_slice %arg5[%dma_wait3A_854, %dma_wait3A_855] : memref<16384x1024xf32, #tpu.memory_space<hbm>> -> memref<8x1024xf32, #tpu.memory_space<hbm>>
          tpu.wait_dma2 semaphore(%arg35 : memref<!tpu.dma_semaphore, #tpu.memory_space<semaphore_mem>>) src(%arg15 : memref<8x1024xf32, #tpu.memory_space<vmem>>) dst(%dma_wait3A_856 : memref<8x1024xf32, #tpu.memory_space<hbm>>)
        } else {
        }
        %add3A_842 = arith.constant 4 : i32
        %add3A_843 = arith.addi %add3A_516, %add3A_842 : i32
        %mul3A_844 = arith.constant 8 : i32
        %mul3A_845 = arith.muli %add3A_843, %mul3A_844 : i32
        %add3A_846 = arith.addi %mul3A_2, %mul3A_845 : i32
        %dma_start3A_847 = arith.constant 0 : i32
        %dma_start3A_848 = tpu.memref_slice %arg2[%add3A_846, %dma_start3A_847] : memref<16384x1024xf32, #tpu.memory_space<hbm>> -> memref<8x1024xf32, #tpu.memory_space<hbm>>
        %dma_start3A_849 = arith.constant 0 : i32
        %dma_start3A_850 = tpu.memref_slice %arg2[%add3A_846, %dma_start3A_849] : memref<16384x1024xf32, #tpu.memory_space<hbm>> -> memref<8x1024xf32, #tpu.memory_space<hbm>>
        tpu.enqueue_dma source(%dma_start3A_850 : memref<8x1024xf32, #tpu.memory_space<hbm>>) target(%arg15 : memref<8x1024xf32, #tpu.memory_space<vmem>>) target_semaphore(%arg27 : memref<!tpu.dma_semaphore, #tpu.memory_space<semaphore_mem>>)
      } else {
      }
      %mul3A_551 = arith.constant 8 : i32
      %mul3A_552 = arith.muli %add3A_512, %mul3A_551 : i32
      %add3A_553 = arith.constant 1 : i32
      %add3A_554 = arith.addi %mul3A_552, %add3A_553 : i32
      %dma_wait3A_555 = arith.constant 0 : i32
      %dma_wait3A_556 = tpu.memref_slice %arg6[%dma_wait3A_555] : memref<512xi32, #tpu.memory_space<vmem>> -> memref<8xi32, #tpu.memory_space<vmem>>
      %dma_wait3A_557 = arith.constant 0 : i32
      %dma_wait3A_558 = arith.constant 0 : i32
      %dma_wait3A_559 = tpu.memref_slice %arg4[%dma_wait3A_557, %dma_wait3A_558] : memref<8192x1024xf32, #tpu.memory_space<hbm>> -> memref<8192x1024xf32, #tpu.memory_space<hbm>>
      tpu.wait_indirect_dma semaphore(%arg20 : memref<!tpu.dma_semaphore, #tpu.memory_space<semaphore_mem>>) src(%dma_wait3A_559 : memref<8192x1024xf32, #tpu.memory_space<hbm>>) dst(%arg8 : memref<8x1024xf32, #tpu.memory_space<vmem>>)
      %dma_wait3A_560 = arith.constant 0 : i32
      %dma_wait3A_561 = arith.constant 0 : i32
      %dma_wait3A_562 = tpu.memref_slice %arg2[%dma_wait3A_560, %dma_wait3A_561] : memref<16384x1024xf32, #tpu.memory_space<hbm>> -> memref<8x1024xf32, #tpu.memory_space<hbm>>
      %dma_wait3A_563 = arith.constant 0 : i32
      %dma_wait3A_564 = arith.constant 0 : i32
      %dma_wait3A_565 = tpu.memref_slice %arg2[%dma_wait3A_563, %dma_wait3A_564] : memref<16384x1024xf32, #tpu.memory_space<hbm>> -> memref<8x1024xf32, #tpu.memory_space<hbm>>
      tpu.wait_dma2 semaphore(%arg24 : memref<!tpu.dma_semaphore, #tpu.memory_space<semaphore_mem>>) src(%dma_wait3A_565 : memref<8x1024xf32, #tpu.memory_space<hbm>>) dst(%arg12 : memref<8x1024xf32, #tpu.memory_space<vmem>>)
      %scan3A_566 = arith.constant 0 : i32
      %scan3A_567 = arith.constant 8 : i32
      %scan3A_568 = arith.addi %scan3A_566, %scan3A_567 : i32
      %scan3A_569 = arith.constant 1 : i32
      scf.for %scan3A_838 = %scan3A_566 to %scan3A_568 step %scan3A_569  : i32 {
        %mul3A_839 = arith.constant 1 : i32
        %mul3A_840 = arith.muli %scan3A_838, %mul3A_839 : i32
        %add3A_841 = arith.constant 0 : i32
        %add3A_842 = arith.addi %add3A_841, %mul3A_840 : i32
        %scan3A_843 = arith.constant 0 : i32
        %scan3A_844 = arith.constant 64 : i32
        %scan3A_845 = arith.addi %scan3A_843, %scan3A_844 : i32
        %scan3A_846 = arith.constant 8 : i32
        scf.for %scan3A_848 = %scan3A_843 to %scan3A_845 step %scan3A_846  : i32 {
          %mul3A_849 = arith.constant 1 : i32
          %mul3A_850 = arith.muli %scan3A_848, %mul3A_849 : i32
          %add3A_851 = arith.constant 0 : i32
          %add3A_852 = arith.addi %add3A_851, %mul3A_850 : i32
          %mul3A_853 = arith.constant 16 : i32
          %mul3A_854 = arith.muli %add3A_852, %mul3A_853 : i32
          %get3A_855 = arith.index_cast %add3A_842 : i32 to index
          %get3A_856 = arith.index_cast %mul3A_854 : i32 to index
          %get3A_857 = tpu.vector_load %arg8[%get3A_855, %get3A_856] {strides = array<i32>} : memref<8x1024xf32, #tpu.memory_space<vmem>>, vector<1x16xf32>,
          %get3A_858 = vector.shape_cast %get3A_857 : vector<1x16xf32> to vector<16xf32>
          %swap3A_859 = arith.index_cast %add3A_842 : i32 to index
          %swap3A_860 = arith.index_cast %mul3A_854 : i32 to index
          %swap3A_861 = tpu.vector_load %arg12[%swap3A_859, %swap3A_860] {strides = array<i32>} : memref<8x1024xf32, #tpu.memory_space<vmem>>, vector<1x16xf32>,
          %swap3A_862 = vector.shape_cast %swap3A_861 : vector<1x16xf32> to vector<16xf32>
          %swap3A_863 = vector.shape_cast %get3A_858 : vector<16xf32> to vector<1x16xf32>
          tpu.vector_store %arg12[%swap3A_859, %swap3A_860], %swap3A_863 {add = true, strides = array<i32>} : memref<8x1024xf32, #tpu.memory_space<vmem>>, vector<1x16xf32>,
          %scan3A_864 = arith.constant 1 : i32
          %scan3A_865 = arith.addi %scan3A_848, %scan3A_864 : i32
          %mul3A_866 = arith.constant 1 : i32
          %mul3A_867 = arith.muli %scan3A_865, %mul3A_866 : i32
          %add3A_868 = arith.constant 0 : i32
          %add3A_869 = arith.addi %add3A_868, %mul3A_867 : i32
          %mul3A_870 = arith.constant 16 : i32
          %mul3A_871 = arith.muli %add3A_869, %mul3A_870 : i32
          %get3A_872 = arith.index_cast %add3A_842 : i32 to index
          %get3A_873 = arith.index_cast %mul3A_871 : i32 to index
          %get3A_874 = tpu.vector_load %arg8[%get3A_872, %get3A_873] {strides = array<i32>} : memref<8x1024xf32, #tpu.memory_space<vmem>>, vector<1x16xf32>,
          %get3A_875 = vector.shape_cast %get3A_874 : vector<1x16xf32> to vector<16xf32>
          %swap3A_876 = arith.index_cast %add3A_842 : i32 to index
          %swap3A_877 = arith.index_cast %mul3A_871 : i32 to index
          %swap3A_878 = tpu.vector_load %arg12[%swap3A_876, %swap3A_877] {strides = array<i32>} : memref<8x1024xf32, #tpu.memory_space<vmem>>, vector<1x16xf32>,
          %swap3A_879 = vector.shape_cast %swap3A_878 : vector<1x16xf32> to vector<16xf32>
          %swap3A_880 = vector.shape_cast %get3A_875 : vector<16xf32> to vector<1x16xf32>
          tpu.vector_store %arg12[%swap3A_876, %swap3A_877], %swap3A_880 {add = true, strides = array<i32>} : memref<8x1024xf32, #tpu.memory_space<vmem>>, vector<1x16xf32>,
          %scan3A_881 = arith.constant 2 : i32
          %scan3A_882 = arith.addi %scan3A_848, %scan3A_881 : i32
          %mul3A_883 = arith.constant 1 : i32
          %mul3A_884 = arith.muli %scan3A_882, %mul3A_883 : i32
          %add3A_885 = arith.constant 0 : i32
          %add3A_886 = arith.addi %add3A_885, %mul3A_884 : i32
          %mul3A_887 = arith.constant 16 : i32
          %mul3A_888 = arith.muli %add3A_886, %mul3A_887 : i32
          %get3A_889 = arith.index_cast %add3A_842 : i32 to index
          %get3A_890 = arith.index_cast %mul3A_888 : i32 to index
          %get3A_891 = tpu.vector_load %arg8[%get3A_889, %get3A_890] {strides = array<i32>} : memref<8x1024xf32, #tpu.memory_space<vmem>>, vector<1x16xf32>,
          %get3A_892 = vector.shape_cast %get3A_891 : vector<1x16xf32> to vector<16xf32>
          %swap3A_893 = arith.index_cast %add3A_842 : i32 to index
          %swap3A_894 = arith.index_cast %mul3A_888 : i32 to index
          %swap3A_895 = tpu.vector_load %arg12[%swap3A_893, %swap3A_894] {strides = array<i32>} : memref<8x1024xf32, #tpu.memory_space<vmem>>, vector<1x16xf32>,
          %swap3A_896 = vector.shape_cast %swap3A_895 : vector<1x16xf32> to vector<16xf32>
          %swap3A_897 = vector.shape_cast %get3A_892 : vector<16xf32> to vector<1x16xf32>
          tpu.vector_store %arg12[%swap3A_893, %swap3A_894], %swap3A_897 {add = true, strides = array<i32>} : memref<8x1024xf32, #tpu.memory_space<vmem>>, vector<1x16xf32>,
          %scan3A_898 = arith.constant 3 : i32
          %scan3A_899 = arith.addi %scan3A_848, %scan3A_898 : i32
          %mul3A_900 = arith.constant 1 : i32
          %mul3A_901 = arith.muli %scan3A_899, %mul3A_900 : i32
          %add3A_902 = arith.constant 0 : i32
          %add3A_903 = arith.addi %add3A_902, %mul3A_901 : i32
          %mul3A_904 = arith.constant 16 : i32
          %mul3A_905 = arith.muli %add3A_903, %mul3A_904 : i32
          %get3A_906 = arith.index_cast %add3A_842 : i32 to index
          %get3A_907 = arith.index_cast %mul3A_905 : i32 to index
          %get3A_908 = tpu.vector_load %arg8[%get3A_906, %get3A_907] {strides = array<i32>} : memref<8x1024xf32, #tpu.memory_space<vmem>>, vector<1x16xf32>,
          %get3A_909 = vector.shape_cast %get3A_908 : vector<1x16xf32> to vector<16xf32>
          %swap3A_910 = arith.index_cast %add3A_842 : i32 to index
          %swap3A_911 = arith.index_cast %mul3A_905 : i32 to index
          %swap3A_912 = tpu.vector_load %arg12[%swap3A_910, %swap3A_911] {strides = array<i32>} : memref<8x1024xf32, #tpu.memory_space<vmem>>, vector<1x16xf32>,
          %swap3A_913 = vector.shape_cast %swap3A_912 : vector<1x16xf32> to vector<16xf32>
          %swap3A_914 = vector.shape_cast %get3A_909 : vector<16xf32> to vector<1x16xf32>
          tpu.vector_store %arg12[%swap3A_910, %swap3A_911], %swap3A_914 {add = true, strides = array<i32>} : memref<8x1024xf32, #tpu.memory_space<vmem>>, vector<1x16xf32>,
          %scan3A_915 = arith.constant 4 : i32
          %scan3A_916 = arith.addi %scan3A_848, %scan3A_915 : i32
          %mul3A_917 = arith.constant 1 : i32
          %mul3A_918 = arith.muli %scan3A_916, %mul3A_917 : i32
          %add3A_919 = arith.constant 0 : i32
          %add3A_920 = arith.addi %add3A_919, %mul3A_918 : i32
          %mul3A_921 = arith.constant 16 : i32
          %mul3A_922 = arith.muli %add3A_920, %mul3A_921 : i32
          %get3A_923 = arith.index_cast %add3A_842 : i32 to index
          %get3A_924 = arith.index_cast %mul3A_922 : i32 to index
          %get3A_925 = tpu.vector_load %arg8[%get3A_923, %get3A_924] {strides = array<i32>} : memref<8x1024xf32, #tpu.memory_space<vmem>>, vector<1x16xf32>,
          %get3A_926 = vector.shape_cast %get3A_925 : vector<1x16xf32> to vector<16xf32>
          %swap3A_927 = arith.index_cast %add3A_842 : i32 to index
          %swap3A_928 = arith.index_cast %mul3A_922 : i32 to index
          %swap3A_929 = tpu.vector_load %arg12[%swap3A_927, %swap3A_928] {strides = array<i32>} : memref<8x1024xf32, #tpu.memory_space<vmem>>, vector<1x16xf32>,
          %swap3A_930 = vector.shape_cast %swap3A_929 : vector<1x16xf32> to vector<16xf32>
          %swap3A_931 = vector.shape_cast %get3A_926 : vector<16xf32> to vector<1x16xf32>
          tpu.vector_store %arg12[%swap3A_927, %swap3A_928], %swap3A_931 {add = true, strides = array<i32>} : memref<8x1024xf32, #tpu.memory_space<vmem>>, vector<1x16xf32>,
          %scan3A_932 = arith.constant 5 : i32
          %scan3A_933 = arith.addi %scan3A_848, %scan3A_932 : i32
          %mul3A_934 = arith.constant 1 : i32
          %mul3A_935 = arith.muli %scan3A_933, %mul3A_934 : i32
          %add3A_936 = arith.constant 0 : i32
          %add3A_937 = arith.addi %add3A_936, %mul3A_935 : i32
          %mul3A_938 = arith.constant 16 : i32
          %mul3A_939 = arith.muli %add3A_937, %mul3A_938 : i32
          %get3A_940 = arith.index_cast %add3A_842 : i32 to index
          %get3A_941 = arith.index_cast %mul3A_939 : i32 to index
          %get3A_942 = tpu.vector_load %arg8[%get3A_940, %get3A_941] {strides = array<i32>} : memref<8x1024xf32, #tpu.memory_space<vmem>>, vector<1x16xf32>,
          %get3A_943 = vector.shape_cast %get3A_942 : vector<1x16xf32> to vector<16xf32>
          %swap3A_944 = arith.index_cast %add3A_842 : i32 to index
          %swap3A_945 = arith.index_cast %mul3A_939 : i32 to index
          %swap3A_946 = tpu.vector_load %arg12[%swap3A_944, %swap3A_945] {strides = array<i32>} : memref<8x1024xf32, #tpu.memory_space<vmem>>, vector<1x16xf32>,
          %swap3A_947 = vector.shape_cast %swap3A_946 : vector<1x16xf32> to vector<16xf32>
          %swap3A_948 = vector.shape_cast %get3A_943 : vector<16xf32> to vector<1x16xf32>
          tpu.vector_store %arg12[%swap3A_944, %swap3A_945], %swap3A_948 {add = true, strides = array<i32>} : memref<8x1024xf32, #tpu.memory_space<vmem>>, vector<1x16xf32>,
          %scan3A_949 = arith.constant 6 : i32
          %scan3A_950 = arith.addi %scan3A_848, %scan3A_949 : i32
          %mul3A_951 = arith.constant 1 : i32
          %mul3A_952 = arith.muli %scan3A_950, %mul3A_951 : i32
          %add3A_953 = arith.constant 0 : i32
          %add3A_954 = arith.addi %add3A_953, %mul3A_952 : i32
          %mul3A_955 = arith.constant 16 : i32
          %mul3A_956 = arith.muli %add3A_954, %mul3A_955 : i32
          %get3A_957 = arith.index_cast %add3A_842 : i32 to index
          %get3A_958 = arith.index_cast %mul3A_956 : i32 to index
          %get3A_959 = tpu.vector_load %arg8[%get3A_957, %get3A_958] {strides = array<i32>} : memref<8x1024xf32, #tpu.memory_space<vmem>>, vector<1x16xf32>,
          %get3A_960 = vector.shape_cast %get3A_959 : vector<1x16xf32> to vector<16xf32>
          %swap3A_961 = arith.index_cast %add3A_842 : i32 to index
          %swap3A_962 = arith.index_cast %mul3A_956 : i32 to index
          %swap3A_963 = tpu.vector_load %arg12[%swap3A_961, %swap3A_962] {strides = array<i32>} : memref<8x1024xf32, #tpu.memory_space<vmem>>, vector<1x16xf32>,
          %swap3A_964 = vector.shape_cast %swap3A_963 : vector<1x16xf32> to vector<16xf32>
          %swap3A_965 = vector.shape_cast %get3A_960 : vector<16xf32> to vector<1x16xf32>
          tpu.vector_store %arg12[%swap3A_961, %swap3A_962], %swap3A_965 {add = true, strides = array<i32>} : memref<8x1024xf32, #tpu.memory_space<vmem>>, vector<1x16xf32>,
          %scan3A_966 = arith.constant 7 : i32
          %scan3A_967 = arith.addi %scan3A_848, %scan3A_966 : i32
          %mul3A_968 = arith.constant 1 : i32
          %mul3A_969 = arith.muli %scan3A_967, %mul3A_968 : i32
          %add3A_970 = arith.constant 0 : i32
          %add3A_971 = arith.addi %add3A_970, %mul3A_969 : i32
          %mul3A_972 = arith.constant 16 : i32
          %mul3A_973 = arith.muli %add3A_971, %mul3A_972 : i32
          %get3A_974 = arith.index_cast %add3A_842 : i32 to index
          %get3A_975 = arith.index_cast %mul3A_973 : i32 to index
          %get3A_976 = tpu.vector_load %arg8[%get3A_974, %get3A_975] {strides = array<i32>} : memref<8x1024xf32, #tpu.memory_space<vmem>>, vector<1x16xf32>,
          %get3A_977 = vector.shape_cast %get3A_976 : vector<1x16xf32> to vector<16xf32>
          %swap3A_978 = arith.index_cast %add3A_842 : i32 to index
          %swap3A_979 = arith.index_cast %mul3A_973 : i32 to index
          %swap3A_980 = tpu.vector_load %arg12[%swap3A_978, %swap3A_979] {strides = array<i32>} : memref<8x1024xf32, #tpu.memory_space<vmem>>, vector<1x16xf32>,
          %swap3A_981 = vector.shape_cast %swap3A_980 : vector<1x16xf32> to vector<16xf32>
          %swap3A_982 = vector.shape_cast %get3A_977 : vector<16xf32> to vector<1x16xf32>
          tpu.vector_store %arg12[%swap3A_978, %swap3A_979], %swap3A_982 {add = true, strides = array<i32>} : memref<8x1024xf32, #tpu.memory_space<vmem>>, vector<1x16xf32>,
        }
        %scan3A_847 = arith.constant 64 : i32
      }
      %scan3A_570 = arith.constant 8 : i32
      %add3A_571 = arith.constant 4 : i32
      %add3A_572 = arith.addi %add3A_554, %add3A_571 : i32
      %lt3A_573 = arith.constant 64 : i32
      %lt3A_574 = arith.cmpi slt, %add3A_572, %lt3A_573 : i32
      %convert_element_type3A_575 = arith.extui %lt3A_574 : i1 to i32
      %cond3A_576 = arith.constant 0 : i32
      %cond3A_577 = arith.cmpi ne, %convert_element_type3A_575, %cond3A_576 : i32
      scf.if %cond3A_577 {
        %add3A_838 = arith.constant 4 : i32
        %add3A_839 = arith.addi %add3A_554, %add3A_838 : i32
        %mul3A_840 = arith.constant 8 : i32
        %mul3A_841 = arith.muli %add3A_839, %mul3A_840 : i32
        %dma_start3A_842 = tpu.memref_slice %arg6[%mul3A_841] : memref<512xi32, #tpu.memory_space<vmem>> -> memref<8xi32, #tpu.memory_space<vmem>>
        %dma_start3A_843 = arith.constant 0 : i32
        %dma_start3A_844 = arith.constant 0 : i32
        %dma_start3A_845 = tpu.memref_slice %arg4[%dma_start3A_843, %dma_start3A_844] : memref<8192x1024xf32, #tpu.memory_space<hbm>> -> memref<8192x1024xf32, #tpu.memory_space<hbm>>
        tpu.enqueue_indirect_dma source(%dma_start3A_845 : memref<8192x1024xf32, #tpu.memory_space<hbm>>) target(%arg8 : memref<8x1024xf32, #tpu.memory_space<vmem>>) offsets(%dma_start3A_842 : memref<8xi32, #tpu.memory_space<vmem>>) semaphore(%arg20 : memref<!tpu.dma_semaphore, #tpu.memory_space<semaphore_mem>>)
      } else {
      }
      %mul3A_578 = arith.constant 8 : i32
      %mul3A_579 = arith.muli %add3A_554, %mul3A_578 : i32
      %add3A_580 = arith.addi %mul3A_2, %mul3A_579 : i32
      %dma_start3A_581 = arith.constant 0 : i32
      %dma_start3A_582 = tpu.memref_slice %arg5[%add3A_580, %dma_start3A_581] : memref<16384x1024xf32, #tpu.memory_space<hbm>> -> memref<8x1024xf32, #tpu.memory_space<hbm>>
      %dma_start3A_583 = arith.constant 0 : i32
      %dma_start3A_584 = tpu.memref_slice %arg5[%add3A_580, %dma_start3A_583] : memref<16384x1024xf32, #tpu.memory_space<hbm>> -> memref<8x1024xf32, #tpu.memory_space<hbm>>
      tpu.enqueue_dma source(%arg12 : memref<8x1024xf32, #tpu.memory_space<vmem>>) target(%dma_start3A_584 : memref<8x1024xf32, #tpu.memory_space<hbm>>) target_semaphore(%arg32 : memref<!tpu.dma_semaphore, #tpu.memory_space<semaphore_mem>>)
      %add3A_585 = arith.constant 4 : i32
      %add3A_586 = arith.addi %add3A_554, %add3A_585 : i32
      %lt3A_587 = arith.constant 64 : i32
      %lt3A_588 = arith.cmpi slt, %add3A_586, %lt3A_587 : i32
      %convert_element_type3A_589 = arith.extui %lt3A_588 : i1 to i32
      %cond3A_590 = arith.constant 0 : i32
      %cond3A_591 = arith.cmpi ne, %convert_element_type3A_589, %cond3A_590 : i32
      scf.if %cond3A_591 {
        %gt3A = arith.constant 0 : i32
        %gt3A_838 = arith.cmpi sgt, %add3A_512, %gt3A : i32
        %convert_element_type3A_839 = arith.extui %gt3A_838 : i1 to i32
        %cond3A_840 = arith.constant 0 : i32
        %cond3A_841 = arith.cmpi ne, %convert_element_type3A_839, %cond3A_840 : i32
        scf.if %cond3A_841 {
          %dma_wait3A_851 = arith.constant 0 : i32
          %dma_wait3A_852 = arith.constant 0 : i32
          %dma_wait3A_853 = tpu.memref_slice %arg5[%dma_wait3A_851, %dma_wait3A_852] : memref<16384x1024xf32, #tpu.memory_space<hbm>> -> memref<8x1024xf32, #tpu.memory_space<hbm>>
          %dma_wait3A_854 = arith.constant 0 : i32
          %dma_wait3A_855 = arith.constant 0 : i32
          %dma_wait3A_856 = tpu.memref_slice %arg5[%dma_wait3A_854, %dma_wait3A_855] : memref<16384x1024xf32, #tpu.memory_space<hbm>> -> memref<8x1024xf32, #tpu.memory_space<hbm>>
          tpu.wait_dma2 semaphore(%arg36 : memref<!tpu.dma_semaphore, #tpu.memory_space<semaphore_mem>>) src(%arg16 : memref<8x1024xf32, #tpu.memory_space<vmem>>) dst(%dma_wait3A_856 : memref<8x1024xf32, #tpu.memory_space<hbm>>)
        } else {
        }
        %add3A_842 = arith.constant 4 : i32
        %add3A_843 = arith.addi %add3A_554, %add3A_842 : i32
        %mul3A_844 = arith.constant 8 : i32
        %mul3A_845 = arith.muli %add3A_843, %mul3A_844 : i32
        %add3A_846 = arith.addi %mul3A_2, %mul3A_845 : i32
        %dma_start3A_847 = arith.constant 0 : i32
        %dma_start3A_848 = tpu.memref_slice %arg2[%add3A_846, %dma_start3A_847] : memref<16384x1024xf32, #tpu.memory_space<hbm>> -> memref<8x1024xf32, #tpu.memory_space<hbm>>
        %dma_start3A_849 = arith.constant 0 : i32
        %dma_start3A_850 = tpu.memref_slice %arg2[%add3A_846, %dma_start3A_849] : memref<16384x1024xf32, #tpu.memory_space<hbm>> -> memref<8x1024xf32, #tpu.memory_space<hbm>>
        tpu.enqueue_dma source(%dma_start3A_850 : memref<8x1024xf32, #tpu.memory_space<hbm>>) target(%arg16 : memref<8x1024xf32, #tpu.memory_space<vmem>>) target_semaphore(%arg28 : memref<!tpu.dma_semaphore, #tpu.memory_space<semaphore_mem>>)
      } else {
      }
      %mul3A_592 = arith.constant 8 : i32
      %mul3A_593 = arith.muli %add3A_512, %mul3A_592 : i32
      %add3A_594 = arith.constant 2 : i32
      %add3A_595 = arith.addi %mul3A_593, %add3A_594 : i32
      %dma_wait3A_596 = arith.constant 0 : i32
      %dma_wait3A_597 = tpu.memref_slice %arg6[%dma_wait3A_596] : memref<512xi32, #tpu.memory_space<vmem>> -> memref<8xi32, #tpu.memory_space<vmem>>
      %dma_wait3A_598 = arith.constant 0 : i32
      %dma_wait3A_599 = arith.constant 0 : i32
      %dma_wait3A_600 = tpu.memref_slice %arg4[%dma_wait3A_598, %dma_wait3A_599] : memref<8192x1024xf32, #tpu.memory_space<hbm>> -> memref<8192x1024xf32, #tpu.memory_space<hbm>>
      tpu.wait_indirect_dma semaphore(%arg21 : memref<!tpu.dma_semaphore, #tpu.memory_space<semaphore_mem>>) src(%dma_wait3A_600 : memref<8192x1024xf32, #tpu.memory_space<hbm>>) dst(%arg9 : memref<8x1024xf32, #tpu.memory_space<vmem>>)
      %dma_wait3A_601 = arith.constant 0 : i32
      %dma_wait3A_602 = arith.constant 0 : i32
      %dma_wait3A_603 = tpu.memref_slice %arg2[%dma_wait3A_601, %dma_wait3A_602] : memref<16384x1024xf32, #tpu.memory_space<hbm>> -> memref<8x1024xf32, #tpu.memory_space<hbm>>
      %dma_wait3A_604 = arith.constant 0 : i32
      %dma_wait3A_605 = arith.constant 0 : i32
      %dma_wait3A_606 = tpu.memref_slice %arg2[%dma_wait3A_604, %dma_wait3A_605] : memref<16384x1024xf32, #tpu.memory_space<hbm>> -> memref<8x1024xf32, #tpu.memory_space<hbm>>
      tpu.wait_dma2 semaphore(%arg25 : memref<!tpu.dma_semaphore, #tpu.memory_space<semaphore_mem>>) src(%dma_wait3A_606 : memref<8x1024xf32, #tpu.memory_space<hbm>>) dst(%arg13 : memref<8x1024xf32, #tpu.memory_space<vmem>>)
      %scan3A_607 = arith.constant 0 : i32
      %scan3A_608 = arith.constant 8 : i32
      %scan3A_609 = arith.addi %scan3A_607, %scan3A_608 : i32
      %scan3A_610 = arith.constant 1 : i32
      scf.for %scan3A_838 = %scan3A_607 to %scan3A_609 step %scan3A_610  : i32 {
        %mul3A_839 = arith.constant 1 : i32
        %mul3A_840 = arith.muli %scan3A_838, %mul3A_839 : i32
        %add3A_841 = arith.constant 0 : i32
        %add3A_842 = arith.addi %add3A_841, %mul3A_840 : i32
        %scan3A_843 = arith.constant 0 : i32
        %scan3A_844 = arith.constant 64 : i32
        %scan3A_845 = arith.addi %scan3A_843, %scan3A_844 : i32
        %scan3A_846 = arith.constant 8 : i32
        scf.for %scan3A_848 = %scan3A_843 to %scan3A_845 step %scan3A_846  : i32 {
          %mul3A_849 = arith.constant 1 : i32
          %mul3A_850 = arith.muli %scan3A_848, %mul3A_849 : i32
          %add3A_851 = arith.constant 0 : i32
          %add3A_852 = arith.addi %add3A_851, %mul3A_850 : i32
          %mul3A_853 = arith.constant 16 : i32
          %mul3A_854 = arith.muli %add3A_852, %mul3A_853 : i32
          %get3A_855 = arith.index_cast %add3A_842 : i32 to index
          %get3A_856 = arith.index_cast %mul3A_854 : i32 to index
          %get3A_857 = tpu.vector_load %arg9[%get3A_855, %get3A_856] {strides = array<i32>} : memref<8x1024xf32, #tpu.memory_space<vmem>>, vector<1x16xf32>,
          %get3A_858 = vector.shape_cast %get3A_857 : vector<1x16xf32> to vector<16xf32>
          %swap3A_859 = arith.index_cast %add3A_842 : i32 to index
          %swap3A_860 = arith.index_cast %mul3A_854 : i32 to index
          %swap3A_861 = tpu.vector_load %arg13[%swap3A_859, %swap3A_860] {strides = array<i32>} : memref<8x1024xf32, #tpu.memory_space<vmem>>, vector<1x16xf32>,
          %swap3A_862 = vector.shape_cast %swap3A_861 : vector<1x16xf32> to vector<16xf32>
          %swap3A_863 = vector.shape_cast %get3A_858 : vector<16xf32> to vector<1x16xf32>
          tpu.vector_store %arg13[%swap3A_859, %swap3A_860], %swap3A_863 {add = true, strides = array<i32>} : memref<8x1024xf32, #tpu.memory_space<vmem>>, vector<1x16xf32>,
          %scan3A_864 = arith.constant 1 : i32
          %scan3A_865 = arith.addi %scan3A_848, %scan3A_864 : i32
          %mul3A_866 = arith.constant 1 : i32
          %mul3A_867 = arith.muli %scan3A_865, %mul3A_866 : i32
          %add3A_868 = arith.constant 0 : i32
          %add3A_869 = arith.addi %add3A_868, %mul3A_867 : i32
          %mul3A_870 = arith.constant 16 : i32
          %mul3A_871 = arith.muli %add3A_869, %mul3A_870 : i32
          %get3A_872 = arith.index_cast %add3A_842 : i32 to index
          %get3A_873 = arith.index_cast %mul3A_871 : i32 to index
          %get3A_874 = tpu.vector_load %arg9[%get3A_872, %get3A_873] {strides = array<i32>} : memref<8x1024xf32, #tpu.memory_space<vmem>>, vector<1x16xf32>,
          %get3A_875 = vector.shape_cast %get3A_874 : vector<1x16xf32> to vector<16xf32>
          %swap3A_876 = arith.index_cast %add3A_842 : i32 to index
          %swap3A_877 = arith.index_cast %mul3A_871 : i32 to index
          %swap3A_878 = tpu.vector_load %arg13[%swap3A_876, %swap3A_877] {strides = array<i32>} : memref<8x1024xf32, #tpu.memory_space<vmem>>, vector<1x16xf32>,
          %swap3A_879 = vector.shape_cast %swap3A_878 : vector<1x16xf32> to vector<16xf32>
          %swap3A_880 = vector.shape_cast %get3A_875 : vector<16xf32> to vector<1x16xf32>
          tpu.vector_store %arg13[%swap3A_876, %swap3A_877], %swap3A_880 {add = true, strides = array<i32>} : memref<8x1024xf32, #tpu.memory_space<vmem>>, vector<1x16xf32>,
          %scan3A_881 = arith.constant 2 : i32
          %scan3A_882 = arith.addi %scan3A_848, %scan3A_881 : i32
          %mul3A_883 = arith.constant 1 : i32
          %mul3A_884 = arith.muli %scan3A_882, %mul3A_883 : i32
          %add3A_885 = arith.constant 0 : i32
          %add3A_886 = arith.addi %add3A_885, %mul3A_884 : i32
          %mul3A_887 = arith.constant 16 : i32
          %mul3A_888 = arith.muli %add3A_886, %mul3A_887 : i32
          %get3A_889 = arith.index_cast %add3A_842 : i32 to index
          %get3A_890 = arith.index_cast %mul3A_888 : i32 to index
          %get3A_891 = tpu.vector_load %arg9[%get3A_889, %get3A_890] {strides = array<i32>} : memref<8x1024xf32, #tpu.memory_space<vmem>>, vector<1x16xf32>,
          %get3A_892 = vector.shape_cast %get3A_891 : vector<1x16xf32> to vector<16xf32>
          %swap3A_893 = arith.index_cast %add3A_842 : i32 to index
          %swap3A_894 = arith.index_cast %mul3A_888 : i32 to index
          %swap3A_895 = tpu.vector_load %arg13[%swap3A_893, %swap3A_894] {strides = array<i32>} : memref<8x1024xf32, #tpu.memory_space<vmem>>, vector<1x16xf32>,
          %swap3A_896 = vector.shape_cast %swap3A_895 : vector<1x16xf32> to vector<16xf32>
          %swap3A_897 = vector.shape_cast %get3A_892 : vector<16xf32> to vector<1x16xf32>
          tpu.vector_store %arg13[%swap3A_893, %swap3A_894], %swap3A_897 {add = true, strides = array<i32>} : memref<8x1024xf32, #tpu.memory_space<vmem>>, vector<1x16xf32>,
          %scan3A_898 = arith.constant 3 : i32
          %scan3A_899 = arith.addi %scan3A_848, %scan3A_898 : i32
          %mul3A_900 = arith.constant 1 : i32
          %mul3A_901 = arith.muli %scan3A_899, %mul3A_900 : i32
          %add3A_902 = arith.constant 0 : i32
          %add3A_903 = arith.addi %add3A_902, %mul3A_901 : i32
          %mul3A_904 = arith.constant 16 : i32
          %mul3A_905 = arith.muli %add3A_903, %mul3A_904 : i32
          %get3A_906 = arith.index_cast %add3A_842 : i32 to index
          %get3A_907 = arith.index_cast %mul3A_905 : i32 to index
          %get3A_908 = tpu.vector_load %arg9[%get3A_906, %get3A_907] {strides = array<i32>} : memref<8x1024xf32, #tpu.memory_space<vmem>>, vector<1x16xf32>,
          %get3A_909 = vector.shape_cast %get3A_908 : vector<1x16xf32> to vector<16xf32>
          %swap3A_910 = arith.index_cast %add3A_842 : i32 to index
          %swap3A_911 = arith.index_cast %mul3A_905 : i32 to index
          %swap3A_912 = tpu.vector_load %arg13[%swap3A_910, %swap3A_911] {strides = array<i32>} : memref<8x1024xf32, #tpu.memory_space<vmem>>, vector<1x16xf32>,
          %swap3A_913 = vector.shape_cast %swap3A_912 : vector<1x16xf32> to vector<16xf32>
          %swap3A_914 = vector.shape_cast %get3A_909 : vector<16xf32> to vector<1x16xf32>
          tpu.vector_store %arg13[%swap3A_910, %swap3A_911], %swap3A_914 {add = true, strides = array<i32>} : memref<8x1024xf32, #tpu.memory_space<vmem>>, vector<1x16xf32>,
          %scan3A_915 = arith.constant 4 : i32
          %scan3A_916 = arith.addi %scan3A_848, %scan3A_915 : i32
          %mul3A_917 = arith.constant 1 : i32
          %mul3A_918 = arith.muli %scan3A_916, %mul3A_917 : i32
          %add3A_919 = arith.constant 0 : i32
          %add3A_920 = arith.addi %add3A_919, %mul3A_918 : i32
          %mul3A_921 = arith.constant 16 : i32
          %mul3A_922 = arith.muli %add3A_920, %mul3A_921 : i32
          %get3A_923 = arith.index_cast %add3A_842 : i32 to index
          %get3A_924 = arith.index_cast %mul3A_922 : i32 to index
          %get3A_925 = tpu.vector_load %arg9[%get3A_923, %get3A_924] {strides = array<i32>} : memref<8x1024xf32, #tpu.memory_space<vmem>>, vector<1x16xf32>,
          %get3A_926 = vector.shape_cast %get3A_925 : vector<1x16xf32> to vector<16xf32>
          %swap3A_927 = arith.index_cast %add3A_842 : i32 to index
          %swap3A_928 = arith.index_cast %mul3A_922 : i32 to index
          %swap3A_929 = tpu.vector_load %arg13[%swap3A_927, %swap3A_928] {strides = array<i32>} : memref<8x1024xf32, #tpu.memory_space<vmem>>, vector<1x16xf32>,
          %swap3A_930 = vector.shape_cast %swap3A_929 : vector<1x16xf32> to vector<16xf32>
          %swap3A_931 = vector.shape_cast %get3A_926 : vector<16xf32> to vector<1x16xf32>
          tpu.vector_store %arg13[%swap3A_927, %swap3A_928], %swap3A_931 {add = true, strides = array<i32>} : memref<8x1024xf32, #tpu.memory_space<vmem>>, vector<1x16xf32>,
          %scan3A_932 = arith.constant 5 : i32
          %scan3A_933 = arith.addi %scan3A_848, %scan3A_932 : i32
          %mul3A_934 = arith.constant 1 : i32
          %mul3A_935 = arith.muli %scan3A_933, %mul3A_934 : i32
          %add3A_936 = arith.constant 0 : i32
          %add3A_937 = arith.addi %add3A_936, %mul3A_935 : i32
          %mul3A_938 = arith.constant 16 : i32
          %mul3A_939 = arith.muli %add3A_937, %mul3A_938 : i32
          %get3A_940 = arith.index_cast %add3A_842 : i32 to index
          %get3A_941 = arith.index_cast %mul3A_939 : i32 to index
          %get3A_942 = tpu.vector_load %arg9[%get3A_940, %get3A_941] {strides = array<i32>} : memref<8x1024xf32, #tpu.memory_space<vmem>>, vector<1x16xf32>,
          %get3A_943 = vector.shape_cast %get3A_942 : vector<1x16xf32> to vector<16xf32>
          %swap3A_944 = arith.index_cast %add3A_842 : i32 to index
          %swap3A_945 = arith.index_cast %mul3A_939 : i32 to index
          %swap3A_946 = tpu.vector_load %arg13[%swap3A_944, %swap3A_945] {strides = array<i32>} : memref<8x1024xf32, #tpu.memory_space<vmem>>, vector<1x16xf32>,
          %swap3A_947 = vector.shape_cast %swap3A_946 : vector<1x16xf32> to vector<16xf32>
          %swap3A_948 = vector.shape_cast %get3A_943 : vector<16xf32> to vector<1x16xf32>
          tpu.vector_store %arg13[%swap3A_944, %swap3A_945], %swap3A_948 {add = true, strides = array<i32>} : memref<8x1024xf32, #tpu.memory_space<vmem>>, vector<1x16xf32>,
          %scan3A_949 = arith.constant 6 : i32
          %scan3A_950 = arith.addi %scan3A_848, %scan3A_949 : i32
          %mul3A_951 = arith.constant 1 : i32
          %mul3A_952 = arith.muli %scan3A_950, %mul3A_951 : i32
          %add3A_953 = arith.constant 0 : i32
          %add3A_954 = arith.addi %add3A_953, %mul3A_952 : i32
          %mul3A_955 = arith.constant 16 : i32
          %mul3A_956 = arith.muli %add3A_954, %mul3A_955 : i32
          %get3A_957 = arith.index_cast %add3A_842 : i32 to index
          %get3A_958 = arith.index_cast %mul3A_956 : i32 to index
          %get3A_959 = tpu.vector_load %arg9[%get3A_957, %get3A_958] {strides = array<i32>} : memref<8x1024xf32, #tpu.memory_space<vmem>>, vector<1x16xf32>,
          %get3A_960 = vector.shape_cast %get3A_959 : vector<1x16xf32> to vector<16xf32>
          %swap3A_961 = arith.index_cast %add3A_842 : i32 to index
          %swap3A_962 = arith.index_cast %mul3A_956 : i32 to index
          %swap3A_963 = tpu.vector_load %arg13[%swap3A_961, %swap3A_962] {strides = array<i32>} : memref<8x1024xf32, #tpu.memory_space<vmem>>, vector<1x16xf32>,
          %swap3A_964 = vector.shape_cast %swap3A_963 : vector<1x16xf32> to vector<16xf32>
          %swap3A_965 = vector.shape_cast %get3A_960 : vector<16xf32> to vector<1x16xf32>
          tpu.vector_store %arg13[%swap3A_961, %swap3A_962], %swap3A_965 {add = true, strides = array<i32>} : memref<8x1024xf32, #tpu.memory_space<vmem>>, vector<1x16xf32>,
          %scan3A_966 = arith.constant 7 : i32
          %scan3A_967 = arith.addi %scan3A_848, %scan3A_966 : i32
          %mul3A_968 = arith.constant 1 : i32
          %mul3A_969 = arith.muli %scan3A_967, %mul3A_968 : i32
          %add3A_970 = arith.constant 0 : i32
          %add3A_971 = arith.addi %add3A_970, %mul3A_969 : i32
          %mul3A_972 = arith.constant 16 : i32
          %mul3A_973 = arith.muli %add3A_971, %mul3A_972 : i32
          %get3A_974 = arith.index_cast %add3A_842 : i32 to index
          %get3A_975 = arith.index_cast %mul3A_973 : i32 to index
          %get3A_976 = tpu.vector_load %arg9[%get3A_974, %get3A_975] {strides = array<i32>} : memref<8x1024xf32, #tpu.memory_space<vmem>>, vector<1x16xf32>,
          %get3A_977 = vector.shape_cast %get3A_976 : vector<1x16xf32> to vector<16xf32>
          %swap3A_978 = arith.index_cast %add3A_842 : i32 to index
          %swap3A_979 = arith.index_cast %mul3A_973 : i32 to index
          %swap3A_980 = tpu.vector_load %arg13[%swap3A_978, %swap3A_979] {strides = array<i32>} : memref<8x1024xf32, #tpu.memory_space<vmem>>, vector<1x16xf32>,
          %swap3A_981 = vector.shape_cast %swap3A_980 : vector<1x16xf32> to vector<16xf32>
          %swap3A_982 = vector.shape_cast %get3A_977 : vector<16xf32> to vector<1x16xf32>
          tpu.vector_store %arg13[%swap3A_978, %swap3A_979], %swap3A_982 {add = true, strides = array<i32>} : memref<8x1024xf32, #tpu.memory_space<vmem>>, vector<1x16xf32>,
        }
        %scan3A_847 = arith.constant 64 : i32
      }
      %scan3A_611 = arith.constant 8 : i32
      %add3A_612 = arith.constant 4 : i32
      %add3A_613 = arith.addi %add3A_595, %add3A_612 : i32
      %lt3A_614 = arith.constant 64 : i32
      %lt3A_615 = arith.cmpi slt, %add3A_613, %lt3A_614 : i32
      %convert_element_type3A_616 = arith.extui %lt3A_615 : i1 to i32
      %cond3A_617 = arith.constant 0 : i32
      %cond3A_618 = arith.cmpi ne, %convert_element_type3A_616, %cond3A_617 : i32
      scf.if %cond3A_618 {
        %add3A_838 = arith.constant 4 : i32
        %add3A_839 = arith.addi %add3A_595, %add3A_838 : i32
        %mul3A_840 = arith.constant 8 : i32
        %mul3A_841 = arith.muli %add3A_839, %mul3A_840 : i32
        %dma_start3A_842 = tpu.memref_slice %arg6[%mul3A_841] : memref<512xi32, #tpu.memory_space<vmem>> -> memref<8xi32, #tpu.memory_space<vmem>>
        %dma_start3A_843 = arith.constant 0 : i32
        %dma_start3A_844 = arith.constant 0 : i32
        %dma_start3A_845 = tpu.memref_slice %arg4[%dma_start3A_843, %dma_start3A_844] : memref<8192x1024xf32, #tpu.memory_space<hbm>> -> memref<8192x1024xf32, #tpu.memory_space<hbm>>
        tpu.enqueue_indirect_dma source(%dma_start3A_845 : memref<8192x1024xf32, #tpu.memory_space<hbm>>) target(%arg9 : memref<8x1024xf32, #tpu.memory_space<vmem>>) offsets(%dma_start3A_842 : memref<8xi32, #tpu.memory_space<vmem>>) semaphore(%arg21 : memref<!tpu.dma_semaphore, #tpu.memory_space<semaphore_mem>>)
      } else {
      }
      %mul3A_619 = arith.constant 8 : i32
      %mul3A_620 = arith.muli %add3A_595, %mul3A_619 : i32
      %add3A_621 = arith.addi %mul3A_2, %mul3A_620 : i32
      %dma_start3A_622 = arith.constant 0 : i32
      %dma_start3A_623 = tpu.memref_slice %arg5[%add3A_621, %dma_start3A_622] : memref<16384x1024xf32, #tpu.memory_space<hbm>> -> memref<8x1024xf32, #tpu.memory_space<hbm>>
      %dma_start3A_624 = arith.constant 0 : i32
      %dma_start3A_625 = tpu.memref_slice %arg5[%add3A_621, %dma_start3A_624] : memref<16384x1024xf32, #tpu.memory_space<hbm>> -> memref<8x1024xf32, #tpu.memory_space<hbm>>
      tpu.enqueue_dma source(%arg13 : memref<8x1024xf32, #tpu.memory_space<vmem>>) target(%dma_start3A_625 : memref<8x1024xf32, #tpu.memory_space<hbm>>) target_semaphore(%arg33 : memref<!tpu.dma_semaphore, #tpu.memory_space<semaphore_mem>>)
      %add3A_626 = arith.constant 4 : i32
      %add3A_627 = arith.addi %add3A_595, %add3A_626 : i32
      %lt3A_628 = arith.constant 64 : i32
      %lt3A_629 = arith.cmpi slt, %add3A_627, %lt3A_628 : i32
      %convert_element_type3A_630 = arith.extui %lt3A_629 : i1 to i32
      %cond3A_631 = arith.constant 0 : i32
      %cond3A_632 = arith.cmpi ne, %convert_element_type3A_630, %cond3A_631 : i32
      scf.if %cond3A_632 {
        %gt3A = arith.constant 0 : i32
        %gt3A_838 = arith.cmpi sgt, %add3A_512, %gt3A : i32
        %convert_element_type3A_839 = arith.extui %gt3A_838 : i1 to i32
        %cond3A_840 = arith.constant 0 : i32
        %cond3A_841 = arith.cmpi ne, %convert_element_type3A_839, %cond3A_840 : i32
        scf.if %cond3A_841 {
          %dma_wait3A_851 = arith.constant 0 : i32
          %dma_wait3A_852 = arith.constant 0 : i32
          %dma_wait3A_853 = tpu.memref_slice %arg5[%dma_wait3A_851, %dma_wait3A_852] : memref<16384x1024xf32, #tpu.memory_space<hbm>> -> memref<8x1024xf32, #tpu.memory_space<hbm>>
          %dma_wait3A_854 = arith.constant 0 : i32
          %dma_wait3A_855 = arith.constant 0 : i32
          %dma_wait3A_856 = tpu.memref_slice %arg5[%dma_wait3A_854, %dma_wait3A_855] : memref<16384x1024xf32, #tpu.memory_space<hbm>> -> memref<8x1024xf32, #tpu.memory_space<hbm>>
          tpu.wait_dma2 semaphore(%arg37 : memref<!tpu.dma_semaphore, #tpu.memory_space<semaphore_mem>>) src(%arg17 : memref<8x1024xf32, #tpu.memory_space<vmem>>) dst(%dma_wait3A_856 : memref<8x1024xf32, #tpu.memory_space<hbm>>)
        } else {
        }
        %add3A_842 = arith.constant 4 : i32
        %add3A_843 = arith.addi %add3A_595, %add3A_842 : i32
        %mul3A_844 = arith.constant 8 : i32
        %mul3A_845 = arith.muli %add3A_843, %mul3A_844 : i32
        %add3A_846 = arith.addi %mul3A_2, %mul3A_845 : i32
        %dma_start3A_847 = arith.constant 0 : i32
        %dma_start3A_848 = tpu.memref_slice %arg2[%add3A_846, %dma_start3A_847] : memref<16384x1024xf32, #tpu.memory_space<hbm>> -> memref<8x1024xf32, #tpu.memory_space<hbm>>
        %dma_start3A_849 = arith.constant 0 : i32
        %dma_start3A_850 = tpu.memref_slice %arg2[%add3A_846, %dma_start3A_849] : memref<16384x1024xf32, #tpu.memory_space<hbm>> -> memref<8x1024xf32, #tpu.memory_space<hbm>>
        tpu.enqueue_dma source(%dma_start3A_850 : memref<8x1024xf32, #tpu.memory_space<hbm>>) target(%arg17 : memref<8x1024xf32, #tpu.memory_space<vmem>>) target_semaphore(%arg29 : memref<!tpu.dma_semaphore, #tpu.memory_space<semaphore_mem>>)
      } else {
      }
      %mul3A_633 = arith.constant 8 : i32
      %mul3A_634 = arith.muli %add3A_512, %mul3A_633 : i32
      %add3A_635 = arith.constant 3 : i32
      %add3A_636 = arith.addi %mul3A_634, %add3A_635 : i32
      %dma_wait3A_637 = arith.constant 0 : i32
      %dma_wait3A_638 = tpu.memref_slice %arg6[%dma_wait3A_637] : memref<512xi32, #tpu.memory_space<vmem>> -> memref<8xi32, #tpu.memory_space<vmem>>
      %dma_wait3A_639 = arith.constant 0 : i32
      %dma_wait3A_640 = arith.constant 0 : i32
      %dma_wait3A_641 = tpu.memref_slice %arg4[%dma_wait3A_639, %dma_wait3A_640] : memref<8192x1024xf32, #tpu.memory_space<hbm>> -> memref<8192x1024xf32, #tpu.memory_space<hbm>>
      tpu.wait_indirect_dma semaphore(%arg22 : memref<!tpu.dma_semaphore, #tpu.memory_space<semaphore_mem>>) src(%dma_wait3A_641 : memref<8192x1024xf32, #tpu.memory_space<hbm>>) dst(%arg10 : memref<8x1024xf32, #tpu.memory_space<vmem>>)
      %dma_wait3A_642 = arith.constant 0 : i32
      %dma_wait3A_643 = arith.constant 0 : i32
      %dma_wait3A_644 = tpu.memref_slice %arg2[%dma_wait3A_642, %dma_wait3A_643] : memref<16384x1024xf32, #tpu.memory_space<hbm>> -> memref<8x1024xf32, #tpu.memory_space<hbm>>
      %dma_wait3A_645 = arith.constant 0 : i32
      %dma_wait3A_646 = arith.constant 0 : i32
      %dma_wait3A_647 = tpu.memref_slice %arg2[%dma_wait3A_645, %dma_wait3A_646] : memref<16384x1024xf32, #tpu.memory_space<hbm>> -> memref<8x1024xf32, #tpu.memory_space<hbm>>
      tpu.wait_dma2 semaphore(%arg26 : memref<!tpu.dma_semaphore, #tpu.memory_space<semaphore_mem>>) src(%dma_wait3A_647 : memref<8x1024xf32, #tpu.memory_space<hbm>>) dst(%arg14 : memref<8x1024xf32, #tpu.memory_space<vmem>>)
      %scan3A_648 = arith.constant 0 : i32
      %scan3A_649 = arith.constant 8 : i32
      %scan3A_650 = arith.addi %scan3A_648, %scan3A_649 : i32
      %scan3A_651 = arith.constant 1 : i32
      scf.for %scan3A_838 = %scan3A_648 to %scan3A_650 step %scan3A_651  : i32 {
        %mul3A_839 = arith.constant 1 : i32
        %mul3A_840 = arith.muli %scan3A_838, %mul3A_839 : i32
        %add3A_841 = arith.constant 0 : i32
        %add3A_842 = arith.addi %add3A_841, %mul3A_840 : i32
        %scan3A_843 = arith.constant 0 : i32
        %scan3A_844 = arith.constant 64 : i32
        %scan3A_845 = arith.addi %scan3A_843, %scan3A_844 : i32
        %scan3A_846 = arith.constant 8 : i32
        scf.for %scan3A_848 = %scan3A_843 to %scan3A_845 step %scan3A_846  : i32 {
          %mul3A_849 = arith.constant 1 : i32
          %mul3A_850 = arith.muli %scan3A_848, %mul3A_849 : i32
          %add3A_851 = arith.constant 0 : i32
          %add3A_852 = arith.addi %add3A_851, %mul3A_850 : i32
          %mul3A_853 = arith.constant 16 : i32
          %mul3A_854 = arith.muli %add3A_852, %mul3A_853 : i32
          %get3A_855 = arith.index_cast %add3A_842 : i32 to index
          %get3A_856 = arith.index_cast %mul3A_854 : i32 to index
          %get3A_857 = tpu.vector_load %arg10[%get3A_855, %get3A_856] {strides = array<i32>} : memref<8x1024xf32, #tpu.memory_space<vmem>>, vector<1x16xf32>,
          %get3A_858 = vector.shape_cast %get3A_857 : vector<1x16xf32> to vector<16xf32>
          %swap3A_859 = arith.index_cast %add3A_842 : i32 to index
          %swap3A_860 = arith.index_cast %mul3A_854 : i32 to index
          %swap3A_861 = tpu.vector_load %arg14[%swap3A_859, %swap3A_860] {strides = array<i32>} : memref<8x1024xf32, #tpu.memory_space<vmem>>, vector<1x16xf32>,
          %swap3A_862 = vector.shape_cast %swap3A_861 : vector<1x16xf32> to vector<16xf32>
          %swap3A_863 = vector.shape_cast %get3A_858 : vector<16xf32> to vector<1x16xf32>
          tpu.vector_store %arg14[%swap3A_859, %swap3A_860], %swap3A_863 {add = true, strides = array<i32>} : memref<8x1024xf32, #tpu.memory_space<vmem>>, vector<1x16xf32>,
          %scan3A_864 = arith.constant 1 : i32
          %scan3A_865 = arith.addi %scan3A_848, %scan3A_864 : i32
          %mul3A_866 = arith.constant 1 : i32
          %mul3A_867 = arith.muli %scan3A_865, %mul3A_866 : i32
          %add3A_868 = arith.constant 0 : i32
          %add3A_869 = arith.addi %add3A_868, %mul3A_867 : i32
          %mul3A_870 = arith.constant 16 : i32
          %mul3A_871 = arith.muli %add3A_869, %mul3A_870 : i32
          %get3A_872 = arith.index_cast %add3A_842 : i32 to index
          %get3A_873 = arith.index_cast %mul3A_871 : i32 to index
          %get3A_874 = tpu.vector_load %arg10[%get3A_872, %get3A_873] {strides = array<i32>} : memref<8x1024xf32, #tpu.memory_space<vmem>>, vector<1x16xf32>,
          %get3A_875 = vector.shape_cast %get3A_874 : vector<1x16xf32> to vector<16xf32>
          %swap3A_876 = arith.index_cast %add3A_842 : i32 to index
          %swap3A_877 = arith.index_cast %mul3A_871 : i32 to index
          %swap3A_878 = tpu.vector_load %arg14[%swap3A_876, %swap3A_877] {strides = array<i32>} : memref<8x1024xf32, #tpu.memory_space<vmem>>, vector<1x16xf32>,
          %swap3A_879 = vector.shape_cast %swap3A_878 : vector<1x16xf32> to vector<16xf32>
          %swap3A_880 = vector.shape_cast %get3A_875 : vector<16xf32> to vector<1x16xf32>
          tpu.vector_store %arg14[%swap3A_876, %swap3A_877], %swap3A_880 {add = true, strides = array<i32>} : memref<8x1024xf32, #tpu.memory_space<vmem>>, vector<1x16xf32>,
          %scan3A_881 = arith.constant 2 : i32
          %scan3A_882 = arith.addi %scan3A_848, %scan3A_881 : i32
          %mul3A_883 = arith.constant 1 : i32
          %mul3A_884 = arith.muli %scan3A_882, %mul3A_883 : i32
          %add3A_885 = arith.constant 0 : i32
          %add3A_886 = arith.addi %add3A_885, %mul3A_884 : i32
          %mul3A_887 = arith.constant 16 : i32
          %mul3A_888 = arith.muli %add3A_886, %mul3A_887 : i32
          %get3A_889 = arith.index_cast %add3A_842 : i32 to index
          %get3A_890 = arith.index_cast %mul3A_888 : i32 to index
          %get3A_891 = tpu.vector_load %arg10[%get3A_889, %get3A_890] {strides = array<i32>} : memref<8x1024xf32, #tpu.memory_space<vmem>>, vector<1x16xf32>,
          %get3A_892 = vector.shape_cast %get3A_891 : vector<1x16xf32> to vector<16xf32>
          %swap3A_893 = arith.index_cast %add3A_842 : i32 to index
          %swap3A_894 = arith.index_cast %mul3A_888 : i32 to index
          %swap3A_895 = tpu.vector_load %arg14[%swap3A_893, %swap3A_894] {strides = array<i32>} : memref<8x1024xf32, #tpu.memory_space<vmem>>, vector<1x16xf32>,
          %swap3A_896 = vector.shape_cast %swap3A_895 : vector<1x16xf32> to vector<16xf32>
          %swap3A_897 = vector.shape_cast %get3A_892 : vector<16xf32> to vector<1x16xf32>
          tpu.vector_store %arg14[%swap3A_893, %swap3A_894], %swap3A_897 {add = true, strides = array<i32>} : memref<8x1024xf32, #tpu.memory_space<vmem>>, vector<1x16xf32>,
          %scan3A_898 = arith.constant 3 : i32
          %scan3A_899 = arith.addi %scan3A_848, %scan3A_898 : i32
          %mul3A_900 = arith.constant 1 : i32
          %mul3A_901 = arith.muli %scan3A_899, %mul3A_900 : i32
          %add3A_902 = arith.constant 0 : i32
          %add3A_903 = arith.addi %add3A_902, %mul3A_901 : i32
          %mul3A_904 = arith.constant 16 : i32
          %mul3A_905 = arith.muli %add3A_903, %mul3A_904 : i32
          %get3A_906 = arith.index_cast %add3A_842 : i32 to index
          %get3A_907 = arith.index_cast %mul3A_905 : i32 to index
          %get3A_908 = tpu.vector_load %arg10[%get3A_906, %get3A_907] {strides = array<i32>} : memref<8x1024xf32, #tpu.memory_space<vmem>>, vector<1x16xf32>,
          %get3A_909 = vector.shape_cast %get3A_908 : vector<1x16xf32> to vector<16xf32>
          %swap3A_910 = arith.index_cast %add3A_842 : i32 to index
          %swap3A_911 = arith.index_cast %mul3A_905 : i32 to index
          %swap3A_912 = tpu.vector_load %arg14[%swap3A_910, %swap3A_911] {strides = array<i32>} : memref<8x1024xf32, #tpu.memory_space<vmem>>, vector<1x16xf32>,
          %swap3A_913 = vector.shape_cast %swap3A_912 : vector<1x16xf32> to vector<16xf32>
          %swap3A_914 = vector.shape_cast %get3A_909 : vector<16xf32> to vector<1x16xf32>
          tpu.vector_store %arg14[%swap3A_910, %swap3A_911], %swap3A_914 {add = true, strides = array<i32>} : memref<8x1024xf32, #tpu.memory_space<vmem>>, vector<1x16xf32>,
          %scan3A_915 = arith.constant 4 : i32
          %scan3A_916 = arith.addi %scan3A_848, %scan3A_915 : i32
          %mul3A_917 = arith.constant 1 : i32
          %mul3A_918 = arith.muli %scan3A_916, %mul3A_917 : i32
          %add3A_919 = arith.constant 0 : i32
          %add3A_920 = arith.addi %add3A_919, %mul3A_918 : i32
          %mul3A_921 = arith.constant 16 : i32
          %mul3A_922 = arith.muli %add3A_920, %mul3A_921 : i32
          %get3A_923 = arith.index_cast %add3A_842 : i32 to index
          %get3A_924 = arith.index_cast %mul3A_922 : i32 to index
          %get3A_925 = tpu.vector_load %arg10[%get3A_923, %get3A_924] {strides = array<i32>} : memref<8x1024xf32, #tpu.memory_space<vmem>>, vector<1x16xf32>,
          %get3A_926 = vector.shape_cast %get3A_925 : vector<1x16xf32> to vector<16xf32>
          %swap3A_927 = arith.index_cast %add3A_842 : i32 to index
          %swap3A_928 = arith.index_cast %mul3A_922 : i32 to index
          %swap3A_929 = tpu.vector_load %arg14[%swap3A_927, %swap3A_928] {strides = array<i32>} : memref<8x1024xf32, #tpu.memory_space<vmem>>, vector<1x16xf32>,
          %swap3A_930 = vector.shape_cast %swap3A_929 : vector<1x16xf32> to vector<16xf32>
          %swap3A_931 = vector.shape_cast %get3A_926 : vector<16xf32> to vector<1x16xf32>
          tpu.vector_store %arg14[%swap3A_927, %swap3A_928], %swap3A_931 {add = true, strides = array<i32>} : memref<8x1024xf32, #tpu.memory_space<vmem>>, vector<1x16xf32>,
          %scan3A_932 = arith.constant 5 : i32
          %scan3A_933 = arith.addi %scan3A_848, %scan3A_932 : i32
          %mul3A_934 = arith.constant 1 : i32
          %mul3A_935 = arith.muli %scan3A_933, %mul3A_934 : i32
          %add3A_936 = arith.constant 0 : i32
          %add3A_937 = arith.addi %add3A_936, %mul3A_935 : i32
          %mul3A_938 = arith.constant 16 : i32
          %mul3A_939 = arith.muli %add3A_937, %mul3A_938 : i32
          %get3A_940 = arith.index_cast %add3A_842 : i32 to index
          %get3A_941 = arith.index_cast %mul3A_939 : i32 to index
          %get3A_942 = tpu.vector_load %arg10[%get3A_940, %get3A_941] {strides = array<i32>} : memref<8x1024xf32, #tpu.memory_space<vmem>>, vector<1x16xf32>,
          %get3A_943 = vector.shape_cast %get3A_942 : vector<1x16xf32> to vector<16xf32>
          %swap3A_944 = arith.index_cast %add3A_842 : i32 to index
          %swap3A_945 = arith.index_cast %mul3A_939 : i32 to index
          %swap3A_946 = tpu.vector_load %arg14[%swap3A_944, %swap3A_945] {strides = array<i32>} : memref<8x1024xf32, #tpu.memory_space<vmem>>, vector<1x16xf32>,
          %swap3A_947 = vector.shape_cast %swap3A_946 : vector<1x16xf32> to vector<16xf32>
          %swap3A_948 = vector.shape_cast %get3A_943 : vector<16xf32> to vector<1x16xf32>
          tpu.vector_store %arg14[%swap3A_944, %swap3A_945], %swap3A_948 {add = true, strides = array<i32>} : memref<8x1024xf32, #tpu.memory_space<vmem>>, vector<1x16xf32>,
          %scan3A_949 = arith.constant 6 : i32
          %scan3A_950 = arith.addi %scan3A_848, %scan3A_949 : i32
          %mul3A_951 = arith.constant 1 : i32
          %mul3A_952 = arith.muli %scan3A_950, %mul3A_951 : i32
          %add3A_953 = arith.constant 0 : i32
          %add3A_954 = arith.addi %add3A_953, %mul3A_952 : i32
          %mul3A_955 = arith.constant 16 : i32
          %mul3A_956 = arith.muli %add3A_954, %mul3A_955 : i32
          %get3A_957 = arith.index_cast %add3A_842 : i32 to index
          %get3A_958 = arith.index_cast %mul3A_956 : i32 to index
          %get3A_959 = tpu.vector_load %arg10[%get3A_957, %get3A_958] {strides = array<i32>} : memref<8x1024xf32, #tpu.memory_space<vmem>>, vector<1x16xf32>,
          %get3A_960 = vector.shape_cast %get3A_959 : vector<1x16xf32> to vector<16xf32>
          %swap3A_961 = arith.index_cast %add3A_842 : i32 to index
          %swap3A_962 = arith.index_cast %mul3A_956 : i32 to index
          %swap3A_963 = tpu.vector_load %arg14[%swap3A_961, %swap3A_962] {strides = array<i32>} : memref<8x1024xf32, #tpu.memory_space<vmem>>, vector<1x16xf32>,
          %swap3A_964 = vector.shape_cast %swap3A_963 : vector<1x16xf32> to vector<16xf32>
          %swap3A_965 = vector.shape_cast %get3A_960 : vector<16xf32> to vector<1x16xf32>
          tpu.vector_store %arg14[%swap3A_961, %swap3A_962], %swap3A_965 {add = true, strides = array<i32>} : memref<8x1024xf32, #tpu.memory_space<vmem>>, vector<1x16xf32>,
          %scan3A_966 = arith.constant 7 : i32
          %scan3A_967 = arith.addi %scan3A_848, %scan3A_966 : i32
          %mul3A_968 = arith.constant 1 : i32
          %mul3A_969 = arith.muli %scan3A_967, %mul3A_968 : i32
          %add3A_970 = arith.constant 0 : i32
          %add3A_971 = arith.addi %add3A_970, %mul3A_969 : i32
          %mul3A_972 = arith.constant 16 : i32
          %mul3A_973 = arith.muli %add3A_971, %mul3A_972 : i32
          %get3A_974 = arith.index_cast %add3A_842 : i32 to index
          %get3A_975 = arith.index_cast %mul3A_973 : i32 to index
          %get3A_976 = tpu.vector_load %arg10[%get3A_974, %get3A_975] {strides = array<i32>} : memref<8x1024xf32, #tpu.memory_space<vmem>>, vector<1x16xf32>,
          %get3A_977 = vector.shape_cast %get3A_976 : vector<1x16xf32> to vector<16xf32>
          %swap3A_978 = arith.index_cast %add3A_842 : i32 to index
          %swap3A_979 = arith.index_cast %mul3A_973 : i32 to index
          %swap3A_980 = tpu.vector_load %arg14[%swap3A_978, %swap3A_979] {strides = array<i32>} : memref<8x1024xf32, #tpu.memory_space<vmem>>, vector<1x16xf32>,
          %swap3A_981 = vector.shape_cast %swap3A_980 : vector<1x16xf32> to vector<16xf32>
          %swap3A_982 = vector.shape_cast %get3A_977 : vector<16xf32> to vector<1x16xf32>
          tpu.vector_store %arg14[%swap3A_978, %swap3A_979], %swap3A_982 {add = true, strides = array<i32>} : memref<8x1024xf32, #tpu.memory_space<vmem>>, vector<1x16xf32>,
        }
        %scan3A_847 = arith.constant 64 : i32
      }
      %scan3A_652 = arith.constant 8 : i32
      %add3A_653 = arith.constant 4 : i32
      %add3A_654 = arith.addi %add3A_636, %add3A_653 : i32
      %lt3A_655 = arith.constant 64 : i32
      %lt3A_656 = arith.cmpi slt, %add3A_654, %lt3A_655 : i32
      %convert_element_type3A_657 = arith.extui %lt3A_656 : i1 to i32
      %cond3A_658 = arith.constant 0 : i32
      %cond3A_659 = arith.cmpi ne, %convert_element_type3A_657, %cond3A_658 : i32
      scf.if %cond3A_659 {
        %add3A_838 = arith.constant 4 : i32
        %add3A_839 = arith.addi %add3A_636, %add3A_838 : i32
        %mul3A_840 = arith.constant 8 : i32
        %mul3A_841 = arith.muli %add3A_839, %mul3A_840 : i32
        %dma_start3A_842 = tpu.memref_slice %arg6[%mul3A_841] : memref<512xi32, #tpu.memory_space<vmem>> -> memref<8xi32, #tpu.memory_space<vmem>>
        %dma_start3A_843 = arith.constant 0 : i32
        %dma_start3A_844 = arith.constant 0 : i32
        %dma_start3A_845 = tpu.memref_slice %arg4[%dma_start3A_843, %dma_start3A_844] : memref<8192x1024xf32, #tpu.memory_space<hbm>> -> memref<8192x1024xf32, #tpu.memory_space<hbm>>
        tpu.enqueue_indirect_dma source(%dma_start3A_845 : memref<8192x1024xf32, #tpu.memory_space<hbm>>) target(%arg10 : memref<8x1024xf32, #tpu.memory_space<vmem>>) offsets(%dma_start3A_842 : memref<8xi32, #tpu.memory_space<vmem>>) semaphore(%arg22 : memref<!tpu.dma_semaphore, #tpu.memory_space<semaphore_mem>>)
      } else {
      }
      %mul3A_660 = arith.constant 8 : i32
      %mul3A_661 = arith.muli %add3A_636, %mul3A_660 : i32
      %add3A_662 = arith.addi %mul3A_2, %mul3A_661 : i32
      %dma_start3A_663 = arith.constant 0 : i32
      %dma_start3A_664 = tpu.memref_slice %arg5[%add3A_662, %dma_start3A_663] : memref<16384x1024xf32, #tpu.memory_space<hbm>> -> memref<8x1024xf32, #tpu.memory_space<hbm>>
      %dma_start3A_665 = arith.constant 0 : i32
      %dma_start3A_666 = tpu.memref_slice %arg5[%add3A_662, %dma_start3A_665] : memref<16384x1024xf32, #tpu.memory_space<hbm>> -> memref<8x1024xf32, #tpu.memory_space<hbm>>
      tpu.enqueue_dma source(%arg14 : memref<8x1024xf32, #tpu.memory_space<vmem>>) target(%dma_start3A_666 : memref<8x1024xf32, #tpu.memory_space<hbm>>) target_semaphore(%arg34 : memref<!tpu.dma_semaphore, #tpu.memory_space<semaphore_mem>>)
      %add3A_667 = arith.constant 4 : i32
      %add3A_668 = arith.addi %add3A_636, %add3A_667 : i32
      %lt3A_669 = arith.constant 64 : i32
      %lt3A_670 = arith.cmpi slt, %add3A_668, %lt3A_669 : i32
      %convert_element_type3A_671 = arith.extui %lt3A_670 : i1 to i32
      %cond3A_672 = arith.constant 0 : i32
      %cond3A_673 = arith.cmpi ne, %convert_element_type3A_671, %cond3A_672 : i32
      scf.if %cond3A_673 {
        %gt3A = arith.constant 0 : i32
        %gt3A_838 = arith.cmpi sgt, %add3A_512, %gt3A : i32
        %convert_element_type3A_839 = arith.extui %gt3A_838 : i1 to i32
        %cond3A_840 = arith.constant 0 : i32
        %cond3A_841 = arith.cmpi ne, %convert_element_type3A_839, %cond3A_840 : i32
        scf.if %cond3A_841 {
          %dma_wait3A_851 = arith.constant 0 : i32
          %dma_wait3A_852 = arith.constant 0 : i32
          %dma_wait3A_853 = tpu.memref_slice %arg5[%dma_wait3A_851, %dma_wait3A_852] : memref<16384x1024xf32, #tpu.memory_space<hbm>> -> memref<8x1024xf32, #tpu.memory_space<hbm>>
          %dma_wait3A_854 = arith.constant 0 : i32
          %dma_wait3A_855 = arith.constant 0 : i32
          %dma_wait3A_856 = tpu.memref_slice %arg5[%dma_wait3A_854, %dma_wait3A_855] : memref<16384x1024xf32, #tpu.memory_space<hbm>> -> memref<8x1024xf32, #tpu.memory_space<hbm>>
          tpu.wait_dma2 semaphore(%arg38 : memref<!tpu.dma_semaphore, #tpu.memory_space<semaphore_mem>>) src(%arg18 : memref<8x1024xf32, #tpu.memory_space<vmem>>) dst(%dma_wait3A_856 : memref<8x1024xf32, #tpu.memory_space<hbm>>)
        } else {
        }
        %add3A_842 = arith.constant 4 : i32
        %add3A_843 = arith.addi %add3A_636, %add3A_842 : i32
        %mul3A_844 = arith.constant 8 : i32
        %mul3A_845 = arith.muli %add3A_843, %mul3A_844 : i32
        %add3A_846 = arith.addi %mul3A_2, %mul3A_845 : i32
        %dma_start3A_847 = arith.constant 0 : i32
        %dma_start3A_848 = tpu.memref_slice %arg2[%add3A_846, %dma_start3A_847] : memref<16384x1024xf32, #tpu.memory_space<hbm>> -> memref<8x1024xf32, #tpu.memory_space<hbm>>
        %dma_start3A_849 = arith.constant 0 : i32
        %dma_start3A_850 = tpu.memref_slice %arg2[%add3A_846, %dma_start3A_849] : memref<16384x1024xf32, #tpu.memory_space<hbm>> -> memref<8x1024xf32, #tpu.memory_space<hbm>>
        tpu.enqueue_dma source(%dma_start3A_850 : memref<8x1024xf32, #tpu.memory_space<hbm>>) target(%arg18 : memref<8x1024xf32, #tpu.memory_space<vmem>>) target_semaphore(%arg30 : memref<!tpu.dma_semaphore, #tpu.memory_space<semaphore_mem>>)
      } else {
      }
      %mul3A_674 = arith.constant 8 : i32
      %mul3A_675 = arith.muli %add3A_512, %mul3A_674 : i32
      %add3A_676 = arith.constant 4 : i32
      %add3A_677 = arith.addi %mul3A_675, %add3A_676 : i32
      %dma_wait3A_678 = arith.constant 0 : i32
      %dma_wait3A_679 = tpu.memref_slice %arg6[%dma_wait3A_678] : memref<512xi32, #tpu.memory_space<vmem>> -> memref<8xi32, #tpu.memory_space<vmem>>
      %dma_wait3A_680 = arith.constant 0 : i32
      %dma_wait3A_681 = arith.constant 0 : i32
      %dma_wait3A_682 = tpu.memref_slice %arg4[%dma_wait3A_680, %dma_wait3A_681] : memref<8192x1024xf32, #tpu.memory_space<hbm>> -> memref<8192x1024xf32, #tpu.memory_space<hbm>>
      tpu.wait_indirect_dma semaphore(%arg19 : memref<!tpu.dma_semaphore, #tpu.memory_space<semaphore_mem>>) src(%dma_wait3A_682 : memref<8192x1024xf32, #tpu.memory_space<hbm>>) dst(%arg7 : memref<8x1024xf32, #tpu.memory_space<vmem>>)
      %dma_wait3A_683 = arith.constant 0 : i32
      %dma_wait3A_684 = arith.constant 0 : i32
      %dma_wait3A_685 = tpu.memref_slice %arg2[%dma_wait3A_683, %dma_wait3A_684] : memref<16384x1024xf32, #tpu.memory_space<hbm>> -> memref<8x1024xf32, #tpu.memory_space<hbm>>
      %dma_wait3A_686 = arith.constant 0 : i32
      %dma_wait3A_687 = arith.constant 0 : i32
      %dma_wait3A_688 = tpu.memref_slice %arg2[%dma_wait3A_686, %dma_wait3A_687] : memref<16384x1024xf32, #tpu.memory_space<hbm>> -> memref<8x1024xf32, #tpu.memory_space<hbm>>
      tpu.wait_dma2 semaphore(%arg27 : memref<!tpu.dma_semaphore, #tpu.memory_space<semaphore_mem>>) src(%dma_wait3A_688 : memref<8x1024xf32, #tpu.memory_space<hbm>>) dst(%arg15 : memref<8x1024xf32, #tpu.memory_space<vmem>>)
      %scan3A_689 = arith.constant 0 : i32
      %scan3A_690 = arith.constant 8 : i32
      %scan3A_691 = arith.addi %scan3A_689, %scan3A_690 : i32
      %scan3A_692 = arith.constant 1 : i32
      scf.for %scan3A_838 = %scan3A_689 to %scan3A_691 step %scan3A_692  : i32 {
        %mul3A_839 = arith.constant 1 : i32
        %mul3A_840 = arith.muli %scan3A_838, %mul3A_839 : i32
        %add3A_841 = arith.constant 0 : i32
        %add3A_842 = arith.addi %add3A_841, %mul3A_840 : i32
        %scan3A_843 = arith.constant 0 : i32
        %scan3A_844 = arith.constant 64 : i32
        %scan3A_845 = arith.addi %scan3A_843, %scan3A_844 : i32
        %scan3A_846 = arith.constant 8 : i32
        scf.for %scan3A_848 = %scan3A_843 to %scan3A_845 step %scan3A_846  : i32 {
          %mul3A_849 = arith.constant 1 : i32
          %mul3A_850 = arith.muli %scan3A_848, %mul3A_849 : i32
          %add3A_851 = arith.constant 0 : i32
          %add3A_852 = arith.addi %add3A_851, %mul3A_850 : i32
          %mul3A_853 = arith.constant 16 : i32
          %mul3A_854 = arith.muli %add3A_852, %mul3A_853 : i32
          %get3A_855 = arith.index_cast %add3A_842 : i32 to index
          %get3A_856 = arith.index_cast %mul3A_854 : i32 to index
          %get3A_857 = tpu.vector_load %arg7[%get3A_855, %get3A_856] {strides = array<i32>} : memref<8x1024xf32, #tpu.memory_space<vmem>>, vector<1x16xf32>,
          %get3A_858 = vector.shape_cast %get3A_857 : vector<1x16xf32> to vector<16xf32>
          %swap3A_859 = arith.index_cast %add3A_842 : i32 to index
          %swap3A_860 = arith.index_cast %mul3A_854 : i32 to index
          %swap3A_861 = tpu.vector_load %arg15[%swap3A_859, %swap3A_860] {strides = array<i32>} : memref<8x1024xf32, #tpu.memory_space<vmem>>, vector<1x16xf32>,
          %swap3A_862 = vector.shape_cast %swap3A_861 : vector<1x16xf32> to vector<16xf32>
          %swap3A_863 = vector.shape_cast %get3A_858 : vector<16xf32> to vector<1x16xf32>
          tpu.vector_store %arg15[%swap3A_859, %swap3A_860], %swap3A_863 {add = true, strides = array<i32>} : memref<8x1024xf32, #tpu.memory_space<vmem>>, vector<1x16xf32>,
          %scan3A_864 = arith.constant 1 : i32
          %scan3A_865 = arith.addi %scan3A_848, %scan3A_864 : i32
          %mul3A_866 = arith.constant 1 : i32
          %mul3A_867 = arith.muli %scan3A_865, %mul3A_866 : i32
          %add3A_868 = arith.constant 0 : i32
          %add3A_869 = arith.addi %add3A_868, %mul3A_867 : i32
          %mul3A_870 = arith.constant 16 : i32
          %mul3A_871 = arith.muli %add3A_869, %mul3A_870 : i32
          %get3A_872 = arith.index_cast %add3A_842 : i32 to index
          %get3A_873 = arith.index_cast %mul3A_871 : i32 to index
          %get3A_874 = tpu.vector_load %arg7[%get3A_872, %get3A_873] {strides = array<i32>} : memref<8x1024xf32, #tpu.memory_space<vmem>>, vector<1x16xf32>,
          %get3A_875 = vector.shape_cast %get3A_874 : vector<1x16xf32> to vector<16xf32>
          %swap3A_876 = arith.index_cast %add3A_842 : i32 to index
          %swap3A_877 = arith.index_cast %mul3A_871 : i32 to index
          %swap3A_878 = tpu.vector_load %arg15[%swap3A_876, %swap3A_877] {strides = array<i32>} : memref<8x1024xf32, #tpu.memory_space<vmem>>, vector<1x16xf32>,
          %swap3A_879 = vector.shape_cast %swap3A_878 : vector<1x16xf32> to vector<16xf32>
          %swap3A_880 = vector.shape_cast %get3A_875 : vector<16xf32> to vector<1x16xf32>
          tpu.vector_store %arg15[%swap3A_876, %swap3A_877], %swap3A_880 {add = true, strides = array<i32>} : memref<8x1024xf32, #tpu.memory_space<vmem>>, vector<1x16xf32>,
          %scan3A_881 = arith.constant 2 : i32
          %scan3A_882 = arith.addi %scan3A_848, %scan3A_881 : i32
          %mul3A_883 = arith.constant 1 : i32
          %mul3A_884 = arith.muli %scan3A_882, %mul3A_883 : i32
          %add3A_885 = arith.constant 0 : i32
          %add3A_886 = arith.addi %add3A_885, %mul3A_884 : i32
          %mul3A_887 = arith.constant 16 : i32
          %mul3A_888 = arith.muli %add3A_886, %mul3A_887 : i32
          %get3A_889 = arith.index_cast %add3A_842 : i32 to index
          %get3A_890 = arith.index_cast %mul3A_888 : i32 to index
          %get3A_891 = tpu.vector_load %arg7[%get3A_889, %get3A_890] {strides = array<i32>} : memref<8x1024xf32, #tpu.memory_space<vmem>>, vector<1x16xf32>,
          %get3A_892 = vector.shape_cast %get3A_891 : vector<1x16xf32> to vector<16xf32>
          %swap3A_893 = arith.index_cast %add3A_842 : i32 to index
          %swap3A_894 = arith.index_cast %mul3A_888 : i32 to index
          %swap3A_895 = tpu.vector_load %arg15[%swap3A_893, %swap3A_894] {strides = array<i32>} : memref<8x1024xf32, #tpu.memory_space<vmem>>, vector<1x16xf32>,
          %swap3A_896 = vector.shape_cast %swap3A_895 : vector<1x16xf32> to vector<16xf32>
          %swap3A_897 = vector.shape_cast %get3A_892 : vector<16xf32> to vector<1x16xf32>
          tpu.vector_store %arg15[%swap3A_893, %swap3A_894], %swap3A_897 {add = true, strides = array<i32>} : memref<8x1024xf32, #tpu.memory_space<vmem>>, vector<1x16xf32>,
          %scan3A_898 = arith.constant 3 : i32
          %scan3A_899 = arith.addi %scan3A_848, %scan3A_898 : i32
          %mul3A_900 = arith.constant 1 : i32
          %mul3A_901 = arith.muli %scan3A_899, %mul3A_900 : i32
          %add3A_902 = arith.constant 0 : i32
          %add3A_903 = arith.addi %add3A_902, %mul3A_901 : i32
          %mul3A_904 = arith.constant 16 : i32
          %mul3A_905 = arith.muli %add3A_903, %mul3A_904 : i32
          %get3A_906 = arith.index_cast %add3A_842 : i32 to index
          %get3A_907 = arith.index_cast %mul3A_905 : i32 to index
          %get3A_908 = tpu.vector_load %arg7[%get3A_906, %get3A_907] {strides = array<i32>} : memref<8x1024xf32, #tpu.memory_space<vmem>>, vector<1x16xf32>,
          %get3A_909 = vector.shape_cast %get3A_908 : vector<1x16xf32> to vector<16xf32>
          %swap3A_910 = arith.index_cast %add3A_842 : i32 to index
          %swap3A_911 = arith.index_cast %mul3A_905 : i32 to index
          %swap3A_912 = tpu.vector_load %arg15[%swap3A_910, %swap3A_911] {strides = array<i32>} : memref<8x1024xf32, #tpu.memory_space<vmem>>, vector<1x16xf32>,
          %swap3A_913 = vector.shape_cast %swap3A_912 : vector<1x16xf32> to vector<16xf32>
          %swap3A_914 = vector.shape_cast %get3A_909 : vector<16xf32> to vector<1x16xf32>
          tpu.vector_store %arg15[%swap3A_910, %swap3A_911], %swap3A_914 {add = true, strides = array<i32>} : memref<8x1024xf32, #tpu.memory_space<vmem>>, vector<1x16xf32>,
          %scan3A_915 = arith.constant 4 : i32
          %scan3A_916 = arith.addi %scan3A_848, %scan3A_915 : i32
          %mul3A_917 = arith.constant 1 : i32
          %mul3A_918 = arith.muli %scan3A_916, %mul3A_917 : i32
          %add3A_919 = arith.constant 0 : i32
          %add3A_920 = arith.addi %add3A_919, %mul3A_918 : i32
          %mul3A_921 = arith.constant 16 : i32
          %mul3A_922 = arith.muli %add3A_920, %mul3A_921 : i32
          %get3A_923 = arith.index_cast %add3A_842 : i32 to index
          %get3A_924 = arith.index_cast %mul3A_922 : i32 to index
          %get3A_925 = tpu.vector_load %arg7[%get3A_923, %get3A_924] {strides = array<i32>} : memref<8x1024xf32, #tpu.memory_space<vmem>>, vector<1x16xf32>,
          %get3A_926 = vector.shape_cast %get3A_925 : vector<1x16xf32> to vector<16xf32>
          %swap3A_927 = arith.index_cast %add3A_842 : i32 to index
          %swap3A_928 = arith.index_cast %mul3A_922 : i32 to index
          %swap3A_929 = tpu.vector_load %arg15[%swap3A_927, %swap3A_928] {strides = array<i32>} : memref<8x1024xf32, #tpu.memory_space<vmem>>, vector<1x16xf32>,
          %swap3A_930 = vector.shape_cast %swap3A_929 : vector<1x16xf32> to vector<16xf32>
          %swap3A_931 = vector.shape_cast %get3A_926 : vector<16xf32> to vector<1x16xf32>
          tpu.vector_store %arg15[%swap3A_927, %swap3A_928], %swap3A_931 {add = true, strides = array<i32>} : memref<8x1024xf32, #tpu.memory_space<vmem>>, vector<1x16xf32>,
          %scan3A_932 = arith.constant 5 : i32
          %scan3A_933 = arith.addi %scan3A_848, %scan3A_932 : i32
          %mul3A_934 = arith.constant 1 : i32
          %mul3A_935 = arith.muli %scan3A_933, %mul3A_934 : i32
          %add3A_936 = arith.constant 0 : i32
          %add3A_937 = arith.addi %add3A_936, %mul3A_935 : i32
          %mul3A_938 = arith.constant 16 : i32
          %mul3A_939 = arith.muli %add3A_937, %mul3A_938 : i32
          %get3A_940 = arith.index_cast %add3A_842 : i32 to index
          %get3A_941 = arith.index_cast %mul3A_939 : i32 to index
          %get3A_942 = tpu.vector_load %arg7[%get3A_940, %get3A_941] {strides = array<i32>} : memref<8x1024xf32, #tpu.memory_space<vmem>>, vector<1x16xf32>,
          %get3A_943 = vector.shape_cast %get3A_942 : vector<1x16xf32> to vector<16xf32>
          %swap3A_944 = arith.index_cast %add3A_842 : i32 to index
          %swap3A_945 = arith.index_cast %mul3A_939 : i32 to index
          %swap3A_946 = tpu.vector_load %arg15[%swap3A_944, %swap3A_945] {strides = array<i32>} : memref<8x1024xf32, #tpu.memory_space<vmem>>, vector<1x16xf32>,
          %swap3A_947 = vector.shape_cast %swap3A_946 : vector<1x16xf32> to vector<16xf32>
          %swap3A_948 = vector.shape_cast %get3A_943 : vector<16xf32> to vector<1x16xf32>
          tpu.vector_store %arg15[%swap3A_944, %swap3A_945], %swap3A_948 {add = true, strides = array<i32>} : memref<8x1024xf32, #tpu.memory_space<vmem>>, vector<1x16xf32>,
          %scan3A_949 = arith.constant 6 : i32
          %scan3A_950 = arith.addi %scan3A_848, %scan3A_949 : i32
          %mul3A_951 = arith.constant 1 : i32
          %mul3A_952 = arith.muli %scan3A_950, %mul3A_951 : i32
          %add3A_953 = arith.constant 0 : i32
          %add3A_954 = arith.addi %add3A_953, %mul3A_952 : i32
          %mul3A_955 = arith.constant 16 : i32
          %mul3A_956 = arith.muli %add3A_954, %mul3A_955 : i32
          %get3A_957 = arith.index_cast %add3A_842 : i32 to index
          %get3A_958 = arith.index_cast %mul3A_956 : i32 to index
          %get3A_959 = tpu.vector_load %arg7[%get3A_957, %get3A_958] {strides = array<i32>} : memref<8x1024xf32, #tpu.memory_space<vmem>>, vector<1x16xf32>,
          %get3A_960 = vector.shape_cast %get3A_959 : vector<1x16xf32> to vector<16xf32>
          %swap3A_961 = arith.index_cast %add3A_842 : i32 to index
          %swap3A_962 = arith.index_cast %mul3A_956 : i32 to index
          %swap3A_963 = tpu.vector_load %arg15[%swap3A_961, %swap3A_962] {strides = array<i32>} : memref<8x1024xf32, #tpu.memory_space<vmem>>, vector<1x16xf32>,
          %swap3A_964 = vector.shape_cast %swap3A_963 : vector<1x16xf32> to vector<16xf32>
          %swap3A_965 = vector.shape_cast %get3A_960 : vector<16xf32> to vector<1x16xf32>
          tpu.vector_store %arg15[%swap3A_961, %swap3A_962], %swap3A_965 {add = true, strides = array<i32>} : memref<8x1024xf32, #tpu.memory_space<vmem>>, vector<1x16xf32>,
          %scan3A_966 = arith.constant 7 : i32
          %scan3A_967 = arith.addi %scan3A_848, %scan3A_966 : i32
          %mul3A_968 = arith.constant 1 : i32
          %mul3A_969 = arith.muli %scan3A_967, %mul3A_968 : i32
          %add3A_970 = arith.constant 0 : i32
          %add3A_971 = arith.addi %add3A_970, %mul3A_969 : i32
          %mul3A_972 = arith.constant 16 : i32
          %mul3A_973 = arith.muli %add3A_971, %mul3A_972 : i32
          %get3A_974 = arith.index_cast %add3A_842 : i32 to index
          %get3A_975 = arith.index_cast %mul3A_973 : i32 to index
          %get3A_976 = tpu.vector_load %arg7[%get3A_974, %get3A_975] {strides = array<i32>} : memref<8x1024xf32, #tpu.memory_space<vmem>>, vector<1x16xf32>,
          %get3A_977 = vector.shape_cast %get3A_976 : vector<1x16xf32> to vector<16xf32>
          %swap3A_978 = arith.index_cast %add3A_842 : i32 to index
          %swap3A_979 = arith.index_cast %mul3A_973 : i32 to index
          %swap3A_980 = tpu.vector_load %arg15[%swap3A_978, %swap3A_979] {strides = array<i32>} : memref<8x1024xf32, #tpu.memory_space<vmem>>, vector<1x16xf32>,
          %swap3A_981 = vector.shape_cast %swap3A_980 : vector<1x16xf32> to vector<16xf32>
          %swap3A_982 = vector.shape_cast %get3A_977 : vector<16xf32> to vector<1x16xf32>
          tpu.vector_store %arg15[%swap3A_978, %swap3A_979], %swap3A_982 {add = true, strides = array<i32>} : memref<8x1024xf32, #tpu.memory_space<vmem>>, vector<1x16xf32>,
        }
        %scan3A_847 = arith.constant 64 : i32
      }
      %scan3A_693 = arith.constant 8 : i32
      %add3A_694 = arith.constant 4 : i32
      %add3A_695 = arith.addi %add3A_677, %add3A_694 : i32
      %lt3A_696 = arith.constant 64 : i32
      %lt3A_697 = arith.cmpi slt, %add3A_695, %lt3A_696 : i32
      %convert_element_type3A_698 = arith.extui %lt3A_697 : i1 to i32
      %cond3A_699 = arith.constant 0 : i32
      %cond3A_700 = arith.cmpi ne, %convert_element_type3A_698, %cond3A_699 : i32
      scf.if %cond3A_700 {
        %add3A_838 = arith.constant 4 : i32
        %add3A_839 = arith.addi %add3A_677, %add3A_838 : i32
        %mul3A_840 = arith.constant 8 : i32
        %mul3A_841 = arith.muli %add3A_839, %mul3A_840 : i32
        %dma_start3A_842 = tpu.memref_slice %arg6[%mul3A_841] : memref<512xi32, #tpu.memory_space<vmem>> -> memref<8xi32, #tpu.memory_space<vmem>>
        %dma_start3A_843 = arith.constant 0 : i32
        %dma_start3A_844 = arith.constant 0 : i32
        %dma_start3A_845 = tpu.memref_slice %arg4[%dma_start3A_843, %dma_start3A_844] : memref<8192x1024xf32, #tpu.memory_space<hbm>> -> memref<8192x1024xf32, #tpu.memory_space<hbm>>
        tpu.enqueue_indirect_dma source(%dma_start3A_845 : memref<8192x1024xf32, #tpu.memory_space<hbm>>) target(%arg7 : memref<8x1024xf32, #tpu.memory_space<vmem>>) offsets(%dma_start3A_842 : memref<8xi32, #tpu.memory_space<vmem>>) semaphore(%arg19 : memref<!tpu.dma_semaphore, #tpu.memory_space<semaphore_mem>>)
      } else {
      }
      %mul3A_701 = arith.constant 8 : i32
      %mul3A_702 = arith.muli %add3A_677, %mul3A_701 : i32
      %add3A_703 = arith.addi %mul3A_2, %mul3A_702 : i32
      %dma_start3A_704 = arith.constant 0 : i32
      %dma_start3A_705 = tpu.memref_slice %arg5[%add3A_703, %dma_start3A_704] : memref<16384x1024xf32, #tpu.memory_space<hbm>> -> memref<8x1024xf32, #tpu.memory_space<hbm>>
      %dma_start3A_706 = arith.constant 0 : i32
      %dma_start3A_707 = tpu.memref_slice %arg5[%add3A_703, %dma_start3A_706] : memref<16384x1024xf32, #tpu.memory_space<hbm>> -> memref<8x1024xf32, #tpu.memory_space<hbm>>
      tpu.enqueue_dma source(%arg15 : memref<8x1024xf32, #tpu.memory_space<vmem>>) target(%dma_start3A_707 : memref<8x1024xf32, #tpu.memory_space<hbm>>) target_semaphore(%arg35 : memref<!tpu.dma_semaphore, #tpu.memory_space<semaphore_mem>>)
      %add3A_708 = arith.constant 4 : i32
      %add3A_709 = arith.addi %add3A_677, %add3A_708 : i32
      %lt3A_710 = arith.constant 64 : i32
      %lt3A_711 = arith.cmpi slt, %add3A_709, %lt3A_710 : i32
      %convert_element_type3A_712 = arith.extui %lt3A_711 : i1 to i32
      %cond3A_713 = arith.constant 0 : i32
      %cond3A_714 = arith.cmpi ne, %convert_element_type3A_712, %cond3A_713 : i32
      scf.if %cond3A_714 {
        %dma_wait3A_838 = arith.constant 0 : i32
        %dma_wait3A_839 = arith.constant 0 : i32
        %dma_wait3A_840 = tpu.memref_slice %arg5[%dma_wait3A_838, %dma_wait3A_839] : memref<16384x1024xf32, #tpu.memory_space<hbm>> -> memref<8x1024xf32, #tpu.memory_space<hbm>>
        %dma_wait3A_841 = arith.constant 0 : i32
        %dma_wait3A_842 = arith.constant 0 : i32
        %dma_wait3A_843 = tpu.memref_slice %arg5[%dma_wait3A_841, %dma_wait3A_842] : memref<16384x1024xf32, #tpu.memory_space<hbm>> -> memref<8x1024xf32, #tpu.memory_space<hbm>>
        tpu.wait_dma2 semaphore(%arg31 : memref<!tpu.dma_semaphore, #tpu.memory_space<semaphore_mem>>) src(%arg11 : memref<8x1024xf32, #tpu.memory_space<vmem>>) dst(%dma_wait3A_843 : memref<8x1024xf32, #tpu.memory_space<hbm>>)
        %add3A_844 = arith.constant 4 : i32
        %add3A_845 = arith.addi %add3A_677, %add3A_844 : i32
        %mul3A_846 = arith.constant 8 : i32
        %mul3A_847 = arith.muli %add3A_845, %mul3A_846 : i32
        %add3A_848 = arith.addi %mul3A_2, %mul3A_847 : i32
        %dma_start3A_849 = arith.constant 0 : i32
        %dma_start3A_850 = tpu.memref_slice %arg2[%add3A_848, %dma_start3A_849] : memref<16384x1024xf32, #tpu.memory_space<hbm>> -> memref<8x1024xf32, #tpu.memory_space<hbm>>
        %dma_start3A_851 = arith.constant 0 : i32
        %dma_start3A_852 = tpu.memref_slice %arg2[%add3A_848, %dma_start3A_851] : memref<16384x1024xf32, #tpu.memory_space<hbm>> -> memref<8x1024xf32, #tpu.memory_space<hbm>>
        tpu.enqueue_dma source(%dma_start3A_852 : memref<8x1024xf32, #tpu.memory_space<hbm>>) target(%arg11 : memref<8x1024xf32, #tpu.memory_space<vmem>>) target_semaphore(%arg23 : memref<!tpu.dma_semaphore, #tpu.memory_space<semaphore_mem>>)
      } else {
      }
      %mul3A_715 = arith.constant 8 : i32
      %mul3A_716 = arith.muli %add3A_512, %mul3A_715 : i32
      %add3A_717 = arith.constant 5 : i32
      %add3A_718 = arith.addi %mul3A_716, %add3A_717 : i32
      %dma_wait3A_719 = arith.constant 0 : i32
      %dma_wait3A_720 = tpu.memref_slice %arg6[%dma_wait3A_719] : memref<512xi32, #tpu.memory_space<vmem>> -> memref<8xi32, #tpu.memory_space<vmem>>
      %dma_wait3A_721 = arith.constant 0 : i32
      %dma_wait3A_722 = arith.constant 0 : i32
      %dma_wait3A_723 = tpu.memref_slice %arg4[%dma_wait3A_721, %dma_wait3A_722] : memref<8192x1024xf32, #tpu.memory_space<hbm>> -> memref<8192x1024xf32, #tpu.memory_space<hbm>>
      tpu.wait_indirect_dma semaphore(%arg20 : memref<!tpu.dma_semaphore, #tpu.memory_space<semaphore_mem>>) src(%dma_wait3A_723 : memref<8192x1024xf32, #tpu.memory_space<hbm>>) dst(%arg8 : memref<8x1024xf32, #tpu.memory_space<vmem>>)
      %dma_wait3A_724 = arith.constant 0 : i32
      %dma_wait3A_725 = arith.constant 0 : i32
      %dma_wait3A_726 = tpu.memref_slice %arg2[%dma_wait3A_724, %dma_wait3A_725] : memref<16384x1024xf32, #tpu.memory_space<hbm>> -> memref<8x1024xf32, #tpu.memory_space<hbm>>
      %dma_wait3A_727 = arith.constant 0 : i32
      %dma_wait3A_728 = arith.constant 0 : i32
      %dma_wait3A_729 = tpu.memref_slice %arg2[%dma_wait3A_727, %dma_wait3A_728] : memref<16384x1024xf32, #tpu.memory_space<hbm>> -> memref<8x1024xf32, #tpu.memory_space<hbm>>
      tpu.wait_dma2 semaphore(%arg28 : memref<!tpu.dma_semaphore, #tpu.memory_space<semaphore_mem>>) src(%dma_wait3A_729 : memref<8x1024xf32, #tpu.memory_space<hbm>>) dst(%arg16 : memref<8x1024xf32, #tpu.memory_space<vmem>>)
      %scan3A_730 = arith.constant 0 : i32
      %scan3A_731 = arith.constant 8 : i32
      %scan3A_732 = arith.addi %scan3A_730, %scan3A_731 : i32
      %scan3A_733 = arith.constant 1 : i32
      scf.for %scan3A_838 = %scan3A_730 to %scan3A_732 step %scan3A_733  : i32 {
        %mul3A_839 = arith.constant 1 : i32
        %mul3A_840 = arith.muli %scan3A_838, %mul3A_839 : i32
        %add3A_841 = arith.constant 0 : i32
        %add3A_842 = arith.addi %add3A_841, %mul3A_840 : i32
        %scan3A_843 = arith.constant 0 : i32
        %scan3A_844 = arith.constant 64 : i32
        %scan3A_845 = arith.addi %scan3A_843, %scan3A_844 : i32
        %scan3A_846 = arith.constant 8 : i32
        scf.for %scan3A_848 = %scan3A_843 to %scan3A_845 step %scan3A_846  : i32 {
          %mul3A_849 = arith.constant 1 : i32
          %mul3A_850 = arith.muli %scan3A_848, %mul3A_849 : i32
          %add3A_851 = arith.constant 0 : i32
          %add3A_852 = arith.addi %add3A_851, %mul3A_850 : i32
          %mul3A_853 = arith.constant 16 : i32
          %mul3A_854 = arith.muli %add3A_852, %mul3A_853 : i32
          %get3A_855 = arith.index_cast %add3A_842 : i32 to index
          %get3A_856 = arith.index_cast %mul3A_854 : i32 to index
          %get3A_857 = tpu.vector_load %arg8[%get3A_855, %get3A_856] {strides = array<i32>} : memref<8x1024xf32, #tpu.memory_space<vmem>>, vector<1x16xf32>,
          %get3A_858 = vector.shape_cast %get3A_857 : vector<1x16xf32> to vector<16xf32>
          %swap3A_859 = arith.index_cast %add3A_842 : i32 to index
          %swap3A_860 = arith.index_cast %mul3A_854 : i32 to index
          %swap3A_861 = tpu.vector_load %arg16[%swap3A_859, %swap3A_860] {strides = array<i32>} : memref<8x1024xf32, #tpu.memory_space<vmem>>, vector<1x16xf32>,
          %swap3A_862 = vector.shape_cast %swap3A_861 : vector<1x16xf32> to vector<16xf32>
          %swap3A_863 = vector.shape_cast %get3A_858 : vector<16xf32> to vector<1x16xf32>
          tpu.vector_store %arg16[%swap3A_859, %swap3A_860], %swap3A_863 {add = true, strides = array<i32>} : memref<8x1024xf32, #tpu.memory_space<vmem>>, vector<1x16xf32>,
          %scan3A_864 = arith.constant 1 : i32
          %scan3A_865 = arith.addi %scan3A_848, %scan3A_864 : i32
          %mul3A_866 = arith.constant 1 : i32
          %mul3A_867 = arith.muli %scan3A_865, %mul3A_866 : i32
          %add3A_868 = arith.constant 0 : i32
          %add3A_869 = arith.addi %add3A_868, %mul3A_867 : i32
          %mul3A_870 = arith.constant 16 : i32
          %mul3A_871 = arith.muli %add3A_869, %mul3A_870 : i32
          %get3A_872 = arith.index_cast %add3A_842 : i32 to index
          %get3A_873 = arith.index_cast %mul3A_871 : i32 to index
          %get3A_874 = tpu.vector_load %arg8[%get3A_872, %get3A_873] {strides = array<i32>} : memref<8x1024xf32, #tpu.memory_space<vmem>>, vector<1x16xf32>,
          %get3A_875 = vector.shape_cast %get3A_874 : vector<1x16xf32> to vector<16xf32>
          %swap3A_876 = arith.index_cast %add3A_842 : i32 to index
          %swap3A_877 = arith.index_cast %mul3A_871 : i32 to index
          %swap3A_878 = tpu.vector_load %arg16[%swap3A_876, %swap3A_877] {strides = array<i32>} : memref<8x1024xf32, #tpu.memory_space<vmem>>, vector<1x16xf32>,
          %swap3A_879 = vector.shape_cast %swap3A_878 : vector<1x16xf32> to vector<16xf32>
          %swap3A_880 = vector.shape_cast %get3A_875 : vector<16xf32> to vector<1x16xf32>
          tpu.vector_store %arg16[%swap3A_876, %swap3A_877], %swap3A_880 {add = true, strides = array<i32>} : memref<8x1024xf32, #tpu.memory_space<vmem>>, vector<1x16xf32>,
          %scan3A_881 = arith.constant 2 : i32
          %scan3A_882 = arith.addi %scan3A_848, %scan3A_881 : i32
          %mul3A_883 = arith.constant 1 : i32
          %mul3A_884 = arith.muli %scan3A_882, %mul3A_883 : i32
          %add3A_885 = arith.constant 0 : i32
          %add3A_886 = arith.addi %add3A_885, %mul3A_884 : i32
          %mul3A_887 = arith.constant 16 : i32
          %mul3A_888 = arith.muli %add3A_886, %mul3A_887 : i32
          %get3A_889 = arith.index_cast %add3A_842 : i32 to index
          %get3A_890 = arith.index_cast %mul3A_888 : i32 to index
          %get3A_891 = tpu.vector_load %arg8[%get3A_889, %get3A_890] {strides = array<i32>} : memref<8x1024xf32, #tpu.memory_space<vmem>>, vector<1x16xf32>,
          %get3A_892 = vector.shape_cast %get3A_891 : vector<1x16xf32> to vector<16xf32>
          %swap3A_893 = arith.index_cast %add3A_842 : i32 to index
          %swap3A_894 = arith.index_cast %mul3A_888 : i32 to index
          %swap3A_895 = tpu.vector_load %arg16[%swap3A_893, %swap3A_894] {strides = array<i32>} : memref<8x1024xf32, #tpu.memory_space<vmem>>, vector<1x16xf32>,
          %swap3A_896 = vector.shape_cast %swap3A_895 : vector<1x16xf32> to vector<16xf32>
          %swap3A_897 = vector.shape_cast %get3A_892 : vector<16xf32> to vector<1x16xf32>
          tpu.vector_store %arg16[%swap3A_893, %swap3A_894], %swap3A_897 {add = true, strides = array<i32>} : memref<8x1024xf32, #tpu.memory_space<vmem>>, vector<1x16xf32>,
          %scan3A_898 = arith.constant 3 : i32
          %scan3A_899 = arith.addi %scan3A_848, %scan3A_898 : i32
          %mul3A_900 = arith.constant 1 : i32
          %mul3A_901 = arith.muli %scan3A_899, %mul3A_900 : i32
          %add3A_902 = arith.constant 0 : i32
          %add3A_903 = arith.addi %add3A_902, %mul3A_901 : i32
          %mul3A_904 = arith.constant 16 : i32
          %mul3A_905 = arith.muli %add3A_903, %mul3A_904 : i32
          %get3A_906 = arith.index_cast %add3A_842 : i32 to index
          %get3A_907 = arith.index_cast %mul3A_905 : i32 to index
          %get3A_908 = tpu.vector_load %arg8[%get3A_906, %get3A_907] {strides = array<i32>} : memref<8x1024xf32, #tpu.memory_space<vmem>>, vector<1x16xf32>,
          %get3A_909 = vector.shape_cast %get3A_908 : vector<1x16xf32> to vector<16xf32>
          %swap3A_910 = arith.index_cast %add3A_842 : i32 to index
          %swap3A_911 = arith.index_cast %mul3A_905 : i32 to index
          %swap3A_912 = tpu.vector_load %arg16[%swap3A_910, %swap3A_911] {strides = array<i32>} : memref<8x1024xf32, #tpu.memory_space<vmem>>, vector<1x16xf32>,
          %swap3A_913 = vector.shape_cast %swap3A_912 : vector<1x16xf32> to vector<16xf32>
          %swap3A_914 = vector.shape_cast %get3A_909 : vector<16xf32> to vector<1x16xf32>
          tpu.vector_store %arg16[%swap3A_910, %swap3A_911], %swap3A_914 {add = true, strides = array<i32>} : memref<8x1024xf32, #tpu.memory_space<vmem>>, vector<1x16xf32>,
          %scan3A_915 = arith.constant 4 : i32
          %scan3A_916 = arith.addi %scan3A_848, %scan3A_915 : i32
          %mul3A_917 = arith.constant 1 : i32
          %mul3A_918 = arith.muli %scan3A_916, %mul3A_917 : i32
          %add3A_919 = arith.constant 0 : i32
          %add3A_920 = arith.addi %add3A_919, %mul3A_918 : i32
          %mul3A_921 = arith.constant 16 : i32
          %mul3A_922 = arith.muli %add3A_920, %mul3A_921 : i32
          %get3A_923 = arith.index_cast %add3A_842 : i32 to index
          %get3A_924 = arith.index_cast %mul3A_922 : i32 to index
          %get3A_925 = tpu.vector_load %arg8[%get3A_923, %get3A_924] {strides = array<i32>} : memref<8x1024xf32, #tpu.memory_space<vmem>>, vector<1x16xf32>,
          %get3A_926 = vector.shape_cast %get3A_925 : vector<1x16xf32> to vector<16xf32>
          %swap3A_927 = arith.index_cast %add3A_842 : i32 to index
          %swap3A_928 = arith.index_cast %mul3A_922 : i32 to index
          %swap3A_929 = tpu.vector_load %arg16[%swap3A_927, %swap3A_928] {strides = array<i32>} : memref<8x1024xf32, #tpu.memory_space<vmem>>, vector<1x16xf32>,
          %swap3A_930 = vector.shape_cast %swap3A_929 : vector<1x16xf32> to vector<16xf32>
          %swap3A_931 = vector.shape_cast %get3A_926 : vector<16xf32> to vector<1x16xf32>
          tpu.vector_store %arg16[%swap3A_927, %swap3A_928], %swap3A_931 {add = true, strides = array<i32>} : memref<8x1024xf32, #tpu.memory_space<vmem>>, vector<1x16xf32>,
          %scan3A_932 = arith.constant 5 : i32
          %scan3A_933 = arith.addi %scan3A_848, %scan3A_932 : i32
          %mul3A_934 = arith.constant 1 : i32
          %mul3A_935 = arith.muli %scan3A_933, %mul3A_934 : i32
          %add3A_936 = arith.constant 0 : i32
          %add3A_937 = arith.addi %add3A_936, %mul3A_935 : i32
          %mul3A_938 = arith.constant 16 : i32
          %mul3A_939 = arith.muli %add3A_937, %mul3A_938 : i32
          %get3A_940 = arith.index_cast %add3A_842 : i32 to index
          %get3A_941 = arith.index_cast %mul3A_939 : i32 to index
          %get3A_942 = tpu.vector_load %arg8[%get3A_940, %get3A_941] {strides = array<i32>} : memref<8x1024xf32, #tpu.memory_space<vmem>>, vector<1x16xf32>,
          %get3A_943 = vector.shape_cast %get3A_942 : vector<1x16xf32> to vector<16xf32>
          %swap3A_944 = arith.index_cast %add3A_842 : i32 to index
          %swap3A_945 = arith.index_cast %mul3A_939 : i32 to index
          %swap3A_946 = tpu.vector_load %arg16[%swap3A_944, %swap3A_945] {strides = array<i32>} : memref<8x1024xf32, #tpu.memory_space<vmem>>, vector<1x16xf32>,
          %swap3A_947 = vector.shape_cast %swap3A_946 : vector<1x16xf32> to vector<16xf32>
          %swap3A_948 = vector.shape_cast %get3A_943 : vector<16xf32> to vector<1x16xf32>
          tpu.vector_store %arg16[%swap3A_944, %swap3A_945], %swap3A_948 {add = true, strides = array<i32>} : memref<8x1024xf32, #tpu.memory_space<vmem>>, vector<1x16xf32>,
          %scan3A_949 = arith.constant 6 : i32
          %scan3A_950 = arith.addi %scan3A_848, %scan3A_949 : i32
          %mul3A_951 = arith.constant 1 : i32
          %mul3A_952 = arith.muli %scan3A_950, %mul3A_951 : i32
          %add3A_953 = arith.constant 0 : i32
          %add3A_954 = arith.addi %add3A_953, %mul3A_952 : i32
          %mul3A_955 = arith.constant 16 : i32
          %mul3A_956 = arith.muli %add3A_954, %mul3A_955 : i32
          %get3A_957 = arith.index_cast %add3A_842 : i32 to index
          %get3A_958 = arith.index_cast %mul3A_956 : i32 to index
          %get3A_959 = tpu.vector_load %arg8[%get3A_957, %get3A_958] {strides = array<i32>} : memref<8x1024xf32, #tpu.memory_space<vmem>>, vector<1x16xf32>,
          %get3A_960 = vector.shape_cast %get3A_959 : vector<1x16xf32> to vector<16xf32>
          %swap3A_961 = arith.index_cast %add3A_842 : i32 to index
          %swap3A_962 = arith.index_cast %mul3A_956 : i32 to index
          %swap3A_963 = tpu.vector_load %arg16[%swap3A_961, %swap3A_962] {strides = array<i32>} : memref<8x1024xf32, #tpu.memory_space<vmem>>, vector<1x16xf32>,
          %swap3A_964 = vector.shape_cast %swap3A_963 : vector<1x16xf32> to vector<16xf32>
          %swap3A_965 = vector.shape_cast %get3A_960 : vector<16xf32> to vector<1x16xf32>
          tpu.vector_store %arg16[%swap3A_961, %swap3A_962], %swap3A_965 {add = true, strides = array<i32>} : memref<8x1024xf32, #tpu.memory_space<vmem>>, vector<1x16xf32>,
          %scan3A_966 = arith.constant 7 : i32
          %scan3A_967 = arith.addi %scan3A_848, %scan3A_966 : i32
          %mul3A_968 = arith.constant 1 : i32
          %mul3A_969 = arith.muli %scan3A_967, %mul3A_968 : i32
          %add3A_970 = arith.constant 0 : i32
          %add3A_971 = arith.addi %add3A_970, %mul3A_969 : i32
          %mul3A_972 = arith.constant 16 : i32
          %mul3A_973 = arith.muli %add3A_971, %mul3A_972 : i32
          %get3A_974 = arith.index_cast %add3A_842 : i32 to index
          %get3A_975 = arith.index_cast %mul3A_973 : i32 to index
          %get3A_976 = tpu.vector_load %arg8[%get3A_974, %get3A_975] {strides = array<i32>} : memref<8x1024xf32, #tpu.memory_space<vmem>>, vector<1x16xf32>,
          %get3A_977 = vector.shape_cast %get3A_976 : vector<1x16xf32> to vector<16xf32>
          %swap3A_978 = arith.index_cast %add3A_842 : i32 to index
          %swap3A_979 = arith.index_cast %mul3A_973 : i32 to index
          %swap3A_980 = tpu.vector_load %arg16[%swap3A_978, %swap3A_979] {strides = array<i32>} : memref<8x1024xf32, #tpu.memory_space<vmem>>, vector<1x16xf32>,
          %swap3A_981 = vector.shape_cast %swap3A_980 : vector<1x16xf32> to vector<16xf32>
          %swap3A_982 = vector.shape_cast %get3A_977 : vector<16xf32> to vector<1x16xf32>
          tpu.vector_store %arg16[%swap3A_978, %swap3A_979], %swap3A_982 {add = true, strides = array<i32>} : memref<8x1024xf32, #tpu.memory_space<vmem>>, vector<1x16xf32>,
        }
        %scan3A_847 = arith.constant 64 : i32
      }
      %scan3A_734 = arith.constant 8 : i32
      %add3A_735 = arith.constant 4 : i32
      %add3A_736 = arith.addi %add3A_718, %add3A_735 : i32
      %lt3A_737 = arith.constant 64 : i32
      %lt3A_738 = arith.cmpi slt, %add3A_736, %lt3A_737 : i32
      %convert_element_type3A_739 = arith.extui %lt3A_738 : i1 to i32
      %cond3A_740 = arith.constant 0 : i32
      %cond3A_741 = arith.cmpi ne, %convert_element_type3A_739, %cond3A_740 : i32
      scf.if %cond3A_741 {
        %add3A_838 = arith.constant 4 : i32
        %add3A_839 = arith.addi %add3A_718, %add3A_838 : i32
        %mul3A_840 = arith.constant 8 : i32
        %mul3A_841 = arith.muli %add3A_839, %mul3A_840 : i32
        %dma_start3A_842 = tpu.memref_slice %arg6[%mul3A_841] : memref<512xi32, #tpu.memory_space<vmem>> -> memref<8xi32, #tpu.memory_space<vmem>>
        %dma_start3A_843 = arith.constant 0 : i32
        %dma_start3A_844 = arith.constant 0 : i32
        %dma_start3A_845 = tpu.memref_slice %arg4[%dma_start3A_843, %dma_start3A_844] : memref<8192x1024xf32, #tpu.memory_space<hbm>> -> memref<8192x1024xf32, #tpu.memory_space<hbm>>
        tpu.enqueue_indirect_dma source(%dma_start3A_845 : memref<8192x1024xf32, #tpu.memory_space<hbm>>) target(%arg8 : memref<8x1024xf32, #tpu.memory_space<vmem>>) offsets(%dma_start3A_842 : memref<8xi32, #tpu.memory_space<vmem>>) semaphore(%arg20 : memref<!tpu.dma_semaphore, #tpu.memory_space<semaphore_mem>>)
      } else {
      }
      %mul3A_742 = arith.constant 8 : i32
      %mul3A_743 = arith.muli %add3A_718, %mul3A_742 : i32
      %add3A_744 = arith.addi %mul3A_2, %mul3A_743 : i32
      %dma_start3A_745 = arith.constant 0 : i32
      %dma_start3A_746 = tpu.memref_slice %arg5[%add3A_744, %dma_start3A_745] : memref<16384x1024xf32, #tpu.memory_space<hbm>> -> memref<8x1024xf32, #tpu.memory_space<hbm>>
      %dma_start3A_747 = arith.constant 0 : i32
      %dma_start3A_748 = tpu.memref_slice %arg5[%add3A_744, %dma_start3A_747] : memref<16384x1024xf32, #tpu.memory_space<hbm>> -> memref<8x1024xf32, #tpu.memory_space<hbm>>
      tpu.enqueue_dma source(%arg16 : memref<8x1024xf32, #tpu.memory_space<vmem>>) target(%dma_start3A_748 : memref<8x1024xf32, #tpu.memory_space<hbm>>) target_semaphore(%arg36 : memref<!tpu.dma_semaphore, #tpu.memory_space<semaphore_mem>>)
      %add3A_749 = arith.constant 4 : i32
      %add3A_750 = arith.addi %add3A_718, %add3A_749 : i32
      %lt3A_751 = arith.constant 64 : i32
      %lt3A_752 = arith.cmpi slt, %add3A_750, %lt3A_751 : i32
      %convert_element_type3A_753 = arith.extui %lt3A_752 : i1 to i32
      %cond3A_754 = arith.constant 0 : i32
      %cond3A_755 = arith.cmpi ne, %convert_element_type3A_753, %cond3A_754 : i32
      scf.if %cond3A_755 {
        %dma_wait3A_838 = arith.constant 0 : i32
        %dma_wait3A_839 = arith.constant 0 : i32
        %dma_wait3A_840 = tpu.memref_slice %arg5[%dma_wait3A_838, %dma_wait3A_839] : memref<16384x1024xf32, #tpu.memory_space<hbm>> -> memref<8x1024xf32, #tpu.memory_space<hbm>>
        %dma_wait3A_841 = arith.constant 0 : i32
        %dma_wait3A_842 = arith.constant 0 : i32
        %dma_wait3A_843 = tpu.memref_slice %arg5[%dma_wait3A_841, %dma_wait3A_842] : memref<16384x1024xf32, #tpu.memory_space<hbm>> -> memref<8x1024xf32, #tpu.memory_space<hbm>>
        tpu.wait_dma2 semaphore(%arg32 : memref<!tpu.dma_semaphore, #tpu.memory_space<semaphore_mem>>) src(%arg12 : memref<8x1024xf32, #tpu.memory_space<vmem>>) dst(%dma_wait3A_843 : memref<8x1024xf32, #tpu.memory_space<hbm>>)
        %add3A_844 = arith.constant 4 : i32
        %add3A_845 = arith.addi %add3A_718, %add3A_844 : i32
        %mul3A_846 = arith.constant 8 : i32
        %mul3A_847 = arith.muli %add3A_845, %mul3A_846 : i32
        %add3A_848 = arith.addi %mul3A_2, %mul3A_847 : i32
        %dma_start3A_849 = arith.constant 0 : i32
        %dma_start3A_850 = tpu.memref_slice %arg2[%add3A_848, %dma_start3A_849] : memref<16384x1024xf32, #tpu.memory_space<hbm>> -> memref<8x1024xf32, #tpu.memory_space<hbm>>
        %dma_start3A_851 = arith.constant 0 : i32
        %dma_start3A_852 = tpu.memref_slice %arg2[%add3A_848, %dma_start3A_851] : memref<16384x1024xf32, #tpu.memory_space<hbm>> -> memref<8x1024xf32, #tpu.memory_space<hbm>>
        tpu.enqueue_dma source(%dma_start3A_852 : memref<8x1024xf32, #tpu.memory_space<hbm>>) target(%arg12 : memref<8x1024xf32, #tpu.memory_space<vmem>>) target_semaphore(%arg24 : memref<!tpu.dma_semaphore, #tpu.memory_space<semaphore_mem>>)
      } else {
      }
      %mul3A_756 = arith.constant 8 : i32
      %mul3A_757 = arith.muli %add3A_512, %mul3A_756 : i32
      %add3A_758 = arith.constant 6 : i32
      %add3A_759 = arith.addi %mul3A_757, %add3A_758 : i32
      %dma_wait3A_760 = arith.constant 0 : i32
      %dma_wait3A_761 = tpu.memref_slice %arg6[%dma_wait3A_760] : memref<512xi32, #tpu.memory_space<vmem>> -> memref<8xi32, #tpu.memory_space<vmem>>
      %dma_wait3A_762 = arith.constant 0 : i32
      %dma_wait3A_763 = arith.constant 0 : i32
      %dma_wait3A_764 = tpu.memref_slice %arg4[%dma_wait3A_762, %dma_wait3A_763] : memref<8192x1024xf32, #tpu.memory_space<hbm>> -> memref<8192x1024xf32, #tpu.memory_space<hbm>>
      tpu.wait_indirect_dma semaphore(%arg21 : memref<!tpu.dma_semaphore, #tpu.memory_space<semaphore_mem>>) src(%dma_wait3A_764 : memref<8192x1024xf32, #tpu.memory_space<hbm>>) dst(%arg9 : memref<8x1024xf32, #tpu.memory_space<vmem>>)
      %dma_wait3A_765 = arith.constant 0 : i32
      %dma_wait3A_766 = arith.constant 0 : i32
      %dma_wait3A_767 = tpu.memref_slice %arg2[%dma_wait3A_765, %dma_wait3A_766] : memref<16384x1024xf32, #tpu.memory_space<hbm>> -> memref<8x1024xf32, #tpu.memory_space<hbm>>
      %dma_wait3A_768 = arith.constant 0 : i32
      %dma_wait3A_769 = arith.constant 0 : i32
      %dma_wait3A_770 = tpu.memref_slice %arg2[%dma_wait3A_768, %dma_wait3A_769] : memref<16384x1024xf32, #tpu.memory_space<hbm>> -> memref<8x1024xf32, #tpu.memory_space<hbm>>
      tpu.wait_dma2 semaphore(%arg29 : memref<!tpu.dma_semaphore, #tpu.memory_space<semaphore_mem>>) src(%dma_wait3A_770 : memref<8x1024xf32, #tpu.memory_space<hbm>>) dst(%arg17 : memref<8x1024xf32, #tpu.memory_space<vmem>>)
      %scan3A_771 = arith.constant 0 : i32
      %scan3A_772 = arith.constant 8 : i32
      %scan3A_773 = arith.addi %scan3A_771, %scan3A_772 : i32
      %scan3A_774 = arith.constant 1 : i32
      scf.for %scan3A_838 = %scan3A_771 to %scan3A_773 step %scan3A_774  : i32 {
        %mul3A_839 = arith.constant 1 : i32
        %mul3A_840 = arith.muli %scan3A_838, %mul3A_839 : i32
        %add3A_841 = arith.constant 0 : i32
        %add3A_842 = arith.addi %add3A_841, %mul3A_840 : i32
        %scan3A_843 = arith.constant 0 : i32
        %scan3A_844 = arith.constant 64 : i32
        %scan3A_845 = arith.addi %scan3A_843, %scan3A_844 : i32
        %scan3A_846 = arith.constant 8 : i32
        scf.for %scan3A_848 = %scan3A_843 to %scan3A_845 step %scan3A_846  : i32 {
          %mul3A_849 = arith.constant 1 : i32
          %mul3A_850 = arith.muli %scan3A_848, %mul3A_849 : i32
          %add3A_851 = arith.constant 0 : i32
          %add3A_852 = arith.addi %add3A_851, %mul3A_850 : i32
          %mul3A_853 = arith.constant 16 : i32
          %mul3A_854 = arith.muli %add3A_852, %mul3A_853 : i32
          %get3A_855 = arith.index_cast %add3A_842 : i32 to index
          %get3A_856 = arith.index_cast %mul3A_854 : i32 to index
          %get3A_857 = tpu.vector_load %arg9[%get3A_855, %get3A_856] {strides = array<i32>} : memref<8x1024xf32, #tpu.memory_space<vmem>>, vector<1x16xf32>,
          %get3A_858 = vector.shape_cast %get3A_857 : vector<1x16xf32> to vector<16xf32>
          %swap3A_859 = arith.index_cast %add3A_842 : i32 to index
          %swap3A_860 = arith.index_cast %mul3A_854 : i32 to index
          %swap3A_861 = tpu.vector_load %arg17[%swap3A_859, %swap3A_860] {strides = array<i32>} : memref<8x1024xf32, #tpu.memory_space<vmem>>, vector<1x16xf32>,
          %swap3A_862 = vector.shape_cast %swap3A_861 : vector<1x16xf32> to vector<16xf32>
          %swap3A_863 = vector.shape_cast %get3A_858 : vector<16xf32> to vector<1x16xf32>
          tpu.vector_store %arg17[%swap3A_859, %swap3A_860], %swap3A_863 {add = true, strides = array<i32>} : memref<8x1024xf32, #tpu.memory_space<vmem>>, vector<1x16xf32>,
          %scan3A_864 = arith.constant 1 : i32
          %scan3A_865 = arith.addi %scan3A_848, %scan3A_864 : i32
          %mul3A_866 = arith.constant 1 : i32
          %mul3A_867 = arith.muli %scan3A_865, %mul3A_866 : i32
          %add3A_868 = arith.constant 0 : i32
          %add3A_869 = arith.addi %add3A_868, %mul3A_867 : i32
          %mul3A_870 = arith.constant 16 : i32
          %mul3A_871 = arith.muli %add3A_869, %mul3A_870 : i32
          %get3A_872 = arith.index_cast %add3A_842 : i32 to index
          %get3A_873 = arith.index_cast %mul3A_871 : i32 to index
          %get3A_874 = tpu.vector_load %arg9[%get3A_872, %get3A_873] {strides = array<i32>} : memref<8x1024xf32, #tpu.memory_space<vmem>>, vector<1x16xf32>,
          %get3A_875 = vector.shape_cast %get3A_874 : vector<1x16xf32> to vector<16xf32>
          %swap3A_876 = arith.index_cast %add3A_842 : i32 to index
          %swap3A_877 = arith.index_cast %mul3A_871 : i32 to index
          %swap3A_878 = tpu.vector_load %arg17[%swap3A_876, %swap3A_877] {strides = array<i32>} : memref<8x1024xf32, #tpu.memory_space<vmem>>, vector<1x16xf32>,
          %swap3A_879 = vector.shape_cast %swap3A_878 : vector<1x16xf32> to vector<16xf32>
          %swap3A_880 = vector.shape_cast %get3A_875 : vector<16xf32> to vector<1x16xf32>
          tpu.vector_store %arg17[%swap3A_876, %swap3A_877], %swap3A_880 {add = true, strides = array<i32>} : memref<8x1024xf32, #tpu.memory_space<vmem>>, vector<1x16xf32>,
          %scan3A_881 = arith.constant 2 : i32
          %scan3A_882 = arith.addi %scan3A_848, %scan3A_881 : i32
          %mul3A_883 = arith.constant 1 : i32
          %mul3A_884 = arith.muli %scan3A_882, %mul3A_883 : i32
          %add3A_885 = arith.constant 0 : i32
          %add3A_886 = arith.addi %add3A_885, %mul3A_884 : i32
          %mul3A_887 = arith.constant 16 : i32
          %mul3A_888 = arith.muli %add3A_886, %mul3A_887 : i32
          %get3A_889 = arith.index_cast %add3A_842 : i32 to index
          %get3A_890 = arith.index_cast %mul3A_888 : i32 to index
          %get3A_891 = tpu.vector_load %arg9[%get3A_889, %get3A_890] {strides = array<i32>} : memref<8x1024xf32, #tpu.memory_space<vmem>>, vector<1x16xf32>,
          %get3A_892 = vector.shape_cast %get3A_891 : vector<1x16xf32> to vector<16xf32>
          %swap3A_893 = arith.index_cast %add3A_842 : i32 to index
          %swap3A_894 = arith.index_cast %mul3A_888 : i32 to index
          %swap3A_895 = tpu.vector_load %arg17[%swap3A_893, %swap3A_894] {strides = array<i32>} : memref<8x1024xf32, #tpu.memory_space<vmem>>, vector<1x16xf32>,
          %swap3A_896 = vector.shape_cast %swap3A_895 : vector<1x16xf32> to vector<16xf32>
          %swap3A_897 = vector.shape_cast %get3A_892 : vector<16xf32> to vector<1x16xf32>
          tpu.vector_store %arg17[%swap3A_893, %swap3A_894], %swap3A_897 {add = true, strides = array<i32>} : memref<8x1024xf32, #tpu.memory_space<vmem>>, vector<1x16xf32>,
          %scan3A_898 = arith.constant 3 : i32
          %scan3A_899 = arith.addi %scan3A_848, %scan3A_898 : i32
          %mul3A_900 = arith.constant 1 : i32
          %mul3A_901 = arith.muli %scan3A_899, %mul3A_900 : i32
          %add3A_902 = arith.constant 0 : i32
          %add3A_903 = arith.addi %add3A_902, %mul3A_901 : i32
          %mul3A_904 = arith.constant 16 : i32
          %mul3A_905 = arith.muli %add3A_903, %mul3A_904 : i32
          %get3A_906 = arith.index_cast %add3A_842 : i32 to index
          %get3A_907 = arith.index_cast %mul3A_905 : i32 to index
          %get3A_908 = tpu.vector_load %arg9[%get3A_906, %get3A_907] {strides = array<i32>} : memref<8x1024xf32, #tpu.memory_space<vmem>>, vector<1x16xf32>,
          %get3A_909 = vector.shape_cast %get3A_908 : vector<1x16xf32> to vector<16xf32>
          %swap3A_910 = arith.index_cast %add3A_842 : i32 to index
          %swap3A_911 = arith.index_cast %mul3A_905 : i32 to index
          %swap3A_912 = tpu.vector_load %arg17[%swap3A_910, %swap3A_911] {strides = array<i32>} : memref<8x1024xf32, #tpu.memory_space<vmem>>, vector<1x16xf32>,
          %swap3A_913 = vector.shape_cast %swap3A_912 : vector<1x16xf32> to vector<16xf32>
          %swap3A_914 = vector.shape_cast %get3A_909 : vector<16xf32> to vector<1x16xf32>
          tpu.vector_store %arg17[%swap3A_910, %swap3A_911], %swap3A_914 {add = true, strides = array<i32>} : memref<8x1024xf32, #tpu.memory_space<vmem>>, vector<1x16xf32>,
          %scan3A_915 = arith.constant 4 : i32
          %scan3A_916 = arith.addi %scan3A_848, %scan3A_915 : i32
          %mul3A_917 = arith.constant 1 : i32
          %mul3A_918 = arith.muli %scan3A_916, %mul3A_917 : i32
          %add3A_919 = arith.constant 0 : i32
          %add3A_920 = arith.addi %add3A_919, %mul3A_918 : i32
          %mul3A_921 = arith.constant 16 : i32
          %mul3A_922 = arith.muli %add3A_920, %mul3A_921 : i32
          %get3A_923 = arith.index_cast %add3A_842 : i32 to index
          %get3A_924 = arith.index_cast %mul3A_922 : i32 to index
          %get3A_925 = tpu.vector_load %arg9[%get3A_923, %get3A_924] {strides = array<i32>} : memref<8x1024xf32, #tpu.memory_space<vmem>>, vector<1x16xf32>,
          %get3A_926 = vector.shape_cast %get3A_925 : vector<1x16xf32> to vector<16xf32>
          %swap3A_927 = arith.index_cast %add3A_842 : i32 to index
          %swap3A_928 = arith.index_cast %mul3A_922 : i32 to index
          %swap3A_929 = tpu.vector_load %arg17[%swap3A_927, %swap3A_928] {strides = array<i32>} : memref<8x1024xf32, #tpu.memory_space<vmem>>, vector<1x16xf32>,
          %swap3A_930 = vector.shape_cast %swap3A_929 : vector<1x16xf32> to vector<16xf32>
          %swap3A_931 = vector.shape_cast %get3A_926 : vector<16xf32> to vector<1x16xf32>
          tpu.vector_store %arg17[%swap3A_927, %swap3A_928], %swap3A_931 {add = true, strides = array<i32>} : memref<8x1024xf32, #tpu.memory_space<vmem>>, vector<1x16xf32>,
          %scan3A_932 = arith.constant 5 : i32
          %scan3A_933 = arith.addi %scan3A_848, %scan3A_932 : i32
          %mul3A_934 = arith.constant 1 : i32
          %mul3A_935 = arith.muli %scan3A_933, %mul3A_934 : i32
          %add3A_936 = arith.constant 0 : i32
          %add3A_937 = arith.addi %add3A_936, %mul3A_935 : i32
          %mul3A_938 = arith.constant 16 : i32
          %mul3A_939 = arith.muli %add3A_937, %mul3A_938 : i32
          %get3A_940 = arith.index_cast %add3A_842 : i32 to index
          %get3A_941 = arith.index_cast %mul3A_939 : i32 to index
          %get3A_942 = tpu.vector_load %arg9[%get3A_940, %get3A_941] {strides = array<i32>} : memref<8x1024xf32, #tpu.memory_space<vmem>>, vector<1x16xf32>,
          %get3A_943 = vector.shape_cast %get3A_942 : vector<1x16xf32> to vector<16xf32>
          %swap3A_944 = arith.index_cast %add3A_842 : i32 to index
          %swap3A_945 = arith.index_cast %mul3A_939 : i32 to index
          %swap3A_946 = tpu.vector_load %arg17[%swap3A_944, %swap3A_945] {strides = array<i32>} : memref<8x1024xf32, #tpu.memory_space<vmem>>, vector<1x16xf32>,
          %swap3A_947 = vector.shape_cast %swap3A_946 : vector<1x16xf32> to vector<16xf32>
          %swap3A_948 = vector.shape_cast %get3A_943 : vector<16xf32> to vector<1x16xf32>
          tpu.vector_store %arg17[%swap3A_944, %swap3A_945], %swap3A_948 {add = true, strides = array<i32>} : memref<8x1024xf32, #tpu.memory_space<vmem>>, vector<1x16xf32>,
          %scan3A_949 = arith.constant 6 : i32
          %scan3A_950 = arith.addi %scan3A_848, %scan3A_949 : i32
          %mul3A_951 = arith.constant 1 : i32
          %mul3A_952 = arith.muli %scan3A_950, %mul3A_951 : i32
          %add3A_953 = arith.constant 0 : i32
          %add3A_954 = arith.addi %add3A_953, %mul3A_952 : i32
          %mul3A_955 = arith.constant 16 : i32
          %mul3A_956 = arith.muli %add3A_954, %mul3A_955 : i32
          %get3A_957 = arith.index_cast %add3A_842 : i32 to index
          %get3A_958 = arith.index_cast %mul3A_956 : i32 to index
          %get3A_959 = tpu.vector_load %arg9[%get3A_957, %get3A_958] {strides = array<i32>} : memref<8x1024xf32, #tpu.memory_space<vmem>>, vector<1x16xf32>,
          %get3A_960 = vector.shape_cast %get3A_959 : vector<1x16xf32> to vector<16xf32>
          %swap3A_961 = arith.index_cast %add3A_842 : i32 to index
          %swap3A_962 = arith.index_cast %mul3A_956 : i32 to index
          %swap3A_963 = tpu.vector_load %arg17[%swap3A_961, %swap3A_962] {strides = array<i32>} : memref<8x1024xf32, #tpu.memory_space<vmem>>, vector<1x16xf32>,
          %swap3A_964 = vector.shape_cast %swap3A_963 : vector<1x16xf32> to vector<16xf32>
          %swap3A_965 = vector.shape_cast %get3A_960 : vector<16xf32> to vector<1x16xf32>
          tpu.vector_store %arg17[%swap3A_961, %swap3A_962], %swap3A_965 {add = true, strides = array<i32>} : memref<8x1024xf32, #tpu.memory_space<vmem>>, vector<1x16xf32>,
          %scan3A_966 = arith.constant 7 : i32
          %scan3A_967 = arith.addi %scan3A_848, %scan3A_966 : i32
          %mul3A_968 = arith.constant 1 : i32
          %mul3A_969 = arith.muli %scan3A_967, %mul3A_968 : i32
          %add3A_970 = arith.constant 0 : i32
          %add3A_971 = arith.addi %add3A_970, %mul3A_969 : i32
          %mul3A_972 = arith.constant 16 : i32
          %mul3A_973 = arith.muli %add3A_971, %mul3A_972 : i32
          %get3A_974 = arith.index_cast %add3A_842 : i32 to index
          %get3A_975 = arith.index_cast %mul3A_973 : i32 to index
          %get3A_976 = tpu.vector_load %arg9[%get3A_974, %get3A_975] {strides = array<i32>} : memref<8x1024xf32, #tpu.memory_space<vmem>>, vector<1x16xf32>,
          %get3A_977 = vector.shape_cast %get3A_976 : vector<1x16xf32> to vector<16xf32>
          %swap3A_978 = arith.index_cast %add3A_842 : i32 to index
          %swap3A_979 = arith.index_cast %mul3A_973 : i32 to index
          %swap3A_980 = tpu.vector_load %arg17[%swap3A_978, %swap3A_979] {strides = array<i32>} : memref<8x1024xf32, #tpu.memory_space<vmem>>, vector<1x16xf32>,
          %swap3A_981 = vector.shape_cast %swap3A_980 : vector<1x16xf32> to vector<16xf32>
          %swap3A_982 = vector.shape_cast %get3A_977 : vector<16xf32> to vector<1x16xf32>
          tpu.vector_store %arg17[%swap3A_978, %swap3A_979], %swap3A_982 {add = true, strides = array<i32>} : memref<8x1024xf32, #tpu.memory_space<vmem>>, vector<1x16xf32>,
        }
        %scan3A_847 = arith.constant 64 : i32
      }
      %scan3A_775 = arith.constant 8 : i32
      %add3A_776 = arith.constant 4 : i32
      %add3A_777 = arith.addi %add3A_759, %add3A_776 : i32
      %lt3A_778 = arith.constant 64 : i32
      %lt3A_779 = arith.cmpi slt, %add3A_777, %lt3A_778 : i32
      %convert_element_type3A_780 = arith.extui %lt3A_779 : i1 to i32
      %cond3A_781 = arith.constant 0 : i32
      %cond3A_782 = arith.cmpi ne, %convert_element_type3A_780, %cond3A_781 : i32
      scf.if %cond3A_782 {
        %add3A_838 = arith.constant 4 : i32
        %add3A_839 = arith.addi %add3A_759, %add3A_838 : i32
        %mul3A_840 = arith.constant 8 : i32
        %mul3A_841 = arith.muli %add3A_839, %mul3A_840 : i32
        %dma_start3A_842 = tpu.memref_slice %arg6[%mul3A_841] : memref<512xi32, #tpu.memory_space<vmem>> -> memref<8xi32, #tpu.memory_space<vmem>>
        %dma_start3A_843 = arith.constant 0 : i32
        %dma_start3A_844 = arith.constant 0 : i32
        %dma_start3A_845 = tpu.memref_slice %arg4[%dma_start3A_843, %dma_start3A_844] : memref<8192x1024xf32, #tpu.memory_space<hbm>> -> memref<8192x1024xf32, #tpu.memory_space<hbm>>
        tpu.enqueue_indirect_dma source(%dma_start3A_845 : memref<8192x1024xf32, #tpu.memory_space<hbm>>) target(%arg9 : memref<8x1024xf32, #tpu.memory_space<vmem>>) offsets(%dma_start3A_842 : memref<8xi32, #tpu.memory_space<vmem>>) semaphore(%arg21 : memref<!tpu.dma_semaphore, #tpu.memory_space<semaphore_mem>>)
      } else {
      }
      %mul3A_783 = arith.constant 8 : i32
      %mul3A_784 = arith.muli %add3A_759, %mul3A_783 : i32
      %add3A_785 = arith.addi %mul3A_2, %mul3A_784 : i32
      %dma_start3A_786 = arith.constant 0 : i32
      %dma_start3A_787 = tpu.memref_slice %arg5[%add3A_785, %dma_start3A_786] : memref<16384x1024xf32, #tpu.memory_space<hbm>> -> memref<8x1024xf32, #tpu.memory_space<hbm>>
      %dma_start3A_788 = arith.constant 0 : i32
      %dma_start3A_789 = tpu.memref_slice %arg5[%add3A_785, %dma_start3A_788] : memref<16384x1024xf32, #tpu.memory_space<hbm>> -> memref<8x1024xf32, #tpu.memory_space<hbm>>
      tpu.enqueue_dma source(%arg17 : memref<8x1024xf32, #tpu.memory_space<vmem>>) target(%dma_start3A_789 : memref<8x1024xf32, #tpu.memory_space<hbm>>) target_semaphore(%arg37 : memref<!tpu.dma_semaphore, #tpu.memory_space<semaphore_mem>>)
      %add3A_790 = arith.constant 4 : i32
      %add3A_791 = arith.addi %add3A_759, %add3A_790 : i32
      %lt3A_792 = arith.constant 64 : i32
      %lt3A_793 = arith.cmpi slt, %add3A_791, %lt3A_792 : i32
      %convert_element_type3A_794 = arith.extui %lt3A_793 : i1 to i32
      %cond3A_795 = arith.constant 0 : i32
      %cond3A_796 = arith.cmpi ne, %convert_element_type3A_794, %cond3A_795 : i32
      scf.if %cond3A_796 {
        %dma_wait3A_838 = arith.constant 0 : i32
        %dma_wait3A_839 = arith.constant 0 : i32
        %dma_wait3A_840 = tpu.memref_slice %arg5[%dma_wait3A_838, %dma_wait3A_839] : memref<16384x1024xf32, #tpu.memory_space<hbm>> -> memref<8x1024xf32, #tpu.memory_space<hbm>>
        %dma_wait3A_841 = arith.constant 0 : i32
        %dma_wait3A_842 = arith.constant 0 : i32
        %dma_wait3A_843 = tpu.memref_slice %arg5[%dma_wait3A_841, %dma_wait3A_842] : memref<16384x1024xf32, #tpu.memory_space<hbm>> -> memref<8x1024xf32, #tpu.memory_space<hbm>>
        tpu.wait_dma2 semaphore(%arg33 : memref<!tpu.dma_semaphore, #tpu.memory_space<semaphore_mem>>) src(%arg13 : memref<8x1024xf32, #tpu.memory_space<vmem>>) dst(%dma_wait3A_843 : memref<8x1024xf32, #tpu.memory_space<hbm>>)
        %add3A_844 = arith.constant 4 : i32
        %add3A_845 = arith.addi %add3A_759, %add3A_844 : i32
        %mul3A_846 = arith.constant 8 : i32
        %mul3A_847 = arith.muli %add3A_845, %mul3A_846 : i32
        %add3A_848 = arith.addi %mul3A_2, %mul3A_847 : i32
        %dma_start3A_849 = arith.constant 0 : i32
        %dma_start3A_850 = tpu.memref_slice %arg2[%add3A_848, %dma_start3A_849] : memref<16384x1024xf32, #tpu.memory_space<hbm>> -> memref<8x1024xf32, #tpu.memory_space<hbm>>
        %dma_start3A_851 = arith.constant 0 : i32
        %dma_start3A_852 = tpu.memref_slice %arg2[%add3A_848, %dma_start3A_851] : memref<16384x1024xf32, #tpu.memory_space<hbm>> -> memref<8x1024xf32, #tpu.memory_space<hbm>>
        tpu.enqueue_dma source(%dma_start3A_852 : memref<8x1024xf32, #tpu.memory_space<hbm>>) target(%arg13 : memref<8x1024xf32, #tpu.memory_space<vmem>>) target_semaphore(%arg25 : memref<!tpu.dma_semaphore, #tpu.memory_space<semaphore_mem>>)
      } else {
      }
      %mul3A_797 = arith.constant 8 : i32
      %mul3A_798 = arith.muli %add3A_512, %mul3A_797 : i32
      %add3A_799 = arith.constant 7 : i32
      %add3A_800 = arith.addi %mul3A_798, %add3A_799 : i32
      %dma_wait3A_801 = arith.constant 0 : i32
      %dma_wait3A_802 = tpu.memref_slice %arg6[%dma_wait3A_801] : memref<512xi32, #tpu.memory_space<vmem>> -> memref<8xi32, #tpu.memory_space<vmem>>
      %dma_wait3A_803 = arith.constant 0 : i32
      %dma_wait3A_804 = arith.constant 0 : i32
      %dma_wait3A_805 = tpu.memref_slice %arg4[%dma_wait3A_803, %dma_wait3A_804] : memref<8192x1024xf32, #tpu.memory_space<hbm>> -> memref<8192x1024xf32, #tpu.memory_space<hbm>>
      tpu.wait_indirect_dma semaphore(%arg22 : memref<!tpu.dma_semaphore, #tpu.memory_space<semaphore_mem>>) src(%dma_wait3A_805 : memref<8192x1024xf32, #tpu.memory_space<hbm>>) dst(%arg10 : memref<8x1024xf32, #tpu.memory_space<vmem>>)
      %dma_wait3A_806 = arith.constant 0 : i32
      %dma_wait3A_807 = arith.constant 0 : i32
      %dma_wait3A_808 = tpu.memref_slice %arg2[%dma_wait3A_806, %dma_wait3A_807] : memref<16384x1024xf32, #tpu.memory_space<hbm>> -> memref<8x1024xf32, #tpu.memory_space<hbm>>
      %dma_wait3A_809 = arith.constant 0 : i32
      %dma_wait3A_810 = arith.constant 0 : i32
      %dma_wait3A_811 = tpu.memref_slice %arg2[%dma_wait3A_809, %dma_wait3A_810] : memref<16384x1024xf32, #tpu.memory_space<hbm>> -> memref<8x1024xf32, #tpu.memory_space<hbm>>
      tpu.wait_dma2 semaphore(%arg30 : memref<!tpu.dma_semaphore, #tpu.memory_space<semaphore_mem>>) src(%dma_wait3A_811 : memref<8x1024xf32, #tpu.memory_space<hbm>>) dst(%arg18 : memref<8x1024xf32, #tpu.memory_space<vmem>>)
      %scan3A_812 = arith.constant 0 : i32
      %scan3A_813 = arith.constant 8 : i32
      %scan3A_814 = arith.addi %scan3A_812, %scan3A_813 : i32
      %scan3A_815 = arith.constant 1 : i32
      scf.for %scan3A_838 = %scan3A_812 to %scan3A_814 step %scan3A_815  : i32 {
        %mul3A_839 = arith.constant 1 : i32
        %mul3A_840 = arith.muli %scan3A_838, %mul3A_839 : i32
        %add3A_841 = arith.constant 0 : i32
        %add3A_842 = arith.addi %add3A_841, %mul3A_840 : i32
        %scan3A_843 = arith.constant 0 : i32
        %scan3A_844 = arith.constant 64 : i32
        %scan3A_845 = arith.addi %scan3A_843, %scan3A_844 : i32
        %scan3A_846 = arith.constant 8 : i32
        scf.for %scan3A_848 = %scan3A_843 to %scan3A_845 step %scan3A_846  : i32 {
          %mul3A_849 = arith.constant 1 : i32
          %mul3A_850 = arith.muli %scan3A_848, %mul3A_849 : i32
          %add3A_851 = arith.constant 0 : i32
          %add3A_852 = arith.addi %add3A_851, %mul3A_850 : i32
          %mul3A_853 = arith.constant 16 : i32
          %mul3A_854 = arith.muli %add3A_852, %mul3A_853 : i32
          %get3A_855 = arith.index_cast %add3A_842 : i32 to index
          %get3A_856 = arith.index_cast %mul3A_854 : i32 to index
          %get3A_857 = tpu.vector_load %arg10[%get3A_855, %get3A_856] {strides = array<i32>} : memref<8x1024xf32, #tpu.memory_space<vmem>>, vector<1x16xf32>,
          %get3A_858 = vector.shape_cast %get3A_857 : vector<1x16xf32> to vector<16xf32>
          %swap3A_859 = arith.index_cast %add3A_842 : i32 to index
          %swap3A_860 = arith.index_cast %mul3A_854 : i32 to index
          %swap3A_861 = tpu.vector_load %arg18[%swap3A_859, %swap3A_860] {strides = array<i32>} : memref<8x1024xf32, #tpu.memory_space<vmem>>, vector<1x16xf32>,
          %swap3A_862 = vector.shape_cast %swap3A_861 : vector<1x16xf32> to vector<16xf32>
          %swap3A_863 = vector.shape_cast %get3A_858 : vector<16xf32> to vector<1x16xf32>
          tpu.vector_store %arg18[%swap3A_859, %swap3A_860], %swap3A_863 {add = true, strides = array<i32>} : memref<8x1024xf32, #tpu.memory_space<vmem>>, vector<1x16xf32>,
          %scan3A_864 = arith.constant 1 : i32
          %scan3A_865 = arith.addi %scan3A_848, %scan3A_864 : i32
          %mul3A_866 = arith.constant 1 : i32
          %mul3A_867 = arith.muli %scan3A_865, %mul3A_866 : i32
          %add3A_868 = arith.constant 0 : i32
          %add3A_869 = arith.addi %add3A_868, %mul3A_867 : i32
          %mul3A_870 = arith.constant 16 : i32
          %mul3A_871 = arith.muli %add3A_869, %mul3A_870 : i32
          %get3A_872 = arith.index_cast %add3A_842 : i32 to index
          %get3A_873 = arith.index_cast %mul3A_871 : i32 to index
          %get3A_874 = tpu.vector_load %arg10[%get3A_872, %get3A_873] {strides = array<i32>} : memref<8x1024xf32, #tpu.memory_space<vmem>>, vector<1x16xf32>,
          %get3A_875 = vector.shape_cast %get3A_874 : vector<1x16xf32> to vector<16xf32>
          %swap3A_876 = arith.index_cast %add3A_842 : i32 to index
          %swap3A_877 = arith.index_cast %mul3A_871 : i32 to index
          %swap3A_878 = tpu.vector_load %arg18[%swap3A_876, %swap3A_877] {strides = array<i32>} : memref<8x1024xf32, #tpu.memory_space<vmem>>, vector<1x16xf32>,
          %swap3A_879 = vector.shape_cast %swap3A_878 : vector<1x16xf32> to vector<16xf32>
          %swap3A_880 = vector.shape_cast %get3A_875 : vector<16xf32> to vector<1x16xf32>
          tpu.vector_store %arg18[%swap3A_876, %swap3A_877], %swap3A_880 {add = true, strides = array<i32>} : memref<8x1024xf32, #tpu.memory_space<vmem>>, vector<1x16xf32>,
          %scan3A_881 = arith.constant 2 : i32
          %scan3A_882 = arith.addi %scan3A_848, %scan3A_881 : i32
          %mul3A_883 = arith.constant 1 : i32
          %mul3A_884 = arith.muli %scan3A_882, %mul3A_883 : i32
          %add3A_885 = arith.constant 0 : i32
          %add3A_886 = arith.addi %add3A_885, %mul3A_884 : i32
          %mul3A_887 = arith.constant 16 : i32
          %mul3A_888 = arith.muli %add3A_886, %mul3A_887 : i32
          %get3A_889 = arith.index_cast %add3A_842 : i32 to index
          %get3A_890 = arith.index_cast %mul3A_888 : i32 to index
          %get3A_891 = tpu.vector_load %arg10[%get3A_889, %get3A_890] {strides = array<i32>} : memref<8x1024xf32, #tpu.memory_space<vmem>>, vector<1x16xf32>,
          %get3A_892 = vector.shape_cast %get3A_891 : vector<1x16xf32> to vector<16xf32>
          %swap3A_893 = arith.index_cast %add3A_842 : i32 to index
          %swap3A_894 = arith.index_cast %mul3A_888 : i32 to index
          %swap3A_895 = tpu.vector_load %arg18[%swap3A_893, %swap3A_894] {strides = array<i32>} : memref<8x1024xf32, #tpu.memory_space<vmem>>, vector<1x16xf32>,
          %swap3A_896 = vector.shape_cast %swap3A_895 : vector<1x16xf32> to vector<16xf32>
          %swap3A_897 = vector.shape_cast %get3A_892 : vector<16xf32> to vector<1x16xf32>
          tpu.vector_store %arg18[%swap3A_893, %swap3A_894], %swap3A_897 {add = true, strides = array<i32>} : memref<8x1024xf32, #tpu.memory_space<vmem>>, vector<1x16xf32>,
          %scan3A_898 = arith.constant 3 : i32
          %scan3A_899 = arith.addi %scan3A_848, %scan3A_898 : i32
          %mul3A_900 = arith.constant 1 : i32
          %mul3A_901 = arith.muli %scan3A_899, %mul3A_900 : i32
          %add3A_902 = arith.constant 0 : i32
          %add3A_903 = arith.addi %add3A_902, %mul3A_901 : i32
          %mul3A_904 = arith.constant 16 : i32
          %mul3A_905 = arith.muli %add3A_903, %mul3A_904 : i32
          %get3A_906 = arith.index_cast %add3A_842 : i32 to index
          %get3A_907 = arith.index_cast %mul3A_905 : i32 to index
          %get3A_908 = tpu.vector_load %arg10[%get3A_906, %get3A_907] {strides = array<i32>} : memref<8x1024xf32, #tpu.memory_space<vmem>>, vector<1x16xf32>,
          %get3A_909 = vector.shape_cast %get3A_908 : vector<1x16xf32> to vector<16xf32>
          %swap3A_910 = arith.index_cast %add3A_842 : i32 to index
          %swap3A_911 = arith.index_cast %mul3A_905 : i32 to index
          %swap3A_912 = tpu.vector_load %arg18[%swap3A_910, %swap3A_911] {strides = array<i32>} : memref<8x1024xf32, #tpu.memory_space<vmem>>, vector<1x16xf32>,
          %swap3A_913 = vector.shape_cast %swap3A_912 : vector<1x16xf32> to vector<16xf32>
          %swap3A_914 = vector.shape_cast %get3A_909 : vector<16xf32> to vector<1x16xf32>
          tpu.vector_store %arg18[%swap3A_910, %swap3A_911], %swap3A_914 {add = true, strides = array<i32>} : memref<8x1024xf32, #tpu.memory_space<vmem>>, vector<1x16xf32>,
          %scan3A_915 = arith.constant 4 : i32
          %scan3A_916 = arith.addi %scan3A_848, %scan3A_915 : i32
          %mul3A_917 = arith.constant 1 : i32
          %mul3A_918 = arith.muli %scan3A_916, %mul3A_917 : i32
          %add3A_919 = arith.constant 0 : i32
          %add3A_920 = arith.addi %add3A_919, %mul3A_918 : i32
          %mul3A_921 = arith.constant 16 : i32
          %mul3A_922 = arith.muli %add3A_920, %mul3A_921 : i32
          %get3A_923 = arith.index_cast %add3A_842 : i32 to index
          %get3A_924 = arith.index_cast %mul3A_922 : i32 to index
          %get3A_925 = tpu.vector_load %arg10[%get3A_923, %get3A_924] {strides = array<i32>} : memref<8x1024xf32, #tpu.memory_space<vmem>>, vector<1x16xf32>,
          %get3A_926 = vector.shape_cast %get3A_925 : vector<1x16xf32> to vector<16xf32>
          %swap3A_927 = arith.index_cast %add3A_842 : i32 to index
          %swap3A_928 = arith.index_cast %mul3A_922 : i32 to index
          %swap3A_929 = tpu.vector_load %arg18[%swap3A_927, %swap3A_928] {strides = array<i32>} : memref<8x1024xf32, #tpu.memory_space<vmem>>, vector<1x16xf32>,
          %swap3A_930 = vector.shape_cast %swap3A_929 : vector<1x16xf32> to vector<16xf32>
          %swap3A_931 = vector.shape_cast %get3A_926 : vector<16xf32> to vector<1x16xf32>
          tpu.vector_store %arg18[%swap3A_927, %swap3A_928], %swap3A_931 {add = true, strides = array<i32>} : memref<8x1024xf32, #tpu.memory_space<vmem>>, vector<1x16xf32>,
          %scan3A_932 = arith.constant 5 : i32
          %scan3A_933 = arith.addi %scan3A_848, %scan3A_932 : i32
          %mul3A_934 = arith.constant 1 : i32
          %mul3A_935 = arith.muli %scan3A_933, %mul3A_934 : i32
          %add3A_936 = arith.constant 0 : i32
          %add3A_937 = arith.addi %add3A_936, %mul3A_935 : i32
          %mul3A_938 = arith.constant 16 : i32
          %mul3A_939 = arith.muli %add3A_937, %mul3A_938 : i32
          %get3A_940 = arith.index_cast %add3A_842 : i32 to index
          %get3A_941 = arith.index_cast %mul3A_939 : i32 to index
          %get3A_942 = tpu.vector_load %arg10[%get3A_940, %get3A_941] {strides = array<i32>} : memref<8x1024xf32, #tpu.memory_space<vmem>>, vector<1x16xf32>,
          %get3A_943 = vector.shape_cast %get3A_942 : vector<1x16xf32> to vector<16xf32>
          %swap3A_944 = arith.index_cast %add3A_842 : i32 to index
          %swap3A_945 = arith.index_cast %mul3A_939 : i32 to index
          %swap3A_946 = tpu.vector_load %arg18[%swap3A_944, %swap3A_945] {strides = array<i32>} : memref<8x1024xf32, #tpu.memory_space<vmem>>, vector<1x16xf32>,
          %swap3A_947 = vector.shape_cast %swap3A_946 : vector<1x16xf32> to vector<16xf32>
          %swap3A_948 = vector.shape_cast %get3A_943 : vector<16xf32> to vector<1x16xf32>
          tpu.vector_store %arg18[%swap3A_944, %swap3A_945], %swap3A_948 {add = true, strides = array<i32>} : memref<8x1024xf32, #tpu.memory_space<vmem>>, vector<1x16xf32>,
          %scan3A_949 = arith.constant 6 : i32
          %scan3A_950 = arith.addi %scan3A_848, %scan3A_949 : i32
          %mul3A_951 = arith.constant 1 : i32
          %mul3A_952 = arith.muli %scan3A_950, %mul3A_951 : i32
          %add3A_953 = arith.constant 0 : i32
          %add3A_954 = arith.addi %add3A_953, %mul3A_952 : i32
          %mul3A_955 = arith.constant 16 : i32
          %mul3A_956 = arith.muli %add3A_954, %mul3A_955 : i32
          %get3A_957 = arith.index_cast %add3A_842 : i32 to index
          %get3A_958 = arith.index_cast %mul3A_956 : i32 to index
          %get3A_959 = tpu.vector_load %arg10[%get3A_957, %get3A_958] {strides = array<i32>} : memref<8x1024xf32, #tpu.memory_space<vmem>>, vector<1x16xf32>,
          %get3A_960 = vector.shape_cast %get3A_959 : vector<1x16xf32> to vector<16xf32>
          %swap3A_961 = arith.index_cast %add3A_842 : i32 to index
          %swap3A_962 = arith.index_cast %mul3A_956 : i32 to index
          %swap3A_963 = tpu.vector_load %arg18[%swap3A_961, %swap3A_962] {strides = array<i32>} : memref<8x1024xf32, #tpu.memory_space<vmem>>, vector<1x16xf32>,
          %swap3A_964 = vector.shape_cast %swap3A_963 : vector<1x16xf32> to vector<16xf32>
          %swap3A_965 = vector.shape_cast %get3A_960 : vector<16xf32> to vector<1x16xf32>
          tpu.vector_store %arg18[%swap3A_961, %swap3A_962], %swap3A_965 {add = true, strides = array<i32>} : memref<8x1024xf32, #tpu.memory_space<vmem>>, vector<1x16xf32>,
          %scan3A_966 = arith.constant 7 : i32
          %scan3A_967 = arith.addi %scan3A_848, %scan3A_966 : i32
          %mul3A_968 = arith.constant 1 : i32
          %mul3A_969 = arith.muli %scan3A_967, %mul3A_968 : i32
          %add3A_970 = arith.constant 0 : i32
          %add3A_971 = arith.addi %add3A_970, %mul3A_969 : i32
          %mul3A_972 = arith.constant 16 : i32
          %mul3A_973 = arith.muli %add3A_971, %mul3A_972 : i32
          %get3A_974 = arith.index_cast %add3A_842 : i32 to index
          %get3A_975 = arith.index_cast %mul3A_973 : i32 to index
          %get3A_976 = tpu.vector_load %arg10[%get3A_974, %get3A_975] {strides = array<i32>} : memref<8x1024xf32, #tpu.memory_space<vmem>>, vector<1x16xf32>,
          %get3A_977 = vector.shape_cast %get3A_976 : vector<1x16xf32> to vector<16xf32>
          %swap3A_978 = arith.index_cast %add3A_842 : i32 to index
          %swap3A_979 = arith.index_cast %mul3A_973 : i32 to index
          %swap3A_980 = tpu.vector_load %arg18[%swap3A_978, %swap3A_979] {strides = array<i32>} : memref<8x1024xf32, #tpu.memory_space<vmem>>, vector<1x16xf32>,
          %swap3A_981 = vector.shape_cast %swap3A_980 : vector<1x16xf32> to vector<16xf32>
          %swap3A_982 = vector.shape_cast %get3A_977 : vector<16xf32> to vector<1x16xf32>
          tpu.vector_store %arg18[%swap3A_978, %swap3A_979], %swap3A_982 {add = true, strides = array<i32>} : memref<8x1024xf32, #tpu.memory_space<vmem>>, vector<1x16xf32>,
        }
        %scan3A_847 = arith.constant 64 : i32
      }
      %scan3A_816 = arith.constant 8 : i32
      %add3A_817 = arith.constant 4 : i32
      %add3A_818 = arith.addi %add3A_800, %add3A_817 : i32
      %lt3A_819 = arith.constant 64 : i32
      %lt3A_820 = arith.cmpi slt, %add3A_818, %lt3A_819 : i32
      %convert_element_type3A_821 = arith.extui %lt3A_820 : i1 to i32
      %cond3A_822 = arith.constant 0 : i32
      %cond3A_823 = arith.cmpi ne, %convert_element_type3A_821, %cond3A_822 : i32
      scf.if %cond3A_823 {
        %add3A_838 = arith.constant 4 : i32
        %add3A_839 = arith.addi %add3A_800, %add3A_838 : i32
        %mul3A_840 = arith.constant 8 : i32
        %mul3A_841 = arith.muli %add3A_839, %mul3A_840 : i32
        %dma_start3A_842 = tpu.memref_slice %arg6[%mul3A_841] : memref<512xi32, #tpu.memory_space<vmem>> -> memref<8xi32, #tpu.memory_space<vmem>>
        %dma_start3A_843 = arith.constant 0 : i32
        %dma_start3A_844 = arith.constant 0 : i32
        %dma_start3A_845 = tpu.memref_slice %arg4[%dma_start3A_843, %dma_start3A_844] : memref<8192x1024xf32, #tpu.memory_space<hbm>> -> memref<8192x1024xf32, #tpu.memory_space<hbm>>
        tpu.enqueue_indirect_dma source(%dma_start3A_845 : memref<8192x1024xf32, #tpu.memory_space<hbm>>) target(%arg10 : memref<8x1024xf32, #tpu.memory_space<vmem>>) offsets(%dma_start3A_842 : memref<8xi32, #tpu.memory_space<vmem>>) semaphore(%arg22 : memref<!tpu.dma_semaphore, #tpu.memory_space<semaphore_mem>>)
      } else {
      }
      %mul3A_824 = arith.constant 8 : i32
      %mul3A_825 = arith.muli %add3A_800, %mul3A_824 : i32
      %add3A_826 = arith.addi %mul3A_2, %mul3A_825 : i32
      %dma_start3A_827 = arith.constant 0 : i32
      %dma_start3A_828 = tpu.memref_slice %arg5[%add3A_826, %dma_start3A_827] : memref<16384x1024xf32, #tpu.memory_space<hbm>> -> memref<8x1024xf32, #tpu.memory_space<hbm>>
      %dma_start3A_829 = arith.constant 0 : i32
      %dma_start3A_830 = tpu.memref_slice %arg5[%add3A_826, %dma_start3A_829] : memref<16384x1024xf32, #tpu.memory_space<hbm>> -> memref<8x1024xf32, #tpu.memory_space<hbm>>
      tpu.enqueue_dma source(%arg18 : memref<8x1024xf32, #tpu.memory_space<vmem>>) target(%dma_start3A_830 : memref<8x1024xf32, #tpu.memory_space<hbm>>) target_semaphore(%arg38 : memref<!tpu.dma_semaphore, #tpu.memory_space<semaphore_mem>>)
      %add3A_831 = arith.constant 4 : i32
      %add3A_832 = arith.addi %add3A_800, %add3A_831 : i32
      %lt3A_833 = arith.constant 64 : i32
      %lt3A_834 = arith.cmpi slt, %add3A_832, %lt3A_833 : i32
      %convert_element_type3A_835 = arith.extui %lt3A_834 : i1 to i32
      %cond3A_836 = arith.constant 0 : i32
      %cond3A_837 = arith.cmpi ne, %convert_element_type3A_835, %cond3A_836 : i32
      scf.if %cond3A_837 {
        %dma_wait3A_838 = arith.constant 0 : i32
        %dma_wait3A_839 = arith.constant 0 : i32
        %dma_wait3A_840 = tpu.memref_slice %arg5[%dma_wait3A_838, %dma_wait3A_839] : memref<16384x1024xf32, #tpu.memory_space<hbm>> -> memref<8x1024xf32, #tpu.memory_space<hbm>>
        %dma_wait3A_841 = arith.constant 0 : i32
        %dma_wait3A_842 = arith.constant 0 : i32
        %dma_wait3A_843 = tpu.memref_slice %arg5[%dma_wait3A_841, %dma_wait3A_842] : memref<16384x1024xf32, #tpu.memory_space<hbm>> -> memref<8x1024xf32, #tpu.memory_space<hbm>>
        tpu.wait_dma2 semaphore(%arg34 : memref<!tpu.dma_semaphore, #tpu.memory_space<semaphore_mem>>) src(%arg14 : memref<8x1024xf32, #tpu.memory_space<vmem>>) dst(%dma_wait3A_843 : memref<8x1024xf32, #tpu.memory_space<hbm>>)
        %add3A_844 = arith.constant 4 : i32
        %add3A_845 = arith.addi %add3A_800, %add3A_844 : i32
        %mul3A_846 = arith.constant 8 : i32
        %mul3A_847 = arith.muli %add3A_845, %mul3A_846 : i32
        %add3A_848 = arith.addi %mul3A_2, %mul3A_847 : i32
        %dma_start3A_849 = arith.constant 0 : i32
        %dma_start3A_850 = tpu.memref_slice %arg2[%add3A_848, %dma_start3A_849] : memref<16384x1024xf32, #tpu.memory_space<hbm>> -> memref<8x1024xf32, #tpu.memory_space<hbm>>
        %dma_start3A_851 = arith.constant 0 : i32
        %dma_start3A_852 = tpu.memref_slice %arg2[%add3A_848, %dma_start3A_851] : memref<16384x1024xf32, #tpu.memory_space<hbm>> -> memref<8x1024xf32, #tpu.memory_space<hbm>>
        tpu.enqueue_dma source(%dma_start3A_852 : memref<8x1024xf32, #tpu.memory_space<hbm>>) target(%arg14 : memref<8x1024xf32, #tpu.memory_space<vmem>>) target_semaphore(%arg26 : memref<!tpu.dma_semaphore, #tpu.memory_space<semaphore_mem>>)
      } else {
      }
    }
    %scan3A_460 = arith.constant 8 : i32
    %dma_wait3A = arith.constant 0 : i32
    %dma_wait3A_461 = arith.constant 0 : i32
    %dma_wait3A_462 = tpu.memref_slice %arg5[%dma_wait3A, %dma_wait3A_461] : memref<16384x1024xf32, #tpu.memory_space<hbm>> -> memref<8x1024xf32, #tpu.memory_space<hbm>>
    %dma_wait3A_463 = arith.constant 0 : i32
    %dma_wait3A_464 = arith.constant 0 : i32
    %dma_wait3A_465 = tpu.memref_slice %arg5[%dma_wait3A_463, %dma_wait3A_464] : memref<16384x1024xf32, #tpu.memory_space<hbm>> -> memref<8x1024xf32, #tpu.memory_space<hbm>>
    tpu.wait_dma2 semaphore(%arg31 : memref<!tpu.dma_semaphore, #tpu.memory_space<semaphore_mem>>) src(%arg11 : memref<8x1024xf32, #tpu.memory_space<vmem>>) dst(%dma_wait3A_465 : memref<8x1024xf32, #tpu.memory_space<hbm>>)
    %dma_wait3A_466 = arith.constant 0 : i32
    %dma_wait3A_467 = arith.constant 0 : i32
    %dma_wait3A_468 = tpu.memref_slice %arg5[%dma_wait3A_466, %dma_wait3A_467] : memref<16384x1024xf32, #tpu.memory_space<hbm>> -> memref<8x1024xf32, #tpu.memory_space<hbm>>
    %dma_wait3A_469 = arith.constant 0 : i32
    %dma_wait3A_470 = arith.constant 0 : i32
    %dma_wait3A_471 = tpu.memref_slice %arg5[%dma_wait3A_469, %dma_wait3A_470] : memref<16384x1024xf32, #tpu.memory_space<hbm>> -> memref<8x1024xf32, #tpu.memory_space<hbm>>
    tpu.wait_dma2 semaphore(%arg32 : memref<!tpu.dma_semaphore, #tpu.memory_space<semaphore_mem>>) src(%arg12 : memref<8x1024xf32, #tpu.memory_space<vmem>>) dst(%dma_wait3A_471 : memref<8x1024xf32, #tpu.memory_space<hbm>>)
    %dma_wait3A_472 = arith.constant 0 : i32
    %dma_wait3A_473 = arith.constant 0 : i32
    %dma_wait3A_474 = tpu.memref_slice %arg5[%dma_wait3A_472, %dma_wait3A_473] : memref<16384x1024xf32, #tpu.memory_space<hbm>> -> memref<8x1024xf32, #tpu.memory_space<hbm>>
    %dma_wait3A_475 = arith.constant 0 : i32
    %dma_wait3A_476 = arith.constant 0 : i32
    %dma_wait3A_477 = tpu.memref_slice %arg5[%dma_wait3A_475, %dma_wait3A_476] : memref<16384x1024xf32, #tpu.memory_space<hbm>> -> memref<8x1024xf32, #tpu.memory_space<hbm>>
    tpu.wait_dma2 semaphore(%arg33 : memref<!tpu.dma_semaphore, #tpu.memory_space<semaphore_mem>>) src(%arg13 : memref<8x1024xf32, #tpu.memory_space<vmem>>) dst(%dma_wait3A_477 : memref<8x1024xf32, #tpu.memory_space<hbm>>)
    %dma_wait3A_478 = arith.constant 0 : i32
    %dma_wait3A_479 = arith.constant 0 : i32
    %dma_wait3A_480 = tpu.memref_slice %arg5[%dma_wait3A_478, %dma_wait3A_479] : memref<16384x1024xf32, #tpu.memory_space<hbm>> -> memref<8x1024xf32, #tpu.memory_space<hbm>>
    %dma_wait3A_481 = arith.constant 0 : i32
    %dma_wait3A_482 = arith.constant 0 : i32
    %dma_wait3A_483 = tpu.memref_slice %arg5[%dma_wait3A_481, %dma_wait3A_482] : memref<16384x1024xf32, #tpu.memory_space<hbm>> -> memref<8x1024xf32, #tpu.memory_space<hbm>>
    tpu.wait_dma2 semaphore(%arg34 : memref<!tpu.dma_semaphore, #tpu.memory_space<semaphore_mem>>) src(%arg14 : memref<8x1024xf32, #tpu.memory_space<vmem>>) dst(%dma_wait3A_483 : memref<8x1024xf32, #tpu.memory_space<hbm>>)
    %dma_wait3A_484 = arith.constant 0 : i32
    %dma_wait3A_485 = arith.constant 0 : i32
    %dma_wait3A_486 = tpu.memref_slice %arg5[%dma_wait3A_484, %dma_wait3A_485] : memref<16384x1024xf32, #tpu.memory_space<hbm>> -> memref<8x1024xf32, #tpu.memory_space<hbm>>
    %dma_wait3A_487 = arith.constant 0 : i32
    %dma_wait3A_488 = arith.constant 0 : i32
    %dma_wait3A_489 = tpu.memref_slice %arg5[%dma_wait3A_487, %dma_wait3A_488] : memref<16384x1024xf32, #tpu.memory_space<hbm>> -> memref<8x1024xf32, #tpu.memory_space<hbm>>
    tpu.wait_dma2 semaphore(%arg35 : memref<!tpu.dma_semaphore, #tpu.memory_space<semaphore_mem>>) src(%arg15 : memref<8x1024xf32, #tpu.memory_space<vmem>>) dst(%dma_wait3A_489 : memref<8x1024xf32, #tpu.memory_space<hbm>>)
    %dma_wait3A_490 = arith.constant 0 : i32
    %dma_wait3A_491 = arith.constant 0 : i32
    %dma_wait3A_492 = tpu.memref_slice %arg5[%dma_wait3A_490, %dma_wait3A_491] : memref<16384x1024xf32, #tpu.memory_space<hbm>> -> memref<8x1024xf32, #tpu.memory_space<hbm>>
    %dma_wait3A_493 = arith.constant 0 : i32
    %dma_wait3A_494 = arith.constant 0 : i32
    %dma_wait3A_495 = tpu.memref_slice %arg5[%dma_wait3A_493, %dma_wait3A_494] : memref<16384x1024xf32, #tpu.memory_space<hbm>> -> memref<8x1024xf32, #tpu.memory_space<hbm>>
    tpu.wait_dma2 semaphore(%arg36 : memref<!tpu.dma_semaphore, #tpu.memory_space<semaphore_mem>>) src(%arg16 : memref<8x1024xf32, #tpu.memory_space<vmem>>) dst(%dma_wait3A_495 : memref<8x1024xf32, #tpu.memory_space<hbm>>)
    %dma_wait3A_496 = arith.constant 0 : i32
    %dma_wait3A_497 = arith.constant 0 : i32
    %dma_wait3A_498 = tpu.memref_slice %arg5[%dma_wait3A_496, %dma_wait3A_497] : memref<16384x1024xf32, #tpu.memory_space<hbm>> -> memref<8x1024xf32, #tpu.memory_space<hbm>>
    %dma_wait3A_499 = arith.constant 0 : i32
    %dma_wait3A_500 = arith.constant 0 : i32
    %dma_wait3A_501 = tpu.memref_slice %arg5[%dma_wait3A_499, %dma_wait3A_500] : memref<16384x1024xf32, #tpu.memory_space<hbm>> -> memref<8x1024xf32, #tpu.memory_space<hbm>>
    tpu.wait_dma2 semaphore(%arg37 : memref<!tpu.dma_semaphore, #tpu.memory_space<semaphore_mem>>) src(%arg17 : memref<8x1024xf32, #tpu.memory_space<vmem>>) dst(%dma_wait3A_501 : memref<8x1024xf32, #tpu.memory_space<hbm>>)
    %dma_wait3A_502 = arith.constant 0 : i32
    %dma_wait3A_503 = arith.constant 0 : i32
    %dma_wait3A_504 = tpu.memref_slice %arg5[%dma_wait3A_502, %dma_wait3A_503] : memref<16384x1024xf32, #tpu.memory_space<hbm>> -> memref<8x1024xf32, #tpu.memory_space<hbm>>
    %dma_wait3A_505 = arith.constant 0 : i32
    %dma_wait3A_506 = arith.constant 0 : i32
    %dma_wait3A_507 = tpu.memref_slice %arg5[%dma_wait3A_505, %dma_wait3A_506] : memref<16384x1024xf32, #tpu.memory_space<hbm>> -> memref<8x1024xf32, #tpu.memory_space<hbm>>
    tpu.wait_dma2 semaphore(%arg38 : memref<!tpu.dma_semaphore, #tpu.memory_space<semaphore_mem>>) src(%arg18 : memref<8x1024xf32, #tpu.memory_space<vmem>>) dst(%dma_wait3A_507 : memref<8x1024xf32, #tpu.memory_space<hbm>>)
    return
  }
}

</mosaic_0001>

<sc_bundles>
// kernel: kernel.3.cloned.1.call-start
scs
__scs_entry_jumppad:
0x0: {  	(pc) =	sbr.rel $0x88, $3  }
0x1: {  	(tag) =	ssettag $0x0;
	lr =	simm.s32 $0x1  }
0x2: {  	[smem:$0x3F9E] =	sst lr;
	_ =	strace $0xD0000000  }
0x3: {  	_ = 	snop  }
0x4: {  	_ = 	snop  }
0x5: {  	_ = 	snop  }
0x6: {  	_ = 	snop  }
0x7: {  	_ = 	snop  }
__scs_overlays_trampoline_lowered:
0x8: {  	[smem:$0x3FAD] =	sst s0  }
0x9: {  	[smem:$0x3FAE] =	sst s1  }
0xa: {  	[smem:$0x3FAF] =	sst s2  }
0xb: {  	[smem:$0x3FB0] =	sst s3  }
0xc: {  	[smem:$0x3FB1] =	sst s4  }
0xd: {  	[smem:$0x3FB2] =	sst s5  }
0xe: {  	[smem:$0x3FB3] =	sst s6  }
0xf: {  	[smem:$0x3FB4] =	sst s7  }
0x10: {  	[smem:$0x3FB5] =	sst s8  }
0x11: {  	[smem:$0x3FB6] =	sst s9;
	s0 =	simm.s32 @!p0 $0x0  }
0x12: {  	s1 =	sld [smem:$0x3F9C];
	s0 =	simm.s32 @p0 $0x1  }
0x13: {  	[smem:$0x3FB7] =	sst s0;
	s0 =	simm.s32 @!p1 $0x0  }
0x14: {  	s2 =	sld [smem:$0x3F9B];
	s0 =	simm.s32 @p1 $0x1  }
0x15: {  	[smem:$0x3FB8] =	sst s0;
	s0 =	simm.s32 @!p2 $0x0  }
0x16: {  	s3 =	sld [smem:$0x3FDB];
	s0 =	simm.s32 @p2 $0x1  }
0x17: {  	s4 =	simm.s32 $0x1BF5;
	[smem:$0x3FBA] =	sst s0  }
0x18: {  	s0 =	sld [smem:$0x3F9D];
	_ =	swait.ge [sflag:s4], $0x0  }
0x19: {  	s7 =	sld [smem:$0x3F9E]  }
0x1a: {  	s8 =	sadd.s32 $0xFFFFE003, lr  }
0x1b: {  	s9 =	sadd.s32 $0xFFFFFEF7, lr;
	s5 =	simm.s32 $0xFFFFFFFF;
	p2 =	slt.u32 s8, $0xFFFFF086  }
0x1c: {  	p1 =	slt.u32 s9, $0xF7A;
	s5 =	simm.s32 @!p2 $0x0  }
0x1d: {  	s5 =	simm.s32 @p1 $0x1;
	p0 =	seq.s32 s7, s2  }
0x1e: {  	s7 =	smul.u32 @!p0 $0xF7A, s2;
	p2 =	seq.s32 @!p0 s5, $0x0  }
0x1f: {  	s9 =	smul.u32 $0xF7A, s1;
	s8 =	simm.s32 @!p0 $0x1BF5;
	p2 =	por !p2, p0  }
0x20: {  	[sflag:s8] =	ssyncset.s32 @!p0 $0xFFFFF086;
	s6 =	sadd.s32 @!p0 s3, s7;
	s7 =	simm.s32 @!p0 $0x108  }
0x21: {  	s3 =	sadd.s32 s3, s9;
	s6 =	sadd.s32 @!p0 $0x88, s6;
	s7 =	simm.s32 @p2 $0x1082  }
0x22: {  	[simem:s7], [sflag:s8] =	dma.local @!p0 [hbm:s6], $0xF7A  }
0x23: {  	s9 =	sor.u32 $0xD0000000, s2;
	s6 =	simm.s32 $0x108;
	_ =	swait.ge @!p0 [sflag:s8], $0x0  }
0x24: {  	s3 =	sadd.s32 $0x88, s3;
	s6 =	simm.s32 @!p1 $0x1082;
	[sflag:s4] =	ssyncset.s32 $0xFFFFF086  }
0x25: {  	[simem:s6], [sflag:s4] =	dma.local [hbm:s3], $0xF7A  }
0x26: {  	[smem:$0x3F9E] =	sst s1;
	(tag) =	ssettag s2;
	_ =	strace s9  }
0x27: {  	s1 =	sld [smem:$0x3FAE]  }
0x28: {  	s2 =	sld [smem:$0x3FAF]  }
0x29: {  	s4 =	sld [smem:$0x3FB1]  }
0x2a: {  	p0 =	seq.s32 s5, $0x0;
	s5 =	sld [smem:$0x3FB2]  }
0x2b: {  	s6 =	sld [smem:$0x3FB3]  }
0x2c: {  	s7 =	sld [smem:$0x3FB4]  }
0x2d: {  	s3 =	simm.s32 $0x108;
	s8 =	sld [smem:$0x3FB5]  }
0x2e: {  	s3 =	simm.s32 @!p0 $0x1082;
	s9 =	sld [smem:$0x3FB6]  }
0x2f: {  	lr =	sadd.s32 s0, s3;
	s0 =	sld [smem:$0x3FAD]  }
0x30: {  	s3 =	sld [smem:$0x3FB0]  }
0x31: {  	[smem:$0x3FB9] =	sst s10  }
0x32: {  	s10 =	sld [smem:$0x3FB7];
	_ =	sdelay $0x3  }
0x33: {  	p0 =	seq.s32 s10, $0x1;
	s10 =	sld [smem:$0x3FB9];
	_ =	sdelay $0x3  }
0x34: {  	[smem:$0x3FB9] =	sst s10  }
0x35: {  	s10 =	sld [smem:$0x3FB8];
	_ =	sdelay $0x3  }
0x36: {  	p1 =	seq.s32 s10, $0x1;
	s10 =	sld [smem:$0x3FB9];
	_ =	sdelay $0x3  }
0x37: {  	[smem:$0x3FB9] =	sst s10  }
0x38: {  	s10 =	sld [smem:$0x3FBA]  }
0x39: {  	_ = 	snop;
	(pc) =	sbr.ind lr, $3  }
0x3a: {  	_ = 	snop  }
0x3b: {  	_ = 	snop  }
0x3c: {  	p2 =	seq.s32 s10, $0x1;
	s10 =	sld [smem:$0x3FB9]  }
0x3d: {  	_ =	shalt  }
0x3e: {  	_ =	shalt  }
0x3f: {  	_ =	shalt  }
0x40: {  	_ =	shalt  }
0x41: {  	_ =	shalt  }
0x42: {  	_ =	shalt  }
0x43: {  	_ =	shalt  }
0x44: {  	_ =	shalt  }
0x45: {  	_ =	shalt  }
0x46: {  	_ =	shalt  }
0x47: {  	_ =	shalt  }
0x48: {  	_ =	shalt  }
0x49: {  	_ =	shalt  }
0x4a: {  	_ =	shalt  }
0x4b: {  	_ =	shalt  }
0x4c: {  	_ =	shalt  }
0x4d: {  	_ =	shalt  }
0x4e: {  	_ =	shalt  }
0x4f: {  	_ =	shalt  }
0x50: {  	_ =	shalt  }
0x51: {  	_ =	shalt  }
0x52: {  	_ =	shalt  }
0x53: {  	_ =	shalt  }
0x54: {  	_ =	shalt  }
0x55: {  	_ =	shalt  }
0x56: {  	_ =	shalt  }
0x57: {  	_ =	shalt  }
0x58: {  	_ =	shalt  }
0x59: {  	_ =	shalt  }
0x5a: {  	_ =	shalt  }
0x5b: {  	_ =	shalt  }
0x5c: {  	_ =	shalt  }
0x5d: {  	_ =	shalt  }
0x5e: {  	_ =	shalt  }
0x5f: {  	_ =	shalt  }
0x60: {  	_ =	shalt  }
0x61: {  	_ =	shalt  }
0x62: {  	_ =	shalt  }
0x63: {  	_ =	shalt  }
0x64: {  	_ =	shalt  }
0x65: {  	_ =	shalt  }
0x66: {  	_ =	shalt  }
0x67: {  	_ =	shalt  }
0x68: {  	_ =	shalt  }
0x69: {  	_ =	shalt  }
0x6a: {  	_ =	shalt  }
0x6b: {  	_ =	shalt  }
0x6c: {  	_ =	shalt  }
0x6d: {  	_ =	shalt  }
0x6e: {  	_ =	shalt  }
0x6f: {  	_ =	shalt  }
0x70: {  	_ =	shalt  }
0x71: {  	_ =	shalt  }
0x72: {  	_ =	shalt  }
0x73: {  	_ =	shalt  }
0x74: {  	_ =	shalt  }
0x75: {  	_ =	shalt  }
0x76: {  	_ =	shalt  }
0x77: {  	_ =	shalt  }
0x78: {  	_ =	shalt  }
0x79: {  	_ =	shalt  }
0x7a: {  	_ =	shalt  }
0x7b: {  	_ =	shalt  }
0x7c: {  	_ =	shalt  }
0x7d: {  	_ =	shalt  }
0x7e: {  	_ =	shalt  }
0x7f: {  	_ =	shalt  }
0x80: {  	_ =	shalt  }
0x81: {  	_ =	shalt  }
0x82: {  	_ =	shalt  }
0x83: {  	_ =	shalt  }
0x84: {  	_ =	shalt  }
0x85: {  	_ =	shalt  }
0x86: {  	_ =	shalt  }
0x87: {  	_ =	shalt  }
.Lfunc_end0:
.L_simem_size_0:
called_computation_lowered:
.L_overlay_start_0:
0x88: {  	s2 =	sld [smem:$0x3FD9]  }
0x89: {  	s3 =	sld [smem:$0x3FFE];
	_ =	sdelay $0x1  }
0x8a: {  	s1 =	srdreg.scid  }
0x8b: {  	s0 =	sand.u32 $0x1, s1  }
0x8c: {  	s17 =	sshll.u32 s0, $0xA;
	s2 =	sadd.s32 s3, s2  }
0x8d: {  	s2 =	sadd.s32 s2, s17  }
0x8e: {  	[smem:$0x3FC5] =	sst s2  }
0x8f: {  	_ = 	snop  }
0x90: {  	s2 =	sld [smem:$0x3FC9]  }
0x91: {  	s18 =	sld [smem:$0x3FC7]  }
0x92: {  	s4 =	sld [smem:$0x3FD0];
	(tm) =	ssettm $0x1  }
0x93: {  	s5 =	sld [smem:$0x3FFB];
	_ =	sdelay $0x3  }
0x94: {  	_ =	strace s5  }
0x95: {  	s5 =	sld [smem:$0x3FFC];
	_ =	sdelay $0x3  }
0x96: {  	_ =	strace s5  }
0x97: {  	s5 =	sld [smem:$0x3FFD];
	_ =	sdelay $0x3  }
0x98: {  	_ =	strace s5  }
0x99: {  	_ =	strace $0x8FFFFFFF  }
0x9a: {  	s19 =	sld [smem:$0x3FDB];
	_ =	sdelay $0x1  }
0x9b: {  	s6 =	simm.s32 $_scs_section_size  }
0x9c: {  	s7 =	simm.s32 $_size__tile_overlayer_lowered;
	s8 =	simm.s32 $_tile_overlayer_lowered  }
0x9d: {  	s22 =	simm.s32 $0x1BFF;
	s21 =	sshll.u32 s8, $0x1;
	s5 =	sadd.s32 s6, s19  }
0x9e: {  	s9 =	simm.s32 $0x0;
	s20 =	sshll.u32 s7, $0x1;
	s7 =	sadd.s32 s21, s5  }
0x9f: {  	[timem:s9], [sflag:s22] =	dma.local [hbm:s7], s20  }
0xa0: {  	_ =	swait.ge [sflag:s22], s20  }
0xa1: {  	s6 =	ssub.s32 $0x0, s20;
	[sflag:s22] =	ssyncset.done $0x0  }
0xa2: {  	[sflag:s22] =	ssyncadd.s32 s6;
	_ =	sdelay $0x1  }
0xa3: {  	s23 =	simm.s32 $0x1B8B  }
0xa4: {  	_ =	swait.ge [sflag:s23], $0x1  }
0xa5: {  	[sflag:s23] =	ssyncset.done $0x0  }
0xa6: {  	s25 =	simm.s32 $0x1B8E;
	s24 =	sld [smem:$0x3FFE];
	[sflag:s23] =	ssyncadd.s32 $0xFFFFFFFF  }
0xa7: {  	s26 =	simm.s32 $execute0_lowered;
	[smem:$0x3FD2] =	sst s25  }
0xa8: {  	s7 =	sshll.u32 s26, $0x1;
	_ =	strace $0x80000046;
	[dreg:$0x1] =	wrdreg $0xFFFFFFFF  }
0xa9: {  	s28 =	simm.s32 $_size_execute0_lowered;
	s5 =	sadd.s32 s5, s7;
	[dreg:$0x0] =	wrdreg $0x0  }
0xaa: {  	s7 =	sshll.u32 s28, $0x1;
	[dreg:$0x2] =	wrdreg s5  }
0xab: {  	[dreg:$0x3] =	wrdreg s7  }
0xac: {  	[dreg:$0x4] =	wrdreg $0xC0  }
0xad: {  	_ =	task [dreg:s9], $0x5FFFF  }
0xae: {  	[dreg:$0x1] =	wrdreg $0xFFFFFFFF  }
0xaf: {  	[dreg:$0x0] =	wrdreg $0x60  }
0xb0: {  	[dreg:$0x2] =	wrdreg s2  }
0xb1: {  	[dreg:$0x3] =	wrdreg s24  }
0xb2: {  	[dreg:$0x4] =	wrdreg s18  }
0xb3: {  	[dreg:$0x5] =	wrdreg s4  }
0xb4: {  	[dreg:$0x6] =	wrdreg $0x9  }
0xb5: {  	_ =	task.clear_ibuf [dreg:s9], $0x7FFFF;
	_ =	strace $0x90000046  }
0xb6: {  	s29 =	simm.s32 $0x9;
	_ =	strace $0x80000048  }
0xb7: {  	_ =	swait.ge [sflag:s29], $0x1  }
0xb8: {  	[sflag:s29] =	ssyncadd.s32 $0xFFFFFFFF  }
0xb9: {  	_ =	strace $0x90000048  }
0xba: {  	_ =	sfence  }
0xbb: {  	s30 =	sld [smem:$0x0];
	_ =	sdelay $0x2  }
0xbc: {  	s31 =	sshll.u32 s1, $0xD;
	s1 =	sshrl.u32 s1, $0x2  }
0xbd: {  	s3 =	sand.u32 $0x4000, s31;
	s1 =	sadd.s32 s1, s30  }
0xbe: {  	s0 =	sor.u32 s3, s0;
	s1 =	sshll.u32 s1, $0x11  }
0xbf: {  	s0 =	sor.u32 s1, s0  }
0xc0: {  	s0 =	sadd.s32 $0x8F2B, s0  }
0xc1: {  	[sflag:s0] =	ssyncadd.remote.s32 $0x1  }
0xc2: {  	_ =	sfence.sel $0xFFFF  }
0xc3: {  	[dreg:$0x0] =	wrdreg $0xFFFFFFFF;
	(pc) =	sbr.abs _section_cstart, $3  }
0xc4: {  	[dreg:$0x1] =	wrdreg $0xFFFFFFFF  }
0xc5: {  	_ =	task.clear_ibuf [dreg:s9], $0x2FFFF;
	_ =	strace $0x9FFFFFFF  }
0xc6: {  	(tm) =	ssettm $0x7FFFFFFF  }
0xc7: {  	_ =	shalt  }
tec
execute0_lowered:
.L_overlay_start_1:
0x0: {  	(tag) =	ssettag $0x1  }
0x1: {  	s0 =	rddreg [dreg:$0x0]  }
0x2: {  	s1 =	rddreg [dreg:$0x1]  }
0x3: {  	s3 =	rddreg [dreg:$0x2];
	s2 =	srdreg.scid  }
0x4: {  	s4 =	rddreg [dreg:$0x3];
	s5 =	stileid.u32  }
0x5: {  	s18 =	simm.s32 $0x1;
	s20 =	simm.s32 $0x2;
	s28 =	simm.s32 $0x9  }
0x6: {  	s29 =	simm.s32 $0xA;
	s30 =	simm.s32 $0xB;
	s31 =	simm.s32 $0xC  }
0x7: {  	s2 =	sand.u32 $0x1, s2;
	s6 =	sshll.u32 s5, $0xA;
	s5 =	simm.s32 $0x0  }
0x8: {  	s9 =	sadd.s32 $0x100, s3;
	s7 =	sshll.u32 s2, $0x9;
	s2 =	ssub.s32 $0x2, s2  }
0x9: {  	[smem:$0x7FF] =	sst s5;
	s8 =	sor.u32 s7, s6;
	s21 =	sshrl.u32 s2, $0x1  }
0xa: {  	_ =	strace $0x80000047;
	s7 =	sshrl.u32 s8, $0x3;
	s22 =	sshll.u32 s8, $0x7  }
0xb: {  	s2 =	ssub.s32 s2, s21;
	[dreg:$0x5] =	wrdreg s8;
	s23 =	sadd.s32 s0, s22  }
0xc: {  	s1 =	sadd.s32 s7, s1;
	s26 =	smax.u32 s2, $0x1;
	[dreg:$0x7] =	wrdreg s23  }
0xd: {  	s10 =	sadd.s32 $0x200, s3;
	s1 =	sadd.s32 $0x400, s1;
	[dreg:$0xc] =	wrdreg s26  }
0xe: {  	s11 =	sadd.s32 $0x300, s3;
	s24 =	sadd.s32 $0x400, s23;
	[dreg:$0x6] =	wrdreg s1  }
.Ltmp0:
0xf: {  	s25 =	sadd.s32 $0x800, s23;
	[dreg:$0x8] =	wrdreg s24;
	(pc) =	sbr.rel .LBB2_1-.Ltmp0, $4  }
0x10: {  	s21 =	simm.s32 $0x6;
	s6 =	sadd.s32 $0xC00, s23;
	[dreg:$0x9] =	wrdreg s25  }
0x11: {  	v0 =	vlaneseq.u32;
	s8 =	simm.s32 $0x0;
	s23 =	simm.s32 $0x7;
	[dreg:$0xa] =	wrdreg s6  }
0x12: {  	v1 =	vshrl.u32 v0, $0x3;
	s1 =	sadd.s32 s4, s22;
	s22 =	simm.s32 $0x3;
	s24 =	simm.s32 $0x4  }
0x13: {  	vm0 =	vmmov $0xffff;
	v0 =	vand.u32 $0x7, v0;
	v1 =	vmul.u32 $0x8, v1;
	s25 =	simm.s32 $0x8;
	[dreg:$0xb] =	wrdreg s1;
	s1 =	simm.s32 $0x10  }
.LBB2_36:
0x14: {  	s2 =	simm.s32 $0x16200;
	s12 =	simm.s32 $0xD  }
0x15: {  	[hbm4b:s6+s5] =	stream.linear.scatter [tilespmem:s2], [sflag:$0x14], $0x2000, $0x38;
	[tilespmem:$0x18200] =	vst v63  }
0x16: {  	_ =	swait.ge [sflag:s12], $0x2000  }
0x17: {  	[sflag:s12] =	ssyncset.done $0x0  }
0x18: {  	s13 =	simm.s32 $0xE;
	[sflag:s12] =	ssyncadd.s32 $0xFFFFE000  }
0x19: {  	_ =	swait.ge [sflag:s13], $0x2000  }
0x1a: {  	[sflag:s13] =	ssyncset.done $0x0  }
0x1b: {  	s14 =	simm.s32 $0xF;
	[sflag:s13] =	ssyncadd.s32 $0xFFFFE000  }
0x1c: {  	_ =	swait.ge [sflag:s14], $0x2000  }
0x1d: {  	[sflag:s14] =	ssyncset.done $0x0  }
0x1e: {  	[sflag:s14] =	ssyncadd.s32 $0xFFFFE000  }
0x1f: {  	_ =	swait.ge [sflag:s1], $0x2000  }
0x20: {  	[sflag:s1] =	ssyncset.done $0x0  }
0x21: {  	s15 =	simm.s32 $0x11;
	[sflag:s1] =	ssyncadd.s32 $0xFFFFE000  }
0x22: {  	_ =	swait.ge [sflag:s15], $0x2000  }
0x23: {  	[sflag:s15] =	ssyncset.done $0x0  }
0x24: {  	s16 =	simm.s32 $0x12;
	[sflag:s15] =	ssyncadd.s32 $0xFFFFE000  }
0x25: {  	_ =	swait.ge [sflag:s16], $0x2000  }
0x26: {  	[sflag:s16] =	ssyncset.done $0x0  }
0x27: {  	s17 =	simm.s32 $0x13;
	[sflag:s16] =	ssyncadd.s32 $0xFFFFE000  }
0x28: {  	_ =	swait.ge [sflag:s17], $0x2000  }
0x29: {  	[sflag:s17] =	ssyncset.done $0x0  }
0x2a: {  	s19 =	simm.s32 $0x14;
	[sflag:s17] =	ssyncadd.s32 $0xFFFFE000  }
0x2b: {  	_ =	swait.ge [sflag:s19], $0x2000  }
0x2c: {  	s8 =	rddreg [dreg:$0xd]  }
0x2d: {  	s26 =	rddreg [dreg:$0xc];
	s8 =	sadd.s32 $0x1, s8  }
0x2e: {  	p0 =	sne.s32 s8, s26  }
.Ltmp1:
0x2f: {  	_ = 	snop;
	(pc) =	sbr.rel @!p0 .LBB2_37-.Ltmp1, $3  }
0x30: {  	_ =	sdelay $0x1  }
0x31: {  	[sflag:s19] =	ssyncset.done $0x0  }
0x32: {  	[sflag:s19] =	ssyncadd.s32 $0xFFFFE000  }
.LBB2_1:
0x33: {  	[dreg:$0xd] =	wrdreg s8  }
0x34: {  	s2 =	rddreg [dreg:$0x6];
	s16 =	simm.s32 $0x15  }
0x35: {  	[tilespmem:s5], [sflag:$0x15] =	stream.linear.gather [hbm4b:s2+s5], $0x200, $0x38;
	[tilespmem:$0x18200] =	vst v63  }
0x36: {  	_ =	swait.ge [sflag:s16], $0x200  }
0x37: {  	[sflag:s16] =	ssyncset.done $0x0  }
0x38: {  	[sflag:s16] =	ssyncadd.s32 $0xFFFFFE00  }
0x39: {  	v2 =	vld [tilespmem:$0x0]  }
0x3a: {  	v3 =	vld [tilespmem:$0x10]  }
0x3b: {  	v4 =	vld [tilespmem:$0x20]  }
0x3c: {  	v5 =	vld [tilespmem:$0x30]  }
0x3d: {  	v6 =	vld [tilespmem:$0x40]  }
0x3e: {  	v7 =	vld [tilespmem:$0x50];
	vm1 =	vgt.s32 v2, $0x0  }
0x3f: {  	v8 =	vld [tilespmem:$0x60];
	v2 =	vnsel vm1, $0x0, v2;
	vm1 =	vgt.s32 v3, $0x0  }
0x40: {  	v9 =	vld [tilespmem:$0x70];
	v2 =	vmin.u32 v2, $0x1FFF;
	v3 =	vnsel vm1, $0x0, v3;
	vm1 =	vgt.s32 v4, $0x0  }
0x41: {  	v10 =	vld [tilespmem:$0x80];
	v3 =	vmin.u32 v3, $0x1FFF;
	v4 =	vnsel vm1, $0x0, v4;
	vm1 =	vgt.s32 v5, $0x0  }
0x42: {  	v11 =	vld [tilespmem:$0x90];
	[tilespmem:$0x0] =	vst v2;
	v4 =	vmin.u32 v4, $0x1FFF;
	v5 =	vnsel vm1, $0x0, v5;
	vm1 =	vgt.s32 v6, $0x0  }
0x43: {  	v44 =	vld.msk [tilespmem:$0x0], $0xff;
	v2 =	vmin.u32 v5, $0x1FFF;
	v58 =	vnsel vm1, $0x0, v6;
	vm1 =	vgt.s32 v7, $0x0  }
0x44: {  	v59 =	vld [tilespmem:$0xA0];
	[tilespmem:$0x10] =	vst v3;
	v3 =	vmin.u32 v58, $0x1FFF;
	v60 =	vnsel vm1, $0x0, v7;
	vm1 =	vgt.s32 v8, $0x0  }
0x45: {  	v61 =	vld [tilespmem:$0xB0];
	[tilespmem:$0x20] =	vst v4;
	v62 =	vmin.u32 v60, $0x1FFF;
	v63 =	vnsel vm1, $0x0, v8;
	vm1 =	vgt.s32 v9, $0x0  }
0x46: {  	v12 =	vld [tilespmem:$0xC0];
	[tilespmem:$0x30] =	vst v2;
	v2 =	vmin.u32 v63, $0x1FFF;
	v13 =	vnsel vm1, $0x0, v9;
	vm1 =	vgt.s32 v10, $0x0  }
0x47: {  	[tilespmem:$0x40] =	vst v3;
	v3 =	vmin.u32 v13, $0x1FFF;
	v15 =	vnsel vm1, $0x0, v10;
	vm1 =	vgt.s32 v11, $0x0  }
0x48: {  	v14 =	vld [tilespmem:$0xD0];
	[tilespmem:$0x50] =	vst v62;
	v56 =	vshll.u32 v44, $0x3;
	v10 =	vand.u32 $0x7, v44;
	v17 =	vmin.u32 v15, $0x1FFF  }
0x49: {  	v16 =	vld [tilespmem:$0xE0];
	[tilespmem:$0x60] =	vst v2;
	v18 =	vnsel vm1, $0x0, v11;
	vm1 =	vgt.s32 v59, $0x0;
	v9 =	vand.u32 $0xFFFFFFC0, v56  }
0x4a: {  	v19 =	vld [tilespmem:$0xF0];
	[tilespmem:$0x70] =	vst v3;
	v2 =	vmin.u32 v18, $0x1FFF;
	v20 =	vnsel vm1, $0x0, v59;
	vm1 =	vgt.s32 v61, $0x0  }
0x4b: {  	v21 =	vld [tilespmem:$0x100];
	[tilespmem:$0x80] =	vst v17;
	v9 =	vor.u32 v10, v9;
	v22 =	vnsel vm1, $0x0, v61;
	vm1 =	vgt.s32 v12, $0x0  }
0x4c: {  	v23 =	vld [tilespmem:$0x110];
	v3 =	vmin.u32 v20, $0x1FFF;
	[tilespmem:$0x90] =	vst v2;
	v60 =	vperm.xlane v9, v0;
	v25 =	vnsel vm1, $0x0, v12  }
0x4d: {  	v26 =	vld [tilespmem:$0x120];
	v24 =	vmin.u32 v22, $0x1FFF;
	vm1 =	vgt.s32 v14, $0x0;
	[tilespmem:$0xA0] =	vst v3;
	v2 =	vmin.u32 v25, $0x1FFF  }
0x4e: {  	v28 =	vld [tilespmem:$0x130];
	v27 =	vnsel vm1, $0x0, v14;
	vm1 =	vgt.s32 v16, $0x0;
	[tilespmem:$0xB0] =	vst v24;
	v63 =	vadd.s32 v1, v60  }
0x4f: {  	v30 =	vld [tilespmem:$0x140];
	v3 =	vmin.u32 v27, $0x1FFF;
	v29 =	vnsel vm1, $0x0, v16;
	vm1 =	vgt.s32 v19, $0x0;
	[tilespmem:$0xC0] =	vst v2  }
0x50: {  	v33 =	vld [tilespmem:$0x150];
	v31 =	vmin.u32 v29, $0x1FFF;
	v32 =	vnsel vm1, $0x0, v19;
	vm1 =	vgt.s32 v21, $0x0;
	[tilespmem:$0xD0] =	vst v3  }
0x51: {  	v35 =	vld [tilespmem:$0x160];
	v2 =	vmin.u32 v32, $0x1FFF;
	v34 =	vnsel vm1, $0x0, v21;
	vm1 =	vgt.s32 v23, $0x0;
	[tilespmem:$0xE0] =	vst v31  }
0x52: {  	v37 =	vld [tilespmem:$0x170];
	v3 =	vmin.u32 v34, $0x1FFF;
	v36 =	vnsel vm1, $0x0, v23;
	vm1 =	vgt.s32 v26, $0x0;
	[tilespmem:$0xF0] =	vst v2  }
0x53: {  	v40 =	vld [tilespmem:$0x180];
	v38 =	vmin.u32 v36, $0x1FFF;
	v39 =	vnsel vm1, $0x0, v26;
	vm1 =	vgt.s32 v28, $0x0;
	[tilespmem:$0x100] =	vst v3  }
0x54: {  	v42 =	vld [tilespmem:$0x190];
	v2 =	vmin.u32 v39, $0x1FFF;
	v41 =	vnsel vm1, $0x0, v28;
	vm1 =	vgt.s32 v30, $0x0;
	[tilespmem:$0x110] =	vst v38  }
0x55: {  	v47 =	vld [tilespmem:$0x1A0];
	v3 =	vmin.u32 v41, $0x1FFF;
	v43 =	vnsel vm1, $0x0, v30;
	vm1 =	vgt.s32 v33, $0x0;
	[tilespmem:$0x120] =	vst v2  }
0x56: {  	v49 =	vld [tilespmem:$0x1B0];
	v45 =	vmin.u32 v43, $0x1FFF;
	v46 =	vnsel vm1, $0x0, v33;
	vm1 =	vgt.s32 v35, $0x0;
	[tilespmem:$0x130] =	vst v3  }
0x57: {  	v51 =	vld [tilespmem:$0x1C0];
	v2 =	vmin.u32 v46, $0x1FFF;
	v48 =	vnsel vm1, $0x0, v35;
	vm1 =	vgt.s32 v37, $0x0;
	[tilespmem:$0x140] =	vst v45  }
0x58: {  	v55 =	vld [tilespmem:$0x1D0];
	v3 =	vmin.u32 v48, $0x1FFF;
	v50 =	vnsel vm1, $0x0, v37;
	vm1 =	vgt.s32 v40, $0x0;
	[tilespmem:$0x150] =	vst v2  }
0x59: {  	v52 =	vmin.u32 v50, $0x1FFF;
	v53 =	vnsel vm1, $0x0, v40;
	vm1 =	vgt.s32 v42, $0x0;
	[tilespmem:$0x160] =	vst v3;
	v3 =	vld [tilespmem:$0x1E0]  }
0x5a: {  	v58 =	vld [tilespmem:$0x1F0];
	v2 =	vmin.u32 v53, $0x1FFF;
	v54 =	vnsel vm1, $0x0, v42;
	vm1 =	vgt.s32 v47, $0x0;
	[tilespmem:$0x170] =	vst v52  }
0x5b: {  	v57 =	vnsel vm1, $0x0, v47;
	vm1 =	vgt.s32 v49, $0x0;
	[tilespmem:$0x180] =	vst v2;
	v2 =	vmin.u32 v54, $0x1FFF  }
0x5c: {  	v59 =	vnsel vm1, $0x0, v49;
	vm1 =	vgt.s32 v51, $0x0;
	[tilespmem:$0x190] =	vst v2;
	v4 =	vmin.u32 v57, $0x1FFF  }
0x5d: {  	v2 =	vnsel vm1, $0x0, v51;
	[tilespmem:$0x1A0] =	vst v4;
	v61 =	vmin.u32 v59, $0x1FFF;
	vm1 =	vgt.s32 v55, $0x0  }
0x5e: {  	v2 =	vmin.u32 v2, $0x1FFF;
	[tilespmem:$0x1B0] =	vst v61;
	v62 =	vnsel vm1, $0x0, v55;
	vm1 =	vgt.s32 v3, $0x0  }
0x5f: {  	[tilespmem:$0x1C0] =	vst v2;
	v2 =	vmin.u32 v62, $0x1FFF;
	v3 =	vnsel vm1, $0x0, v3;
	vm1 =	vgt.s32 v58, $0x0  }
0x60: {  	[tilespmem:$0x1D0] =	vst v2;
	v2 =	vnsel vm1, $0x0, v58;
	v3 =	vmin.u32 v3, $0x1FFF  }
0x61: {  	[tilespmem:$0x1E0] =	vst v3;
	v2 =	vmin.u32 v2, $0x1FFF  }
0x62: {  	s17 =	simm.s32 $0x200;
	[tilespmem:$0x1F0] =	vst v2  }
0x63: {  	[tilespmem:s17], [sflag:$0x1] =	stream.indirect_vreg.gather [hbm4b:s3+s5], $0x80, v63, vm0, $0xb8;
	[tilespmem:$0x18200] =	vst v63  }
0x64: {  	s19 =	simm.s32 $0xA00  }
0x65: {  	[tilespmem:s19], [sflag:$0x1] =	stream.indirect_vreg.gather [hbm4b:s9+s5], $0x80, v63, vm0, $0xb8;
	[tilespmem:$0x18200] =	vst v63  }
0x66: {  	s26 =	simm.s32 $0x1200  }
0x67: {  	[tilespmem:s26], [sflag:$0x1] =	stream.indirect_vreg.gather [hbm4b:s10+s5], $0x80, v63, vm0, $0xb8;
	[tilespmem:$0x18200] =	vst v63  }
0x68: {  	s6 =	simm.s32 $0x1A00  }
0x69: {  	[tilespmem:s6], [sflag:$0x1] =	stream.indirect_vreg.gather [hbm4b:s11+s5], $0x80, v63, vm0, $0xb8;
	[tilespmem:$0x18200] =	vst v63  }
0x6a: {  	s8 =	rddreg [dreg:$0x7];
	s6 =	simm.s32 $0x8200  }
0x6b: {  	[tilespmem:s6], [sflag:$0x5] =	stream.linear.gather [hbm4b:s8+s5], $0x2000, $0x38;
	[tilespmem:$0x18200] =	vst v63  }
0x6c: {  	v2 =	vld.msk [tilespmem:$0x8], $0xff;
	_ =	sdelay $0x4  }
0x6d: {  	v3 =	vshll.u32 v2, $0x3  }
0x6e: {  	v2 =	vand.u32 $0x7, v2;
	v3 =	vand.u32 $0xFFFFFFC0, v3  }
0x6f: {  	v2 =	vor.u32 v2, v3  }
0x70: {  	v2 =	vperm.xlane v2, v0;
	_ =	sdelay $0x1  }
0x71: {  	v2 =	vadd.s32 v1, v2;
	_ =	sdelay $0x3  }
0x72: {  	s12 =	simm.s32 $0x2200  }
0x73: {  	[tilespmem:s12], [sflag:$0x2] =	stream.indirect_vreg.gather [hbm4b:s3+s5], $0x80, v2, vm0, $0xb8;
	[tilespmem:$0x18200] =	vst v63  }
0x74: {  	s13 =	simm.s32 $0x2A00  }
0x75: {  	[tilespmem:s13], [sflag:$0x2] =	stream.indirect_vreg.gather [hbm4b:s9+s5], $0x80, v2, vm0, $0xb8;
	[tilespmem:$0x18200] =	vst v63  }
0x76: {  	s14 =	simm.s32 $0x3200  }
0x77: {  	[tilespmem:s14], [sflag:$0x2] =	stream.indirect_vreg.gather [hbm4b:s10+s5], $0x80, v2, vm0, $0xb8;
	[tilespmem:$0x18200] =	vst v63  }
0x78: {  	s15 =	simm.s32 $0x3A00  }
0x79: {  	[tilespmem:s15], [sflag:$0x2] =	stream.indirect_vreg.gather [hbm4b:s11+s5], $0x80, v2, vm0, $0xb8;
	[tilespmem:$0x18200] =	vst v63  }
0x7a: {  	s16 =	rddreg [dreg:$0x8];
	s17 =	simm.s32 $0xA200  }
0x7b: {  	[tilespmem:s17], [sflag:$0x6] =	stream.linear.gather [hbm4b:s16+s5], $0x2000, $0x38;
	[tilespmem:$0x18200] =	vst v63  }
0x7c: {  	v2 =	vld.msk [tilespmem:$0x10], $0xff;
	_ =	sdelay $0x4  }
0x7d: {  	v3 =	vshll.u32 v2, $0x3  }
0x7e: {  	v2 =	vand.u32 $0x7, v2;
	v3 =	vand.u32 $0xFFFFFFC0, v3  }
0x7f: {  	v2 =	vor.u32 v2, v3  }
0x80: {  	v2 =	vperm.xlane v2, v0;
	_ =	sdelay $0x1  }
0x81: {  	v2 =	vadd.s32 v1, v2;
	_ =	sdelay $0x3  }
0x82: {  	s19 =	simm.s32 $0x4200  }
0x83: {  	[tilespmem:s19], [sflag:$0x3] =	stream.indirect_vreg.gather [hbm4b:s3+s5], $0x80, v2, vm0, $0xb8;
	[tilespmem:$0x18200] =	vst v63  }
0x84: {  	s26 =	simm.s32 $0x4A00  }
0x85: {  	[tilespmem:s26], [sflag:$0x3] =	stream.indirect_vreg.gather [hbm4b:s9+s5], $0x80, v2, vm0, $0xb8;
	[tilespmem:$0x18200] =	vst v63  }
0x86: {  	s6 =	simm.s32 $0x5200  }
0x87: {  	[tilespmem:s6], [sflag:$0x3] =	stream.indirect_vreg.gather [hbm4b:s10+s5], $0x80, v2, vm0, $0xb8;
	[tilespmem:$0x18200] =	vst v63  }
0x88: {  	s8 =	simm.s32 $0x5A00  }
0x89: {  	[tilespmem:s8], [sflag:$0x3] =	stream.indirect_vreg.gather [hbm4b:s11+s5], $0x80, v2, vm0, $0xb8;
	[tilespmem:$0x18200] =	vst v63  }
0x8a: {  	s12 =	rddreg [dreg:$0x9];
	s13 =	simm.s32 $0xC200  }
0x8b: {  	[tilespmem:s13], [sflag:$0x7] =	stream.linear.gather [hbm4b:s12+s5], $0x2000, $0x38;
	[tilespmem:$0x18200] =	vst v63  }
0x8c: {  	v2 =	vld.msk [tilespmem:$0x18], $0xff;
	_ =	sdelay $0x4  }
0x8d: {  	v3 =	vshll.u32 v2, $0x3  }
0x8e: {  	v2 =	vand.u32 $0x7, v2;
	v3 =	vand.u32 $0xFFFFFFC0, v3  }
0x8f: {  	v2 =	vor.u32 v2, v3  }
0x90: {  	v2 =	vperm.xlane v2, v0;
	_ =	sdelay $0x1  }
0x91: {  	v2 =	vadd.s32 v1, v2;
	_ =	sdelay $0x3  }
0x92: {  	s14 =	simm.s32 $0x6200  }
0x93: {  	[tilespmem:s14], [sflag:$0x4] =	stream.indirect_vreg.gather [hbm4b:s3+s5], $0x80, v2, vm0, $0xb8;
	[tilespmem:$0x18200] =	vst v63  }
0x94: {  	s15 =	simm.s32 $0x6A00  }
0x95: {  	[tilespmem:s15], [sflag:$0x4] =	stream.indirect_vreg.gather [hbm4b:s9+s5], $0x80, v2, vm0, $0xb8;
	[tilespmem:$0x18200] =	vst v63  }
0x96: {  	s16 =	simm.s32 $0x7200  }
0x97: {  	[tilespmem:s16], [sflag:$0x4] =	stream.indirect_vreg.gather [hbm4b:s10+s5], $0x80, v2, vm0, $0xb8;
	[tilespmem:$0x18200] =	vst v63  }
0x98: {  	s17 =	simm.s32 $0x7A00  }
0x99: {  	[tilespmem:s17], [sflag:$0x4] =	stream.indirect_vreg.gather [hbm4b:s11+s5], $0x80, v2, vm0, $0xb8;
	[tilespmem:$0x18200] =	vst v63  }
0x9a: {  	s2 =	simm.s32 $0x0;
	s19 =	rddreg [dreg:$0xa];
	s26 =	simm.s32 $0xE200  }
0x9b: {  	[tilespmem:s26], [sflag:$0x8] =	stream.linear.gather [hbm4b:s19+s5], $0x2000, $0x38;
	[tilespmem:$0x18200] =	vst v63  }
.LBB2_2:
0x9c: {  	_ =	swait.ge [sflag:s18], $0x2000  }
0x9d: {  	[sflag:s18] =	ssyncset.done $0x0  }
0x9e: {  	s6 =	simm.s32 $0x5;
	[sflag:s18] =	ssyncadd.s32 $0xFFFFE000  }
0x9f: {  	_ =	swait.ge [sflag:s6], $0x2000  }
0xa0: {  	[sflag:s6] =	ssyncset.done $0x0  }
0xa1: {  	s8 =	simm.s32 $0x0;
	[sflag:s6] =	ssyncadd.s32 $0xFFFFE000;
	s6 =	simm.s32 $0x0  }
.LBB2_3:
0xa2: {  	s13 =	sshra.s32 s6, $0x2  }
0xa3: {  	v2 =	vld [tilespmem:s13+$0x270]  }
0xa4: {  	v3 =	vld [tilespmem:s13+$0x200]  }
0xa5: {  	v4 =	vld [tilespmem:s13+$0x210]  }
0xa6: {  	v5 =	vld [tilespmem:s13+$0x220]  }
0xa7: {  	v6 =	vld [tilespmem:s13+$0x230]  }
0xa8: {  	v7 =	vld [tilespmem:s13+$0x240]  }
0xa9: {  	v8 =	vld [tilespmem:s13+$0x250]  }
0xaa: {  	[tilespmem:s13+$0x8270] =	vst.add.f32.msk $0xffff, v2  }
0xab: {  	v2 =	vld [tilespmem:s13+$0x260]  }
0xac: {  	[tilespmem:s13+$0x8200] =	vst.add.f32.msk $0xffff, v3  }
0xad: {  	[tilespmem:s13+$0x8210] =	vst.add.f32.msk $0xffff, v4  }
0xae: {  	[tilespmem:s13+$0x8220] =	vst.add.f32.msk $0xffff, v5  }
0xaf: {  	[tilespmem:s13+$0x8230] =	vst.add.f32.msk $0xffff, v6  }
0xb0: {  	[tilespmem:s13+$0x8240] =	vst.add.f32.msk $0xffff, v7  }
0xb1: {  	s12 =	simm.s32 $0x0;
	s14 =	sadd.s32 $0x1000, s6;
	[tilespmem:s13+$0x8250] =	vst.add.f32.msk $0xffff, v8  }
.LBB2_4:
0xb2: {  	s12 =	sadd.s32 $0x8, s12;
	[tilespmem:s13+$0x8260] =	vst.add.f32.msk $0xffff, v2;
	s13 =	sshra.s32 s14, $0x2  }
0xb3: {  	v2 =	vld [tilespmem:s13+$0x270];
	p0 =	slt.u32 s12, $0x38  }
0xb4: {  	v3 =	vld [tilespmem:s13+$0x200]  }
0xb5: {  	v4 =	vld [tilespmem:s13+$0x210]  }
0xb6: {  	v5 =	vld [tilespmem:s13+$0x220]  }
0xb7: {  	v6 =	vld [tilespmem:s13+$0x230]  }
0xb8: {  	[tilespmem:s13+$0x8270] =	vst.add.f32.msk $0xffff, v2  }
0xb9: {  	v7 =	vld [tilespmem:s13+$0x240]  }
0xba: {  	v8 =	vld [tilespmem:s13+$0x250]  }
0xbb: {  	v2 =	vld [tilespmem:s13+$0x260]  }
0xbc: {  	[tilespmem:s13+$0x8200] =	vst.add.f32.msk $0xffff, v3  }
.Ltmp2:
0xbd: {  	[tilespmem:s13+$0x8210] =	vst.add.f32.msk $0xffff, v4;
	(pc) =	sbr.rel @p0 .LBB2_4-.Ltmp2, $4  }
0xbe: {  	[tilespmem:s13+$0x8220] =	vst.add.f32.msk $0xffff, v5  }
0xbf: {  	[tilespmem:s13+$0x8230] =	vst.add.f32.msk $0xffff, v6  }
0xc0: {  	[tilespmem:s13+$0x8240] =	vst.add.f32.msk $0xffff, v7  }
0xc1: {  	s14 =	sadd.s32 $0x1000, s14;
	[tilespmem:s13+$0x8250] =	vst.add.f32.msk $0xffff, v8  }
0xc2: {  	s8 =	sadd.s32 $0x1, s8  }
0xc3: {  	p0 =	sne.s32 s8, $0x8  }
.Ltmp3:
0xc4: {  	_ = 	snop;
	(pc) =	sbr.rel @p0 .LBB2_3-.Ltmp3, $2  }
0xc5: {  	_ =	sdelay $0x2  }
0xc6: {  	[tilespmem:s13+$0x8260] =	vst.add.f32.msk $0xffff, v2;
	s6 =	sadd.s32 $0x200, s6  }
0xc7: {  	s8 =	sshll.u32 s2, $0x3  }
0xc8: {  	s6 =	sor.u32 $0x4, s8  }
0xc9: {  	s12 =	sshll.u32 s6, $0x3  }
0xca: {  	s12 =	sand.u32 $0x3FFFFFE0, s12  }
0xcb: {  	v2 =	vld.msk [tilespmem:s12+$0x0], $0xff;
	_ =	sdelay $0x4  }
0xcc: {  	v3 =	vshll.u32 v2, $0x3  }
0xcd: {  	v2 =	vand.u32 $0x7, v2;
	v3 =	vand.u32 $0xFFFFFFC0, v3  }
0xce: {  	v2 =	vor.u32 v2, v3  }
0xcf: {  	v2 =	vperm.xlane v2, v0;
	_ =	sdelay $0x1  }
0xd0: {  	v2 =	vadd.s32 v1, v2;
	_ =	sdelay $0x3  }
0xd1: {  	s26 =	simm.s32 $0x200  }
0xd2: {  	[tilespmem:s26], [sflag:$0x1] =	stream.indirect_vreg.gather [hbm4b:s3+s5], $0x80, v2, vm0, $0xb8;
	[tilespmem:$0x18200] =	vst v63  }
0xd3: {  	s13 =	simm.s32 $0xA00  }
0xd4: {  	[tilespmem:s13], [sflag:$0x1] =	stream.indirect_vreg.gather [hbm4b:s9+s5], $0x80, v2, vm0, $0xb8;
	[tilespmem:$0x18200] =	vst v63  }
0xd5: {  	s14 =	simm.s32 $0x1200  }
0xd6: {  	[tilespmem:s14], [sflag:$0x1] =	stream.indirect_vreg.gather [hbm4b:s10+s5], $0x80, v2, vm0, $0xb8;
	[tilespmem:$0x18200] =	vst v63  }
0xd7: {  	s15 =	simm.s32 $0x1A00;
	s16 =	sshll.u32 s2, $0xD;
	s13 =	rddreg [dreg:$0xb]  }
0xd8: {  	[tilespmem:s15], [sflag:$0x1] =	stream.indirect_vreg.gather [hbm4b:s11+s5], $0x80, v2, vm0, $0xb8;
	[tilespmem:$0x18200] =	vst v63  }
0xd9: {  	s17 =	simm.s32 $0x8200;
	p0 =	seq.s32 s2, $0x0;
	s12 =	sadd.s32 s16, s13  }
0xda: {  	[hbm4b:s12+s5] =	stream.linear.scatter [tilespmem:s17], [sflag:$0xD], $0x2000, $0x38;
	[tilespmem:$0x18200] =	vst v63  }
0xdb: {  	s6 =	sadd.s32 s7, s6;
	s12 =	simm.s32 @!p0 $0x11  }
0xdc: {  	s6 =	sshll.u32 s6, $0xA;
	_ =	swait.ge @!p0 [sflag:s12], $0x2000  }
0xdd: {  	s26 =	simm.s32 $0x10200;
	s14 =	sand.u32 $0x1FFFF000, s6;
	[sflag:s12] =	ssyncset.done @!p0 $0x0  }
0xde: {  	s6 =	simm.s32 $0x0;
	s19 =	sadd.s32 s0, s14;
	[sflag:s12] =	ssyncadd.s32 @!p0 $0xFFFFE000  }
0xdf: {  	[tilespmem:s26], [sflag:$0x9] =	stream.linear.gather [hbm4b:s19+s6], $0x2000, $0x38;
	[tilespmem:$0x18200] =	vst v63  }
0xe0: {  	_ =	swait.ge [sflag:s20], $0x2000  }
0xe1: {  	[sflag:s20] =	ssyncset.done $0x0  }
0xe2: {  	[sflag:s20] =	ssyncadd.s32 $0xFFFFE000  }
0xe3: {  	_ =	swait.ge [sflag:s21], $0x2000  }
0xe4: {  	[sflag:s21] =	ssyncset.done $0x0  }
0xe5: {  	s13 =	simm.s32 $0x0;
	[sflag:s21] =	ssyncadd.s32 $0xFFFFE000  }
.LBB2_7:
0xe6: {  	s15 =	sshra.s32 s6, $0x2  }
0xe7: {  	v2 =	vld [tilespmem:s15+$0x2270]  }
0xe8: {  	v3 =	vld [tilespmem:s15+$0x2200]  }
0xe9: {  	v4 =	vld [tilespmem:s15+$0x2210]  }
0xea: {  	v5 =	vld [tilespmem:s15+$0x2220]  }
0xeb: {  	v6 =	vld [tilespmem:s15+$0x2230]  }
0xec: {  	v7 =	vld [tilespmem:s15+$0x2240]  }
0xed: {  	v8 =	vld [tilespmem:s15+$0x2250]  }
0xee: {  	[tilespmem:s15+$0xA270] =	vst.add.f32.msk $0xffff, v2  }
0xef: {  	v2 =	vld [tilespmem:s15+$0x2260]  }
0xf0: {  	[tilespmem:s15+$0xA200] =	vst.add.f32.msk $0xffff, v3  }
0xf1: {  	[tilespmem:s15+$0xA210] =	vst.add.f32.msk $0xffff, v4  }
0xf2: {  	[tilespmem:s15+$0xA220] =	vst.add.f32.msk $0xffff, v5  }
0xf3: {  	[tilespmem:s15+$0xA230] =	vst.add.f32.msk $0xffff, v6  }
0xf4: {  	[tilespmem:s15+$0xA240] =	vst.add.f32.msk $0xffff, v7  }
0xf5: {  	s12 =	simm.s32 $0x0;
	s16 =	sadd.s32 $0x1000, s6;
	[tilespmem:s15+$0xA250] =	vst.add.f32.msk $0xffff, v8  }
.LBB2_8:
0xf6: {  	s12 =	sadd.s32 $0x8, s12;
	[tilespmem:s15+$0xA260] =	vst.add.f32.msk $0xffff, v2;
	s15 =	sshra.s32 s16, $0x2  }
0xf7: {  	v2 =	vld [tilespmem:s15+$0x2270];
	p1 =	slt.u32 s12, $0x38  }
0xf8: {  	v3 =	vld [tilespmem:s15+$0x2200]  }
0xf9: {  	v4 =	vld [tilespmem:s15+$0x2210]  }
0xfa: {  	v5 =	vld [tilespmem:s15+$0x2220]  }
0xfb: {  	v6 =	vld [tilespmem:s15+$0x2230]  }
0xfc: {  	[tilespmem:s15+$0xA270] =	vst.add.f32.msk $0xffff, v2  }
0xfd: {  	v7 =	vld [tilespmem:s15+$0x2240]  }
0xfe: {  	v8 =	vld [tilespmem:s15+$0x2250]  }
0xff: {  	v2 =	vld [tilespmem:s15+$0x2260]  }
0x100: {  	[tilespmem:s15+$0xA200] =	vst.add.f32.msk $0xffff, v3  }
.Ltmp4:
0x101: {  	[tilespmem:s15+$0xA210] =	vst.add.f32.msk $0xffff, v4;
	(pc) =	sbr.rel @p1 .LBB2_8-.Ltmp4, $4  }
0x102: {  	[tilespmem:s15+$0xA220] =	vst.add.f32.msk $0xffff, v5  }
0x103: {  	[tilespmem:s15+$0xA230] =	vst.add.f32.msk $0xffff, v6  }
0x104: {  	[tilespmem:s15+$0xA240] =	vst.add.f32.msk $0xffff, v7  }
0x105: {  	s16 =	sadd.s32 $0x1000, s16;
	[tilespmem:s15+$0xA250] =	vst.add.f32.msk $0xffff, v8  }
0x106: {  	s13 =	sadd.s32 $0x1, s13  }
0x107: {  	p1 =	sne.s32 s13, $0x8  }
.Ltmp5:
0x108: {  	_ = 	snop;
	(pc) =	sbr.rel @p1 .LBB2_7-.Ltmp5, $2  }
0x109: {  	_ =	sdelay $0x2  }
0x10a: {  	[tilespmem:s15+$0xA260] =	vst.add.f32.msk $0xffff, v2;
	s6 =	sadd.s32 $0x200, s6  }
0x10b: {  	s6 =	sor.u32 $0x5, s8  }
0x10c: {  	s12 =	sshll.u32 s6, $0x3  }
0x10d: {  	s12 =	sand.u32 $0x3FFFFFF8, s12  }
0x10e: {  	v2 =	vld.msk [tilespmem:s12+$0x0], $0xff;
	_ =	sdelay $0x4  }
0x10f: {  	v3 =	vshll.u32 v2, $0x3  }
0x110: {  	v2 =	vand.u32 $0x7, v2;
	v3 =	vand.u32 $0xFFFFFFC0, v3  }
0x111: {  	v2 =	vor.u32 v2, v3  }
0x112: {  	v2 =	vperm.xlane v2, v0;
	_ =	sdelay $0x1  }
0x113: {  	v2 =	vadd.s32 v1, v2;
	_ =	sdelay $0x3  }
0x114: {  	s26 =	simm.s32 $0x2200  }
0x115: {  	[tilespmem:s26], [sflag:$0x2] =	stream.indirect_vreg.gather [hbm4b:s3+s5], $0x80, v2, vm0, $0xb8;
	[tilespmem:$0x18200] =	vst v63  }
0x116: {  	s13 =	simm.s32 $0x2A00  }
0x117: {  	[tilespmem:s13], [sflag:$0x2] =	stream.indirect_vreg.gather [hbm4b:s9+s5], $0x80, v2, vm0, $0xb8;
	[tilespmem:$0x18200] =	vst v63  }
0x118: {  	s17 =	sshll.u32 s2, $0x6;
	s13 =	rddreg [dreg:$0x5]  }
0x119: {  	s15 =	simm.s32 $0x3200;
	s12 =	sadd.s32 s17, s13  }
0x11a: {  	[tilespmem:s15], [sflag:$0x2] =	stream.indirect_vreg.gather [hbm4b:s10+s5], $0x80, v2, vm0, $0xb8;
	[tilespmem:$0x18200] =	vst v63  }
0x11b: {  	s16 =	simm.s32 $0x3A00;
	s12 =	sshll.u32 s12, $0x7  }
0x11c: {  	[tilespmem:s16], [sflag:$0x2] =	stream.indirect_vreg.gather [hbm4b:s11+s5], $0x80, v2, vm0, $0xb8;
	[tilespmem:$0x18200] =	vst v63  }
0x11d: {  	s16 =	sadd.s32 s4, s12  }
0x11e: {  	s19 =	simm.s32 $0xA200;
	s12 =	sadd.s32 $0x400, s16  }
0x11f: {  	[hbm4b:s12+s5] =	stream.linear.scatter [tilespmem:s19], [sflag:$0xE], $0x2000, $0x38;
	[tilespmem:$0x18200] =	vst v63  }
0x120: {  	s12 =	simm.s32 @!p0 $0x12  }
0x121: {  	s6 =	sadd.s32 s7, s6;
	_ =	swait.ge @!p0 [sflag:s12], $0x2000  }
0x122: {  	s13 =	sshll.u32 s6, $0xA;
	s6 =	simm.s32 $0x0;
	[sflag:s12] =	ssyncset.done @!p0 $0x0  }
0x123: {  	s26 =	sadd.s32 s0, s13;
	s15 =	simm.s32 $0x12200;
	[sflag:s12] =	ssyncadd.s32 @!p0 $0xFFFFE000  }
0x124: {  	[tilespmem:s15], [sflag:$0xA] =	stream.linear.gather [hbm4b:s26+s6], $0x2000, $0x38;
	[tilespmem:$0x18200] =	vst v63  }
0x125: {  	_ =	swait.ge [sflag:s22], $0x2000  }
0x126: {  	[sflag:s22] =	ssyncset.done $0x0  }
0x127: {  	[sflag:s22] =	ssyncadd.s32 $0xFFFFE000  }
0x128: {  	_ =	swait.ge [sflag:s23], $0x2000  }
0x129: {  	[sflag:s23] =	ssyncset.done $0x0  }
0x12a: {  	s15 =	simm.s32 $0x0;
	[sflag:s23] =	ssyncadd.s32 $0xFFFFE000  }
.LBB2_11:
0x12b: {  	s17 =	sshra.s32 s6, $0x2  }
0x12c: {  	v2 =	vld [tilespmem:s17+$0x4270]  }
0x12d: {  	v3 =	vld [tilespmem:s17+$0x4200]  }
0x12e: {  	v4 =	vld [tilespmem:s17+$0x4210]  }
0x12f: {  	v5 =	vld [tilespmem:s17+$0x4220]  }
0x130: {  	v6 =	vld [tilespmem:s17+$0x4230]  }
0x131: {  	v7 =	vld [tilespmem:s17+$0x4240]  }
0x132: {  	v8 =	vld [tilespmem:s17+$0x4250]  }
0x133: {  	[tilespmem:s17+$0xC270] =	vst.add.f32.msk $0xffff, v2  }
0x134: {  	v2 =	vld [tilespmem:s17+$0x4260]  }
0x135: {  	[tilespmem:s17+$0xC200] =	vst.add.f32.msk $0xffff, v3  }
0x136: {  	[tilespmem:s17+$0xC210] =	vst.add.f32.msk $0xffff, v4  }
0x137: {  	[tilespmem:s17+$0xC220] =	vst.add.f32.msk $0xffff, v5  }
0x138: {  	[tilespmem:s17+$0xC230] =	vst.add.f32.msk $0xffff, v6  }
0x139: {  	[tilespmem:s17+$0xC240] =	vst.add.f32.msk $0xffff, v7  }
0x13a: {  	s12 =	simm.s32 $0x0;
	s26 =	sadd.s32 $0x1000, s6;
	[tilespmem:s17+$0xC250] =	vst.add.f32.msk $0xffff, v8  }
.LBB2_12:
0x13b: {  	s12 =	sadd.s32 $0x8, s12;
	[tilespmem:s17+$0xC260] =	vst.add.f32.msk $0xffff, v2;
	s17 =	sshra.s32 s26, $0x2  }
0x13c: {  	v2 =	vld [tilespmem:s17+$0x4270];
	p1 =	slt.u32 s12, $0x38  }
0x13d: {  	v3 =	vld [tilespmem:s17+$0x4200]  }
0x13e: {  	v4 =	vld [tilespmem:s17+$0x4210]  }
0x13f: {  	v5 =	vld [tilespmem:s17+$0x4220]  }
0x140: {  	v6 =	vld [tilespmem:s17+$0x4230]  }
0x141: {  	[tilespmem:s17+$0xC270] =	vst.add.f32.msk $0xffff, v2  }
0x142: {  	v7 =	vld [tilespmem:s17+$0x4240]  }
0x143: {  	v8 =	vld [tilespmem:s17+$0x4250]  }
0x144: {  	v2 =	vld [tilespmem:s17+$0x4260]  }
0x145: {  	[tilespmem:s17+$0xC200] =	vst.add.f32.msk $0xffff, v3  }
.Ltmp6:
0x146: {  	[tilespmem:s17+$0xC210] =	vst.add.f32.msk $0xffff, v4;
	(pc) =	sbr.rel @p1 .LBB2_12-.Ltmp6, $4  }
0x147: {  	[tilespmem:s17+$0xC220] =	vst.add.f32.msk $0xffff, v5  }
0x148: {  	[tilespmem:s17+$0xC230] =	vst.add.f32.msk $0xffff, v6  }
0x149: {  	[tilespmem:s17+$0xC240] =	vst.add.f32.msk $0xffff, v7  }
0x14a: {  	s26 =	sadd.s32 $0x1000, s26;
	[tilespmem:s17+$0xC250] =	vst.add.f32.msk $0xffff, v8  }
0x14b: {  	s15 =	sadd.s32 $0x1, s15  }
0x14c: {  	p1 =	sne.s32 s15, $0x8  }
.Ltmp7:
0x14d: {  	_ = 	snop;
	(pc) =	sbr.rel @p1 .LBB2_11-.Ltmp7, $2  }
0x14e: {  	_ =	sdelay $0x2  }
0x14f: {  	[tilespmem:s17+$0xC260] =	vst.add.f32.msk $0xffff, v2;
	s6 =	sadd.s32 $0x200, s6  }
0x150: {  	s6 =	sor.u32 $0x6, s8  }
0x151: {  	s12 =	sshll.u32 s6, $0x3  }
0x152: {  	s12 =	sand.u32 $0x3FFFFFF8, s12  }
0x153: {  	v2 =	vld.msk [tilespmem:s12+$0x0], $0xff;
	_ =	sdelay $0x4  }
0x154: {  	v3 =	vshll.u32 v2, $0x3  }
0x155: {  	v2 =	vand.u32 $0x7, v2;
	v3 =	vand.u32 $0xFFFFFFC0, v3  }
0x156: {  	v2 =	vor.u32 v2, v3  }
0x157: {  	v2 =	vperm.xlane v2, v0;
	_ =	sdelay $0x1  }
0x158: {  	v2 =	vadd.s32 v1, v2;
	_ =	sdelay $0x3  }
0x159: {  	s19 =	simm.s32 $0x4200  }
0x15a: {  	[tilespmem:s19], [sflag:$0x3] =	stream.indirect_vreg.gather [hbm4b:s3+s5], $0x80, v2, vm0, $0xb8;
	[tilespmem:$0x18200] =	vst v63  }
0x15b: {  	s26 =	simm.s32 $0x4A00  }
0x15c: {  	[tilespmem:s26], [sflag:$0x3] =	stream.indirect_vreg.gather [hbm4b:s9+s5], $0x80, v2, vm0, $0xb8;
	[tilespmem:$0x18200] =	vst v63  }
0x15d: {  	s15 =	simm.s32 $0x5200;
	s6 =	sadd.s32 s7, s6  }
0x15e: {  	[tilespmem:s15], [sflag:$0x3] =	stream.indirect_vreg.gather [hbm4b:s10+s5], $0x80, v2, vm0, $0xb8;
	[tilespmem:$0x18200] =	vst v63  }
0x15f: {  	s17 =	simm.s32 $0x5A00;
	s6 =	sshll.u32 s6, $0xA  }
0x160: {  	[tilespmem:s17], [sflag:$0x3] =	stream.indirect_vreg.gather [hbm4b:s11+s5], $0x80, v2, vm0, $0xb8;
	[tilespmem:$0x18200] =	vst v63  }
0x161: {  	s12 =	simm.s32 @!p0 $0x13;
	s19 =	sadd.s32 $0x800, s16;
	s15 =	simm.s32 $0xC200  }
0x162: {  	[hbm4b:s19+s5] =	stream.linear.scatter [tilespmem:s15], [sflag:$0xF], $0x2000, $0x38;
	[tilespmem:$0x18200] =	vst v63  }
0x163: {  	s6 =	sand.u32 $0x1FFFF800, s6;
	_ =	swait.ge @!p0 [sflag:s12], $0x2000  }
0x164: {  	s26 =	sadd.s32 s0, s6;
	[sflag:s12] =	ssyncset.done @!p0 $0x0  }
0x165: {  	s17 =	simm.s32 $0x14200;
	s15 =	simm.s32 $0x0;
	[sflag:s12] =	ssyncadd.s32 @!p0 $0xFFFFE000  }
0x166: {  	[tilespmem:s17], [sflag:$0xB] =	stream.linear.gather [hbm4b:s26+s15], $0x2000, $0x38;
	[tilespmem:$0x18200] =	vst v63  }
0x167: {  	_ =	swait.ge [sflag:s24], $0x2000  }
0x168: {  	[sflag:s24] =	ssyncset.done $0x0  }
0x169: {  	[sflag:s24] =	ssyncadd.s32 $0xFFFFE000  }
0x16a: {  	_ =	swait.ge [sflag:s25], $0x2000  }
0x16b: {  	[sflag:s25] =	ssyncset.done $0x0  }
0x16c: {  	s17 =	simm.s32 $0x0;
	[sflag:s25] =	ssyncadd.s32 $0xFFFFE000  }
.LBB2_15:
0x16d: {  	s12 =	sshra.s32 s15, $0x2  }
0x16e: {  	v2 =	vld [tilespmem:s12+$0x6270]  }
0x16f: {  	v3 =	vld [tilespmem:s12+$0x6200]  }
0x170: {  	v4 =	vld [tilespmem:s12+$0x6210]  }
0x171: {  	v5 =	vld [tilespmem:s12+$0x6220]  }
0x172: {  	v6 =	vld [tilespmem:s12+$0x6230]  }
0x173: {  	v7 =	vld [tilespmem:s12+$0x6240]  }
0x174: {  	v8 =	vld [tilespmem:s12+$0x6250]  }
0x175: {  	[tilespmem:s12+$0xE270] =	vst.add.f32.msk $0xffff, v2  }
0x176: {  	v2 =	vld [tilespmem:s12+$0x6260]  }
0x177: {  	[tilespmem:s12+$0xE200] =	vst.add.f32.msk $0xffff, v3  }
0x178: {  	[tilespmem:s12+$0xE210] =	vst.add.f32.msk $0xffff, v4  }
0x179: {  	[tilespmem:s12+$0xE220] =	vst.add.f32.msk $0xffff, v5  }
0x17a: {  	[tilespmem:s12+$0xE230] =	vst.add.f32.msk $0xffff, v6  }
0x17b: {  	[tilespmem:s12+$0xE240] =	vst.add.f32.msk $0xffff, v7  }
0x17c: {  	s26 =	simm.s32 $0x0;
	s19 =	sadd.s32 $0x1000, s15;
	[tilespmem:s12+$0xE250] =	vst.add.f32.msk $0xffff, v8  }
.LBB2_16:
0x17d: {  	s26 =	sadd.s32 $0x8, s26;
	[tilespmem:s12+$0xE260] =	vst.add.f32.msk $0xffff, v2;
	s12 =	sshra.s32 s19, $0x2  }
0x17e: {  	v2 =	vld [tilespmem:s12+$0x6270];
	p1 =	slt.u32 s26, $0x38  }
0x17f: {  	v3 =	vld [tilespmem:s12+$0x6200]  }
0x180: {  	v4 =	vld [tilespmem:s12+$0x6210]  }
0x181: {  	v5 =	vld [tilespmem:s12+$0x6220]  }
0x182: {  	v6 =	vld [tilespmem:s12+$0x6230]  }
0x183: {  	[tilespmem:s12+$0xE270] =	vst.add.f32.msk $0xffff, v2  }
0x184: {  	v7 =	vld [tilespmem:s12+$0x6240]  }
0x185: {  	v8 =	vld [tilespmem:s12+$0x6250]  }
0x186: {  	v2 =	vld [tilespmem:s12+$0x6260]  }
0x187: {  	[tilespmem:s12+$0xE200] =	vst.add.f32.msk $0xffff, v3  }
.Ltmp8:
0x188: {  	[tilespmem:s12+$0xE210] =	vst.add.f32.msk $0xffff, v4;
	(pc) =	sbr.rel @p1 .LBB2_16-.Ltmp8, $4  }
0x189: {  	[tilespmem:s12+$0xE220] =	vst.add.f32.msk $0xffff, v5  }
0x18a: {  	[tilespmem:s12+$0xE230] =	vst.add.f32.msk $0xffff, v6  }
0x18b: {  	[tilespmem:s12+$0xE240] =	vst.add.f32.msk $0xffff, v7  }
0x18c: {  	s19 =	sadd.s32 $0x1000, s19;
	[tilespmem:s12+$0xE250] =	vst.add.f32.msk $0xffff, v8  }
0x18d: {  	s17 =	sadd.s32 $0x1, s17  }
0x18e: {  	p1 =	sne.s32 s17, $0x8  }
.Ltmp9:
0x18f: {  	_ = 	snop;
	(pc) =	sbr.rel @p1 .LBB2_15-.Ltmp9, $2  }
0x190: {  	_ =	sdelay $0x2  }
0x191: {  	[tilespmem:s12+$0xE260] =	vst.add.f32.msk $0xffff, v2;
	s15 =	sadd.s32 $0x200, s15  }
0x192: {  	s12 =	sor.u32 $0x7, s8  }
0x193: {  	s15 =	sshll.u32 s12, $0x3  }
0x194: {  	s15 =	sand.u32 $0x3FFFFFF8, s15  }
0x195: {  	v2 =	vld.msk [tilespmem:s15+$0x0], $0xff;
	_ =	sdelay $0x4  }
0x196: {  	v3 =	vshll.u32 v2, $0x3  }
0x197: {  	v2 =	vand.u32 $0x7, v2;
	v3 =	vand.u32 $0xFFFFFFC0, v3  }
0x198: {  	v2 =	vor.u32 v2, v3  }
0x199: {  	v2 =	vperm.xlane v2, v0;
	_ =	sdelay $0x1  }
0x19a: {  	v2 =	vadd.s32 v1, v2;
	_ =	sdelay $0x3  }
0x19b: {  	s17 =	simm.s32 $0x6200  }
0x19c: {  	[tilespmem:s17], [sflag:$0x4] =	stream.indirect_vreg.gather [hbm4b:s3+s5], $0x80, v2, vm0, $0xb8;
	[tilespmem:$0x18200] =	vst v63  }
0x19d: {  	s19 =	simm.s32 $0x6A00  }
0x19e: {  	[tilespmem:s19], [sflag:$0x4] =	stream.indirect_vreg.gather [hbm4b:s9+s5], $0x80, v2, vm0, $0xb8;
	[tilespmem:$0x18200] =	vst v63  }
0x19f: {  	s26 =	simm.s32 $0x7200  }
0x1a0: {  	[tilespmem:s26], [sflag:$0x4] =	stream.indirect_vreg.gather [hbm4b:s10+s5], $0x80, v2, vm0, $0xb8;
	[tilespmem:$0x18200] =	vst v63  }
0x1a1: {  	s12 =	sadd.s32 s7, s12;
	s17 =	simm.s32 $0x7A00  }
0x1a2: {  	[tilespmem:s17], [sflag:$0x4] =	stream.indirect_vreg.gather [hbm4b:s11+s5], $0x80, v2, vm0, $0xb8;
	[tilespmem:$0x18200] =	vst v63  }
0x1a3: {  	s15 =	simm.s32 @!p0 $0x14;
	s19 =	sadd.s32 $0xC00, s16;
	s26 =	simm.s32 $0xE200  }
0x1a4: {  	[hbm4b:s19+s5] =	stream.linear.scatter [tilespmem:s26], [sflag:$0x10], $0x2000, $0x38;
	[tilespmem:$0x18200] =	vst v63  }
0x1a5: {  	s16 =	sshll.u32 s12, $0xA;
	_ =	swait.ge @!p0 [sflag:s15], $0x2000  }
0x1a6: {  	s12 =	sadd.s32 s0, s16;
	[sflag:s15] =	ssyncset.done @!p0 $0x0  }
0x1a7: {  	s17 =	simm.s32 $0x16200;
	[sflag:s15] =	ssyncadd.s32 @!p0 $0xFFFFE000;
	s15 =	simm.s32 $0x0  }
0x1a8: {  	[tilespmem:s17], [sflag:$0xC] =	stream.linear.gather [hbm4b:s12+s15], $0x2000, $0x38;
	[tilespmem:$0x18200] =	vst v63  }
0x1a9: {  	_ =	swait.ge [sflag:s18], $0x2000  }
0x1aa: {  	[sflag:s18] =	ssyncset.done $0x0  }
0x1ab: {  	[sflag:s18] =	ssyncadd.s32 $0xFFFFE000  }
0x1ac: {  	_ =	swait.ge [sflag:s28], $0x2000  }
0x1ad: {  	[sflag:s28] =	ssyncset.done $0x0  }
0x1ae: {  	s17 =	simm.s32 $0x0;
	[sflag:s28] =	ssyncadd.s32 $0xFFFFE000  }
.LBB2_19:
0x1af: {  	s12 =	sshra.s32 s15, $0x2  }
0x1b0: {  	v2 =	vld [tilespmem:s12+$0x270]  }
0x1b1: {  	v3 =	vld [tilespmem:s12+$0x200]  }
0x1b2: {  	v4 =	vld [tilespmem:s12+$0x210]  }
0x1b3: {  	v5 =	vld [tilespmem:s12+$0x220]  }
0x1b4: {  	v6 =	vld [tilespmem:s12+$0x230]  }
0x1b5: {  	v7 =	vld [tilespmem:s12+$0x240]  }
0x1b6: {  	v8 =	vld [tilespmem:s12+$0x250]  }
0x1b7: {  	[tilespmem:s12+$0x10270] =	vst.add.f32.msk $0xffff, v2  }
0x1b8: {  	v2 =	vld [tilespmem:s12+$0x260]  }
0x1b9: {  	[tilespmem:s12+$0x10200] =	vst.add.f32.msk $0xffff, v3  }
0x1ba: {  	[tilespmem:s12+$0x10210] =	vst.add.f32.msk $0xffff, v4  }
0x1bb: {  	[tilespmem:s12+$0x10220] =	vst.add.f32.msk $0xffff, v5  }
0x1bc: {  	[tilespmem:s12+$0x10230] =	vst.add.f32.msk $0xffff, v6  }
0x1bd: {  	[tilespmem:s12+$0x10240] =	vst.add.f32.msk $0xffff, v7  }
0x1be: {  	s26 =	simm.s32 $0x0;
	s19 =	sadd.s32 $0x1000, s15;
	[tilespmem:s12+$0x10250] =	vst.add.f32.msk $0xffff, v8  }
.LBB2_20:
0x1bf: {  	s26 =	sadd.s32 $0x8, s26;
	[tilespmem:s12+$0x10260] =	vst.add.f32.msk $0xffff, v2;
	s12 =	sshra.s32 s19, $0x2  }
0x1c0: {  	v2 =	vld [tilespmem:s12+$0x270];
	p0 =	slt.u32 s26, $0x38  }
0x1c1: {  	v3 =	vld [tilespmem:s12+$0x200]  }
0x1c2: {  	v4 =	vld [tilespmem:s12+$0x210]  }
0x1c3: {  	v5 =	vld [tilespmem:s12+$0x220]  }
0x1c4: {  	v6 =	vld [tilespmem:s12+$0x230]  }
0x1c5: {  	[tilespmem:s12+$0x10270] =	vst.add.f32.msk $0xffff, v2  }
0x1c6: {  	v7 =	vld [tilespmem:s12+$0x240]  }
0x1c7: {  	v8 =	vld [tilespmem:s12+$0x250]  }
0x1c8: {  	v2 =	vld [tilespmem:s12+$0x260]  }
0x1c9: {  	[tilespmem:s12+$0x10200] =	vst.add.f32.msk $0xffff, v3  }
.Ltmp10:
0x1ca: {  	[tilespmem:s12+$0x10210] =	vst.add.f32.msk $0xffff, v4;
	(pc) =	sbr.rel @p0 .LBB2_20-.Ltmp10, $4  }
0x1cb: {  	[tilespmem:s12+$0x10220] =	vst.add.f32.msk $0xffff, v5  }
0x1cc: {  	[tilespmem:s12+$0x10230] =	vst.add.f32.msk $0xffff, v6  }
0x1cd: {  	[tilespmem:s12+$0x10240] =	vst.add.f32.msk $0xffff, v7  }
0x1ce: {  	s19 =	sadd.s32 $0x1000, s19;
	[tilespmem:s12+$0x10250] =	vst.add.f32.msk $0xffff, v8  }
0x1cf: {  	s17 =	sadd.s32 $0x1, s17  }
0x1d0: {  	p0 =	sne.s32 s17, $0x8  }
.Ltmp11:
0x1d1: {  	_ = 	snop;
	(pc) =	sbr.rel @p0 .LBB2_19-.Ltmp11, $2  }
0x1d2: {  	_ =	sdelay $0x2  }
0x1d3: {  	[tilespmem:s12+$0x10260] =	vst.add.f32.msk $0xffff, v2;
	s15 =	sadd.s32 $0x200, s15  }
0x1d4: {  	p0 =	seq.s32 s2, $0x7  }
0x1d5: {  	s12 =	sadd.s32 @p0 s4, s14;
	s15 =	simm.s32 @p0 $0x0;
	s17 =	simm.s32 @p0 $0x10200  }
0x1d6: {  	[hbm4b:s12+s15] =	stream.linear.scatter @p0 [tilespmem:s17], [sflag:$0x11], $0x2000, $0x38;
	[tilespmem:$0x18200] =	vst v63  }
0x1d7: {  	s12 =	sadd.s32 @!p0 $0x8, s8  }
0x1d8: {  	s15 =	sshll.u32 @!p0 s12, $0x3  }
0x1d9: {  	s15 =	sand.u32 @!p0 $0x3FFFFFF8, s15  }
0x1da: {  	v2 =	vld.msk @!p0 [tilespmem:s15+$0x0], $0xff;
	_ =	sdelay $0x4  }
0x1db: {  	v3 =	vshll.u32 @!p0 v2, $0x3  }
0x1dc: {  	v4 =	vlaneseq.u32 @!p0;
	v2 =	vand.u32 @!p0 $0x7, v2;
	v3 =	vand.u32 @!p0 $0xFFFFFFC0, v3  }
0x1dd: {  	v2 =	vor.u32 @!p0 v2, v3;
	v3 =	vand.u32 @!p0 $0x7, v4;
	v4 =	vshrl.u32 @!p0 v4, $0x3  }
0x1de: {  	v2 =	vperm.xlane @!p0 v2, v3;
	v3 =	vmul.u32 @!p0 $0x8, v4;
	_ =	sdelay $0x1  }
0x1df: {  	v2 =	vadd.s32 @!p0 v3, v2;
	_ =	sdelay $0x3  }
0x1e0: {  	vm1 =	vmmov @!p0 $0xffff;
	s17 =	simm.s32 @!p0 $0x200;
	s15 =	simm.s32 @!p0 $0x0  }
0x1e1: {  	[tilespmem:s17], [sflag:$0x1] =	stream.indirect_vreg.gather @!p0 [hbm4b:s3+s15], $0x80, v2, vm1, $0xb8;
	[tilespmem:$0x18200] =	vst v63  }
0x1e2: {  	s17 =	simm.s32 @!p0 $0xA00  }
0x1e3: {  	[tilespmem:s17], [sflag:$0x1] =	stream.indirect_vreg.gather @!p0 [hbm4b:s9+s15], $0x80, v2, vm1, $0xb8;
	[tilespmem:$0x18200] =	vst v63  }
0x1e4: {  	s17 =	simm.s32 @!p0 $0x1200  }
0x1e5: {  	[tilespmem:s17], [sflag:$0x1] =	stream.indirect_vreg.gather @!p0 [hbm4b:s10+s15], $0x80, v2, vm1, $0xb8;
	[tilespmem:$0x18200] =	vst v63  }
0x1e6: {  	s17 =	simm.s32 @!p0 $0x1A00  }
0x1e7: {  	[tilespmem:s17], [sflag:$0x1] =	stream.indirect_vreg.gather @!p0 [hbm4b:s11+s15], $0x80, v2, vm1, $0xb8;
	[tilespmem:$0x18200] =	vst v63  }
0x1e8: {  	s14 =	sadd.s32 @!p0 s4, s14;
	s17 =	simm.s32 @!p0 $0x10200  }
0x1e9: {  	[hbm4b:s14+s15] =	stream.linear.scatter @!p0 [tilespmem:s17], [sflag:$0x11], $0x2000, $0x38;
	[tilespmem:$0x18200] =	vst v63  }
0x1ea: {  	s12 =	sadd.s32 @!p0 s7, s12;
	s14 =	simm.s32 @!p0 $0xD  }
0x1eb: {  	s12 =	sshll.u32 @!p0 s12, $0xA;
	_ =	swait.ge @!p0 [sflag:s14], $0x2000  }
0x1ec: {  	s12 =	sand.u32 @!p0 $0x1FFFE000, s12;
	[sflag:s14] =	ssyncset.done @!p0 $0x0  }
0x1ed: {  	s12 =	sadd.s32 @!p0 s0, s12;
	[sflag:s14] =	ssyncadd.s32 @!p0 $0xFFFFE000;
	s14 =	simm.s32 @!p0 $0x8200  }
0x1ee: {  	[tilespmem:s14], [sflag:$0x5] =	stream.linear.gather @!p0 [hbm4b:s12+s15], $0x2000, $0x38;
	[tilespmem:$0x18200] =	vst v63  }
0x1ef: {  	_ =	swait.ge [sflag:s20], $0x2000  }
0x1f0: {  	[sflag:s20] =	ssyncset.done $0x0  }
0x1f1: {  	[sflag:s20] =	ssyncadd.s32 $0xFFFFE000  }
0x1f2: {  	_ =	swait.ge [sflag:s29], $0x2000  }
0x1f3: {  	[sflag:s29] =	ssyncset.done $0x0  }
0x1f4: {  	s14 =	simm.s32 $0x0;
	s15 =	simm.s32 $0x0;
	[sflag:s29] =	ssyncadd.s32 $0xFFFFE000  }
.LBB2_23:
0x1f5: {  	s12 =	sshra.s32 s14, $0x2  }
0x1f6: {  	v2 =	vld [tilespmem:s12+$0x2270]  }
0x1f7: {  	v3 =	vld [tilespmem:s12+$0x2200]  }
0x1f8: {  	v4 =	vld [tilespmem:s12+$0x2210]  }
0x1f9: {  	v5 =	vld [tilespmem:s12+$0x2220]  }
0x1fa: {  	v6 =	vld [tilespmem:s12+$0x2230]  }
0x1fb: {  	v7 =	vld [tilespmem:s12+$0x2240]  }
0x1fc: {  	v8 =	vld [tilespmem:s12+$0x2250]  }
0x1fd: {  	[tilespmem:s12+$0x12270] =	vst.add.f32.msk $0xffff, v2  }
0x1fe: {  	v2 =	vld [tilespmem:s12+$0x2260]  }
0x1ff: {  	[tilespmem:s12+$0x12200] =	vst.add.f32.msk $0xffff, v3  }
0x200: {  	[tilespmem:s12+$0x12210] =	vst.add.f32.msk $0xffff, v4  }
0x201: {  	[tilespmem:s12+$0x12220] =	vst.add.f32.msk $0xffff, v5  }
0x202: {  	[tilespmem:s12+$0x12230] =	vst.add.f32.msk $0xffff, v6  }
0x203: {  	[tilespmem:s12+$0x12240] =	vst.add.f32.msk $0xffff, v7  }
0x204: {  	s17 =	simm.s32 $0x0;
	s19 =	sadd.s32 $0x1000, s14;
	[tilespmem:s12+$0x12250] =	vst.add.f32.msk $0xffff, v8  }
.LBB2_24:
0x205: {  	s17 =	sadd.s32 $0x8, s17;
	[tilespmem:s12+$0x12260] =	vst.add.f32.msk $0xffff, v2;
	s12 =	sshra.s32 s19, $0x2  }
0x206: {  	v2 =	vld [tilespmem:s12+$0x2270];
	p1 =	slt.u32 s17, $0x38  }
0x207: {  	v3 =	vld [tilespmem:s12+$0x2200]  }
0x208: {  	v4 =	vld [tilespmem:s12+$0x2210]  }
0x209: {  	v5 =	vld [tilespmem:s12+$0x2220]  }
0x20a: {  	v6 =	vld [tilespmem:s12+$0x2230]  }
0x20b: {  	[tilespmem:s12+$0x12270] =	vst.add.f32.msk $0xffff, v2  }
0x20c: {  	v7 =	vld [tilespmem:s12+$0x2240]  }
0x20d: {  	v8 =	vld [tilespmem:s12+$0x2250]  }
0x20e: {  	v2 =	vld [tilespmem:s12+$0x2260]  }
0x20f: {  	[tilespmem:s12+$0x12200] =	vst.add.f32.msk $0xffff, v3  }
.Ltmp12:
0x210: {  	[tilespmem:s12+$0x12210] =	vst.add.f32.msk $0xffff, v4;
	(pc) =	sbr.rel @p1 .LBB2_24-.Ltmp12, $4  }
0x211: {  	[tilespmem:s12+$0x12220] =	vst.add.f32.msk $0xffff, v5  }
0x212: {  	[tilespmem:s12+$0x12230] =	vst.add.f32.msk $0xffff, v6  }
0x213: {  	[tilespmem:s12+$0x12240] =	vst.add.f32.msk $0xffff, v7  }
0x214: {  	s19 =	sadd.s32 $0x1000, s19;
	[tilespmem:s12+$0x12250] =	vst.add.f32.msk $0xffff, v8  }
0x215: {  	s15 =	sadd.s32 $0x1, s15  }
0x216: {  	p1 =	sne.s32 s15, $0x8  }
.Ltmp13:
0x217: {  	_ = 	snop;
	(pc) =	sbr.rel @p1 .LBB2_23-.Ltmp13, $2  }
0x218: {  	_ =	sdelay $0x2  }
0x219: {  	[tilespmem:s12+$0x12260] =	vst.add.f32.msk $0xffff, v2;
	s14 =	sadd.s32 $0x200, s14  }
0x21a: {  	s12 =	sadd.s32 @p0 s4, s13;
	s14 =	simm.s32 @p0 $0x0;
	s15 =	simm.s32 @p0 $0x12200  }
0x21b: {  	[hbm4b:s12+s14] =	stream.linear.scatter @p0 [tilespmem:s15], [sflag:$0x12], $0x2000, $0x38;
	[tilespmem:$0x18200] =	vst v63  }
0x21c: {  	s12 =	sadd.s32 @!p0 $0x9, s8  }
0x21d: {  	s14 =	sshll.u32 @!p0 s12, $0x3  }
0x21e: {  	s14 =	sand.u32 @!p0 $0x3FFFFFF8, s14  }
0x21f: {  	v2 =	vld.msk @!p0 [tilespmem:s14+$0x0], $0xff;
	_ =	sdelay $0x4  }
0x220: {  	v3 =	vshll.u32 @!p0 v2, $0x3  }
0x221: {  	v4 =	vlaneseq.u32 @!p0;
	v2 =	vand.u32 @!p0 $0x7, v2;
	v3 =	vand.u32 @!p0 $0xFFFFFFC0, v3  }
0x222: {  	v2 =	vor.u32 @!p0 v2, v3;
	v3 =	vand.u32 @!p0 $0x7, v4;
	v4 =	vshrl.u32 @!p0 v4, $0x3  }
0x223: {  	v2 =	vperm.xlane @!p0 v2, v3;
	v3 =	vmul.u32 @!p0 $0x8, v4;
	_ =	sdelay $0x1  }
0x224: {  	v2 =	vadd.s32 @!p0 v3, v2;
	_ =	sdelay $0x3  }
0x225: {  	s15 =	simm.s32 @!p0 $0x2200;
	s14 =	simm.s32 @!p0 $0x0  }
0x226: {  	[tilespmem:s15], [sflag:$0x2] =	stream.indirect_vreg.gather @!p0 [hbm4b:s3+s14], $0x80, v2, vm1, $0xb8;
	[tilespmem:$0x18200] =	vst v63  }
0x227: {  	s15 =	simm.s32 @!p0 $0x2A00  }
0x228: {  	[tilespmem:s15], [sflag:$0x2] =	stream.indirect_vreg.gather @!p0 [hbm4b:s9+s14], $0x80, v2, vm1, $0xb8;
	[tilespmem:$0x18200] =	vst v63  }
0x229: {  	s15 =	simm.s32 @!p0 $0x3200  }
0x22a: {  	[tilespmem:s15], [sflag:$0x2] =	stream.indirect_vreg.gather @!p0 [hbm4b:s10+s14], $0x80, v2, vm1, $0xb8;
	[tilespmem:$0x18200] =	vst v63  }
0x22b: {  	s15 =	simm.s32 @!p0 $0x3A00  }
0x22c: {  	[tilespmem:s15], [sflag:$0x2] =	stream.indirect_vreg.gather @!p0 [hbm4b:s11+s14], $0x80, v2, vm1, $0xb8;
	[tilespmem:$0x18200] =	vst v63  }
0x22d: {  	s13 =	sadd.s32 @!p0 s4, s13;
	s15 =	simm.s32 @!p0 $0x12200  }
0x22e: {  	[hbm4b:s13+s14] =	stream.linear.scatter @!p0 [tilespmem:s15], [sflag:$0x12], $0x2000, $0x38;
	[tilespmem:$0x18200] =	vst v63  }
0x22f: {  	s13 =	simm.s32 @!p0 $0xE  }
0x230: {  	s12 =	sadd.s32 @!p0 s7, s12;
	_ =	swait.ge @!p0 [sflag:s13], $0x2000  }
0x231: {  	s12 =	sshll.u32 @!p0 s12, $0xA;
	[sflag:s13] =	ssyncset.done @!p0 $0x0  }
0x232: {  	s12 =	sadd.s32 @!p0 s0, s12;
	[sflag:s13] =	ssyncadd.s32 @!p0 $0xFFFFE000;
	s13 =	simm.s32 @!p0 $0xA200  }
0x233: {  	[tilespmem:s13], [sflag:$0x6] =	stream.linear.gather @!p0 [hbm4b:s12+s14], $0x2000, $0x38;
	[tilespmem:$0x18200] =	vst v63  }
0x234: {  	_ =	swait.ge [sflag:s22], $0x2000  }
0x235: {  	[sflag:s22] =	ssyncset.done $0x0  }
0x236: {  	[sflag:s22] =	ssyncadd.s32 $0xFFFFE000  }
0x237: {  	_ =	swait.ge [sflag:s30], $0x2000  }
0x238: {  	[sflag:s30] =	ssyncset.done $0x0  }
0x239: {  	s13 =	simm.s32 $0x0;
	s14 =	simm.s32 $0x0;
	[sflag:s30] =	ssyncadd.s32 $0xFFFFE000  }
.LBB2_27:
0x23a: {  	s12 =	sshra.s32 s13, $0x2  }
0x23b: {  	v2 =	vld [tilespmem:s12+$0x4270]  }
0x23c: {  	v3 =	vld [tilespmem:s12+$0x4200]  }
0x23d: {  	v4 =	vld [tilespmem:s12+$0x4210]  }
0x23e: {  	v5 =	vld [tilespmem:s12+$0x4220]  }
0x23f: {  	v6 =	vld [tilespmem:s12+$0x4230]  }
0x240: {  	v7 =	vld [tilespmem:s12+$0x4240]  }
0x241: {  	v8 =	vld [tilespmem:s12+$0x4250]  }
0x242: {  	[tilespmem:s12+$0x14270] =	vst.add.f32.msk $0xffff, v2  }
0x243: {  	v2 =	vld [tilespmem:s12+$0x4260]  }
0x244: {  	[tilespmem:s12+$0x14200] =	vst.add.f32.msk $0xffff, v3  }
0x245: {  	[tilespmem:s12+$0x14210] =	vst.add.f32.msk $0xffff, v4  }
0x246: {  	[tilespmem:s12+$0x14220] =	vst.add.f32.msk $0xffff, v5  }
0x247: {  	[tilespmem:s12+$0x14230] =	vst.add.f32.msk $0xffff, v6  }
0x248: {  	[tilespmem:s12+$0x14240] =	vst.add.f32.msk $0xffff, v7  }
0x249: {  	s15 =	simm.s32 $0x0;
	s17 =	sadd.s32 $0x1000, s13;
	[tilespmem:s12+$0x14250] =	vst.add.f32.msk $0xffff, v8  }
.LBB2_28:
0x24a: {  	s15 =	sadd.s32 $0x8, s15;
	[tilespmem:s12+$0x14260] =	vst.add.f32.msk $0xffff, v2;
	s12 =	sshra.s32 s17, $0x2  }
0x24b: {  	v2 =	vld [tilespmem:s12+$0x4270];
	p1 =	slt.u32 s15, $0x38  }
0x24c: {  	v3 =	vld [tilespmem:s12+$0x4200]  }
0x24d: {  	v4 =	vld [tilespmem:s12+$0x4210]  }
0x24e: {  	v5 =	vld [tilespmem:s12+$0x4220]  }
0x24f: {  	v6 =	vld [tilespmem:s12+$0x4230]  }
0x250: {  	[tilespmem:s12+$0x14270] =	vst.add.f32.msk $0xffff, v2  }
0x251: {  	v7 =	vld [tilespmem:s12+$0x4240]  }
0x252: {  	v8 =	vld [tilespmem:s12+$0x4250]  }
0x253: {  	v2 =	vld [tilespmem:s12+$0x4260]  }
0x254: {  	[tilespmem:s12+$0x14200] =	vst.add.f32.msk $0xffff, v3  }
.Ltmp14:
0x255: {  	[tilespmem:s12+$0x14210] =	vst.add.f32.msk $0xffff, v4;
	(pc) =	sbr.rel @p1 .LBB2_28-.Ltmp14, $4  }
0x256: {  	[tilespmem:s12+$0x14220] =	vst.add.f32.msk $0xffff, v5  }
0x257: {  	[tilespmem:s12+$0x14230] =	vst.add.f32.msk $0xffff, v6  }
0x258: {  	[tilespmem:s12+$0x14240] =	vst.add.f32.msk $0xffff, v7  }
0x259: {  	s17 =	sadd.s32 $0x1000, s17;
	[tilespmem:s12+$0x14250] =	vst.add.f32.msk $0xffff, v8  }
0x25a: {  	s14 =	sadd.s32 $0x1, s14  }
0x25b: {  	p1 =	sne.s32 s14, $0x8  }
.Ltmp15:
0x25c: {  	_ = 	snop;
	(pc) =	sbr.rel @p1 .LBB2_27-.Ltmp15, $2  }
0x25d: {  	_ =	sdelay $0x2  }
0x25e: {  	[tilespmem:s12+$0x14260] =	vst.add.f32.msk $0xffff, v2;
	s13 =	sadd.s32 $0x200, s13  }
0x25f: {  	s12 =	sadd.s32 @p0 s4, s6;
	s13 =	simm.s32 @p0 $0x0;
	s14 =	simm.s32 @p0 $0x14200  }
0x260: {  	[hbm4b:s12+s13] =	stream.linear.scatter @p0 [tilespmem:s14], [sflag:$0x13], $0x2000, $0x38;
	[tilespmem:$0x18200] =	vst v63  }
0x261: {  	s12 =	sadd.s32 @!p0 $0xA, s8  }
0x262: {  	s13 =	sshll.u32 @!p0 s12, $0x3  }
0x263: {  	s13 =	sand.u32 @!p0 $0x3FFFFFF8, s13  }
0x264: {  	v2 =	vld.msk @!p0 [tilespmem:s13+$0x0], $0xff;
	_ =	sdelay $0x4  }
0x265: {  	v3 =	vshll.u32 @!p0 v2, $0x3  }
0x266: {  	v4 =	vlaneseq.u32 @!p0;
	v2 =	vand.u32 @!p0 $0x7, v2;
	v3 =	vand.u32 @!p0 $0xFFFFFFC0, v3  }
0x267: {  	v2 =	vor.u32 @!p0 v2, v3;
	v3 =	vand.u32 @!p0 $0x7, v4;
	v4 =	vshrl.u32 @!p0 v4, $0x3  }
0x268: {  	v2 =	vperm.xlane @!p0 v2, v3;
	v3 =	vmul.u32 @!p0 $0x8, v4;
	_ =	sdelay $0x1  }
0x269: {  	v2 =	vadd.s32 @!p0 v3, v2;
	_ =	sdelay $0x3  }
0x26a: {  	s14 =	simm.s32 @!p0 $0x4200;
	s13 =	simm.s32 @!p0 $0x0  }
0x26b: {  	[tilespmem:s14], [sflag:$0x3] =	stream.indirect_vreg.gather @!p0 [hbm4b:s3+s13], $0x80, v2, vm1, $0xb8;
	[tilespmem:$0x18200] =	vst v63  }
0x26c: {  	s14 =	simm.s32 @!p0 $0x4A00  }
0x26d: {  	[tilespmem:s14], [sflag:$0x3] =	stream.indirect_vreg.gather @!p0 [hbm4b:s9+s13], $0x80, v2, vm1, $0xb8;
	[tilespmem:$0x18200] =	vst v63  }
0x26e: {  	s14 =	simm.s32 @!p0 $0x5200  }
0x26f: {  	[tilespmem:s14], [sflag:$0x3] =	stream.indirect_vreg.gather @!p0 [hbm4b:s10+s13], $0x80, v2, vm1, $0xb8;
	[tilespmem:$0x18200] =	vst v63  }
0x270: {  	s14 =	simm.s32 @!p0 $0x5A00  }
0x271: {  	[tilespmem:s14], [sflag:$0x3] =	stream.indirect_vreg.gather @!p0 [hbm4b:s11+s13], $0x80, v2, vm1, $0xb8;
	[tilespmem:$0x18200] =	vst v63  }
0x272: {  	s6 =	sadd.s32 @!p0 s4, s6;
	s14 =	simm.s32 @!p0 $0x14200  }
0x273: {  	[hbm4b:s6+s13] =	stream.linear.scatter @!p0 [tilespmem:s14], [sflag:$0x13], $0x2000, $0x38;
	[tilespmem:$0x18200] =	vst v63  }
0x274: {  	s12 =	sadd.s32 @!p0 s7, s12;
	s6 =	simm.s32 @!p0 $0xF  }
0x275: {  	s12 =	sshll.u32 @!p0 s12, $0xA;
	_ =	swait.ge @!p0 [sflag:s6], $0x2000  }
0x276: {  	s12 =	sand.u32 @!p0 $0x1FFFE800, s12;
	[sflag:s6] =	ssyncset.done @!p0 $0x0  }
0x277: {  	[sflag:s6] =	ssyncadd.s32 @!p0 $0xFFFFE000;
	s6 =	sadd.s32 @!p0 s0, s12;
	s12 =	simm.s32 @!p0 $0xC200  }
0x278: {  	[tilespmem:s12], [sflag:$0x7] =	stream.linear.gather @!p0 [hbm4b:s6+s13], $0x2000, $0x38;
	[tilespmem:$0x18200] =	vst v63  }
0x279: {  	_ =	swait.ge [sflag:s24], $0x2000  }
0x27a: {  	[sflag:s24] =	ssyncset.done $0x0  }
0x27b: {  	[sflag:s24] =	ssyncadd.s32 $0xFFFFE000  }
0x27c: {  	_ =	swait.ge [sflag:s31], $0x2000  }
0x27d: {  	[sflag:s31] =	ssyncset.done $0x0  }
0x27e: {  	s6 =	simm.s32 $0x0;
	s13 =	simm.s32 $0x0;
	[sflag:s31] =	ssyncadd.s32 $0xFFFFE000  }
.LBB2_31:
0x27f: {  	s12 =	sshra.s32 s6, $0x2  }
0x280: {  	v2 =	vld [tilespmem:s12+$0x6270]  }
0x281: {  	v3 =	vld [tilespmem:s12+$0x6200]  }
0x282: {  	v4 =	vld [tilespmem:s12+$0x6210]  }
0x283: {  	v5 =	vld [tilespmem:s12+$0x6220]  }
0x284: {  	v6 =	vld [tilespmem:s12+$0x6230]  }
0x285: {  	v7 =	vld [tilespmem:s12+$0x6240]  }
0x286: {  	v8 =	vld [tilespmem:s12+$0x6250]  }
0x287: {  	[tilespmem:s12+$0x16270] =	vst.add.f32.msk $0xffff, v2  }
0x288: {  	v2 =	vld [tilespmem:s12+$0x6260]  }
0x289: {  	[tilespmem:s12+$0x16200] =	vst.add.f32.msk $0xffff, v3  }
0x28a: {  	[tilespmem:s12+$0x16210] =	vst.add.f32.msk $0xffff, v4  }
0x28b: {  	[tilespmem:s12+$0x16220] =	vst.add.f32.msk $0xffff, v5  }
0x28c: {  	[tilespmem:s12+$0x16230] =	vst.add.f32.msk $0xffff, v6  }
0x28d: {  	[tilespmem:s12+$0x16240] =	vst.add.f32.msk $0xffff, v7  }
0x28e: {  	s14 =	simm.s32 $0x0;
	s15 =	sadd.s32 $0x1000, s6;
	[tilespmem:s12+$0x16250] =	vst.add.f32.msk $0xffff, v8  }
.LBB2_32:
0x28f: {  	s14 =	sadd.s32 $0x8, s14;
	[tilespmem:s12+$0x16260] =	vst.add.f32.msk $0xffff, v2;
	s12 =	sshra.s32 s15, $0x2  }
0x290: {  	v2 =	vld [tilespmem:s12+$0x6270];
	p1 =	slt.u32 s14, $0x38  }
0x291: {  	v3 =	vld [tilespmem:s12+$0x6200]  }
0x292: {  	v4 =	vld [tilespmem:s12+$0x6210]  }
0x293: {  	v5 =	vld [tilespmem:s12+$0x6220]  }
0x294: {  	v6 =	vld [tilespmem:s12+$0x6230]  }
0x295: {  	[tilespmem:s12+$0x16270] =	vst.add.f32.msk $0xffff, v2  }
0x296: {  	v7 =	vld [tilespmem:s12+$0x6240]  }
0x297: {  	v8 =	vld [tilespmem:s12+$0x6250]  }
0x298: {  	v2 =	vld [tilespmem:s12+$0x6260]  }
0x299: {  	[tilespmem:s12+$0x16200] =	vst.add.f32.msk $0xffff, v3  }
.Ltmp16:
0x29a: {  	[tilespmem:s12+$0x16210] =	vst.add.f32.msk $0xffff, v4;
	(pc) =	sbr.rel @p1 .LBB2_32-.Ltmp16, $4  }
0x29b: {  	[tilespmem:s12+$0x16220] =	vst.add.f32.msk $0xffff, v5  }
0x29c: {  	[tilespmem:s12+$0x16230] =	vst.add.f32.msk $0xffff, v6  }
0x29d: {  	[tilespmem:s12+$0x16240] =	vst.add.f32.msk $0xffff, v7  }
0x29e: {  	s15 =	sadd.s32 $0x1000, s15;
	[tilespmem:s12+$0x16250] =	vst.add.f32.msk $0xffff, v8  }
0x29f: {  	s13 =	sadd.s32 $0x1, s13  }
0x2a0: {  	p1 =	sne.s32 s13, $0x8  }
.Ltmp17:
0x2a1: {  	_ = 	snop;
	(pc) =	sbr.rel @p1 .LBB2_31-.Ltmp17, $2  }
0x2a2: {  	_ =	sdelay $0x2  }
0x2a3: {  	[tilespmem:s12+$0x16260] =	vst.add.f32.msk $0xffff, v2;
	s6 =	sadd.s32 $0x200, s6  }
.Ltmp18:
0x2a4: {  	(pc) =	sbr.rel @p0 .LBB2_36-.Ltmp18, $2  }
0x2a5: {  	_ =	sdelay $0x2  }
0x2a6: {  	s6 =	sadd.s32 s4, s16  }
0x2a7: {  	s8 =	sadd.s32 $0xB, s8  }
0x2a8: {  	s12 =	sshll.u32 s8, $0x3  }
0x2a9: {  	s12 =	sand.u32 $0x3FFFFFF8, s12  }
0x2aa: {  	v2 =	vld.msk [tilespmem:s12+$0x0], $0xff;
	_ =	sdelay $0x4  }
0x2ab: {  	v3 =	vshll.u32 v2, $0x3  }
0x2ac: {  	v2 =	vand.u32 $0x7, v2;
	v3 =	vand.u32 $0xFFFFFFC0, v3  }
0x2ad: {  	v2 =	vor.u32 v2, v3  }
0x2ae: {  	v2 =	vperm.xlane v2, v0;
	_ =	sdelay $0x1  }
0x2af: {  	v2 =	vadd.s32 v1, v2;
	_ =	sdelay $0x3  }
0x2b0: {  	s13 =	simm.s32 $0x6200  }
0x2b1: {  	[tilespmem:s13], [sflag:$0x4] =	stream.indirect_vreg.gather [hbm4b:s3+s5], $0x80, v2, vm0, $0xb8;
	[tilespmem:$0x18200] =	vst v63  }
0x2b2: {  	s14 =	simm.s32 $0x6A00  }
0x2b3: {  	[tilespmem:s14], [sflag:$0x4] =	stream.indirect_vreg.gather [hbm4b:s9+s5], $0x80, v2, vm0, $0xb8;
	[tilespmem:$0x18200] =	vst v63  }
0x2b4: {  	s15 =	simm.s32 $0x7200  }
0x2b5: {  	[tilespmem:s15], [sflag:$0x4] =	stream.indirect_vreg.gather [hbm4b:s10+s5], $0x80, v2, vm0, $0xb8;
	[tilespmem:$0x18200] =	vst v63  }
0x2b6: {  	s16 =	simm.s32 $0x7A00  }
0x2b7: {  	[tilespmem:s16], [sflag:$0x4] =	stream.indirect_vreg.gather [hbm4b:s11+s5], $0x80, v2, vm0, $0xb8;
	[tilespmem:$0x18200] =	vst v63  }
0x2b8: {  	s17 =	simm.s32 $0x16200  }
0x2b9: {  	[hbm4b:s6+s5] =	stream.linear.scatter [tilespmem:s17], [sflag:$0x14], $0x2000, $0x38;
	[tilespmem:$0x18200] =	vst v63  }
.Ltmp19:
0x2ba: {  	_ = 	snop;
	(pc) =	sbr.rel .LBB2_2-.Ltmp19, $4  }
0x2bb: {  	s19 =	sadd.s32 s7, s8;
	_ =	swait.ge [sflag:s1], $0x2000  }
0x2bc: {  	s26 =	simm.s32 $0xE200;
	s6 =	sshll.u32 s19, $0xA;
	[sflag:s1] =	ssyncset.done $0x0  }
0x2bd: {  	s2 =	sadd.s32 $0x1, s2;
	s6 =	sadd.s32 s0, s6;
	[sflag:s1] =	ssyncadd.s32 $0xFFFFE000  }
0x2be: {  	[tilespmem:s26], [sflag:$0x8] =	stream.linear.gather [hbm4b:s6+s5], $0x2000, $0x38;
	[tilespmem:$0x18200] =	vst v63  }
.LBB2_37:
0x2bf: {  	_ =	sfence.sel $0x180000  }
0x2c0: {  	[bflag:$0x0] =	sbarrier.arrive $0xFFFF  }
0x2c1: {  	_ =	strace $0x90000047  }
0x2c2: {  	s0 =	stileid.u32;
	[bflag:$0x2] =	sbarrier.arrive $0xFFFF  }
0x2c3: {  	p0 =	sne.s32 s0, $0x0;
	s0 =	rddreg [dreg:$0x4]  }
0x2c4: {  	s0 =	sadd.s32 @!p0 $0x100000, s0  }
0x2c5: {  	[sflag:s0] =	ssyncadd.tile.s32 @!p0 $0x1;
	_ =	shalt  }
.Lfunc_end2:
_tile_overlayer_lowered:
.L_overlay_start_2:
0x2c6: {  	(tag) =	ssettag $0x2  }
0x2c7: {  	s0 =	rddreg [dreg:$0x0];
	s2 =	stileid.u32  }
0x2c8: {  	s1 =	rddreg [dreg:$0x1];
	p0 =	sne.s32 s2, $0x0  }
0x2c9: {  	s3 =	rddreg [dreg:$0x2];
	[bflag:$0x3] =	sbarrier.arrive $0xFFFF;
	s2 =	simm.s32 @!p0 $0x1C15  }
0x2ca: {  	[timem:s3], [sflag:s2] =	dma.local @!p0 [hbm:s0], s1  }
0x2cb: {  	s0 =	simm.s32 @!p0 $0x15  }
0x2cc: {  	_ =	swait.ge @!p0 [sflag:s0], s1  }
0x2cd: {  	s1 =	ssub.s32 @!p0 $0x0, s1;
	[sflag:s0] =	ssyncset.done @!p0 $0x0  }
0x2ce: {  	[sflag:s0] =	ssyncadd.s32 @!p0 s1  }
0x2cf: {  	[bflag:$0x3] =	sbarrier.arrive $0xFFFF  }
0x2d0: {  	_ =	shalt  }

</sc_bundles>
